<compile_context>
chip_gen: v7x
topology: tpu7x:2x2x1
jax: 0.10.2.dev20260603
libtpu: 0.0.44.dev20260713+nightly
codegen_flags: <defaults>
</compile_context>

<pallas_src>
import functools

import jax
import jax.numpy as jnp
from jax import lax
from jax.experimental import pallas as pl
from jax.experimental.pallas import tpu as pltpu
from jax.experimental.pallas import tpu_sc as plsc

GAMMA = 1e-10
K = 10
NUM_CORES = 2
NUM_SUBCORES = 16
LANES = 16
PHASE_ROWS = (8192, 5120, 3072)
BLOCK_ROWS = 512


def _sc_thresh_kernel(phase_rows, row_len, row_offset):
    nw = NUM_CORES * NUM_SUBCORES
    rows_per_w = phase_rows // nw
    n_chunks = rows_per_w // LANES
    half = row_len // 2

    mesh = plsc.VectorSubcoreMesh(core_axis_name="c", subcore_axis_name="s")

    @functools.partial(
        pl.kernel,
        out_type=jax.ShapeDtypeStruct((nw, n_chunks, LANES), jnp.float32),
        mesh=mesh,
        compiler_params=pltpu.CompilerParams(needs_layout_passes=False),
        scratch_types=[
            pltpu.VMEM((LANES, row_len), jnp.float32),
            pltpu.VMEM((LANES, row_len), jnp.float32),
            pltpu.VMEM((n_chunks, LANES), jnp.float32),
            pltpu.SemaphoreType.DMA,
            pltpu.SemaphoreType.DMA,
        ],
    )
    def body(t_hbm, th_hbm, t0, t1, th_all, mt0, mt1):
        wid = lax.axis_index("s") * NUM_CORES + lax.axis_index("c")
        row0 = row_offset + wid * rows_per_w
        lane = lax.iota(jnp.int32, LANES)

        def start_in(g, t_buf, t_sem):
            r = row0 + g * LANES
            pltpu.make_async_copy(
                t_hbm.at[pl.ds(r, LANES), :], t_buf, t_sem).start()

        def wait_in(g, t_buf, t_sem):
            r = row0 + g * LANES
            pltpu.make_async_copy(
                t_hbm.at[pl.ds(r, LANES), :], t_buf, t_sem).wait()

        def compute(g, t_buf):
            neg_inf = jnp.full((LANES,), -jnp.inf, jnp.float32)

            @pl.loop(0, half, init_carry=(neg_inf,) * (2 * K), unroll=2)
            def p1(i, carry):
                ta = carry[:K]
                tb = carry[K:]
                ia = jnp.full((LANES,), 0, jnp.int32) + i
                xa = plsc.load_gather(t_buf, [lane, ia])
                xb = plsc.load_gather(t_buf, [lane, ia + half])
                na, nb = [], []
                for j in range(K):
                    na.append(jnp.maximum(ta[j], xa))
                    xa = jnp.minimum(ta[j], xa)
                    nb.append(jnp.maximum(tb[j], xb))
                    xb = jnp.minimum(tb[j], xb)
                return tuple(na) + tuple(nb)

            ta = p1[:K]
            tb = p1[K:]
            m = [jnp.maximum(ta[j], tb[K - 1 - j]) for j in range(K)]
            while len(m) > 1:
                m = [jnp.minimum(m[2 * i], m[2 * i + 1])
                     for i in range(len(m) // 2)] + m[len(m) & ~1:]
            th_all[g, :] = m[0]

        start_in(0, t0, mt0)

        @pl.loop(0, n_chunks // 2)
        def outer(p):
            g0 = 2 * p
            start_in(g0 + 1, t1, mt1)
            wait_in(g0, t0, mt0)
            compute(g0, t0)

            @pl.when(p < n_chunks // 2 - 1)
            def _():
                start_in(g0 + 2, t0, mt0)

            wait_in(g0 + 1, t1, mt1)
            compute(g0 + 1, t1)

        pltpu.sync_copy(th_all, th_hbm.at[wid])

    return body


def _tc_loss_phase(pred_s, pred_t, thresh, acc_in, n_rows, row_len,
                   phase_rows, row_offset, is_last):
    br = BLOCK_ROWS
    nb = phase_rows // br
    b0 = row_offset // br

    def body(s_ref, t_ref, th_ref, a_ref, o_ref, acc_ref):
        b = pl.program_id(0)
        s = s_ref[...]
        t = t_ref[...]
        th = th_ref[...].reshape(br, 1)
        s_top = jnp.sum(jnp.where(t >= th, s, 0.0), axis=1, keepdims=True)
        s_all = jnp.sum(s, axis=1, keepdims=True)
        d = s_top * jnp.float32(1.0 / K) - (s_all - s_top) * jnp.float32(
            1.0 / (row_len - K)
        )
        sig = 1.0 / (1.0 + jnp.exp(-d))
        part = jnp.sum(jnp.log(jnp.float32(GAMMA) + sig))

        @pl.when(b == 0)
        def _():
            acc_ref[0] = a_ref[0, 0]

        acc_ref[0] += part

        @pl.when(b == nb - 1)
        def _():
            if is_last:
                o_ref[0, 0] = -acc_ref[0] / n_rows
            else:
                o_ref[0, 0] = acc_ref[0]

    return pl.pallas_call(
        body,
        grid=(nb,),
        in_specs=[
            pl.BlockSpec((br, row_len), lambda b, b0=b0: (b0 + b, 0)),
            pl.BlockSpec((br, row_len), lambda b, b0=b0: (b0 + b, 0)),
            pl.BlockSpec((1, 1, br), lambda b: (b, 0, 0)),
            pl.BlockSpec(memory_space=pltpu.SMEM),
        ],
        out_specs=pl.BlockSpec(memory_space=pltpu.SMEM),
        out_shape=jax.ShapeDtypeStruct((1, 1), jnp.float32),
        scratch_shapes=[pltpu.SMEM((1,), jnp.float32)],
    )(pred_s, pred_t, thresh, acc_in)


def kernel(pred_s, pred_t, k, list_len):
    n_rows, row_len = pred_s.shape
    assert sum(PHASE_ROWS) == n_rows

    acc = jnp.zeros((1, 1), jnp.float32)
    row_offset = 0
    for p, phase_rows in enumerate(PHASE_ROWS):
        sc = _sc_thresh_kernel(phase_rows, row_len, row_offset)
        th = sc(pred_t).reshape(phase_rows // BLOCK_ROWS, 1, BLOCK_ROWS)
        acc = _tc_loss_phase(pred_s, pred_t, th, acc, n_rows, row_len,
                             phase_rows, row_offset,
                             p == len(PHASE_ROWS) - 1)
        row_offset += phase_rows
    return acc[0, 0]

# --- scband reference (transcript-rebuilt; emitter-appended) ---
"""Pipeline reference for scband-top-kloss-42674795053404 (READ-ONLY COPY).

The authoritative reference and input builder live on the scoring server;
editing this copy changes nothing except your own understanding.
"""

import jax, jax.numpy as jnp
import numpy as np

GAMMA = 1e-10

def setup_inputs(seed: int = 0) -> dict:
    key = jax.random.key(seed)
    k1, k2 = jax.random.split(key, 2)
    pred_s = jax.random.normal(k1, (16384, 200), dtype=jnp.float32)
    pred_t = jax.random.normal(k2, (16384, 200), dtype=jnp.float32)
    return {"pred_s": pred_s, "pred_t": pred_t, "k": 10, "list_len": 200}

def reference(pred_s, pred_t, k, list_len):
    LIST_LEN = pred_s.shape[-1]
    K = 10
    pred_s = pred_s.reshape(-1, LIST_LEN)
    pred_t = pred_t.reshape(-1, LIST_LEN)
    # torch.argsort(descending=True) == argsort of negated values (stable enough for random floats)
    idx = jnp.argsort(-pred_t, axis=1)
    sorted_pred_s = jnp.take_along_axis(pred_s, idx, axis=1)
    topk_scores = jnp.mean(sorted_pred_s[:, :K], axis=1)
    no_topk_scores = jnp.mean(sorted_pred_s[:, K:], axis=1)
    loss = -jnp.log(GAMMA + jax.nn.sigmoid(topk_scores - no_topk_scores)).mean()
    loss = loss + jnp.asarray(k - K, dtype=loss.dtype) * 0.0
    loss = loss + jnp.asarray(list_len - LIST_LEN, dtype=loss.dtype) * 0.0
    return loss

if __name__ == "__main__":
    import jax
    _d = setup_inputs()
    print(jax.jit(kernel)(*tuple(_d.values())))

</pallas_src>

<mosaic_0001>
#map = affine_map<(d0, d1) -> (0, 0)>
#map1 = affine_map<(d0, d1) -> (0, 0, 0)>
module attributes {stable_mosaic.version = 14 : i64} {
  func.func @body(%arg0: i32, %arg1: i32, %arg2: memref<16384x200xf32, #tpu.memory_space<hbm>>, %arg3: memref<32x10x16xf32, #tpu.memory_space<hbm>>, %arg4: memref<16x200xf32, #tpu.memory_space<vmem>>, %arg5: memref<16x200xf32, #tpu.memory_space<vmem>>, %arg6: memref<10x16xf32, #tpu.memory_space<vmem>>, %arg7: memref<!tpu.dma_semaphore, #tpu.memory_space<semaphore_mem>>, %arg8: memref<!tpu.dma_semaphore, #tpu.memory_space<semaphore_mem>>) attributes {dimension_semantics = [#tpu.dimension_semantics<core_parallel>, #tpu.dimension_semantics<subcore_parallel>], iteration_bounds = array<i64: 2, 16>, scalar_prefetch = 0 : i64, scratch_operands = 5 : i64, tpu.core_type = #tpu.core_type<sc_vector_subcore>, window_params = [{transform_indices = #map}, {transform_indices = #map1}]} {
    %mul3A = arith.constant 2 : i32
    %mul3A_0 = arith.muli %arg1, %mul3A : i32
    %add3A = arith.addi %mul3A_0, %arg0 : i32
    %mul3A_1 = arith.constant 160 : i32
    %mul3A_2 = arith.muli %add3A, %mul3A_1 : i32
    %add3A_3 = arith.constant 8192 : i32
    %add3A_4 = arith.addi %add3A_3, %mul3A_2 : i32
    %iota3A = tpu.iota {dimensions = array<i32: 0>} : vector<16xi32>
    %add3A_5 = arith.constant 0 : i32
    %add3A_6 = arith.addi %add3A_4, %add3A_5 : i32
    %dma_start3A = arith.constant 0 : i32
    %dma_start3A_7 = tpu.memref_slice %arg2[%add3A_6, %dma_start3A] : memref<16384x200xf32, #tpu.memory_space<hbm>> -> memref<16x200xf32, #tpu.memory_space<hbm>>
    %dma_start3A_8 = arith.constant 0 : i32
    %dma_start3A_9 = tpu.memref_slice %arg2[%add3A_6, %dma_start3A_8] : memref<16384x200xf32, #tpu.memory_space<hbm>> -> memref<16x200xf32, #tpu.memory_space<hbm>>
    tpu.enqueue_dma source(%dma_start3A_9 : memref<16x200xf32, #tpu.memory_space<hbm>>) target(%arg4 : memref<16x200xf32, #tpu.memory_space<vmem>>) target_semaphore(%arg7 : memref<!tpu.dma_semaphore, #tpu.memory_space<semaphore_mem>>)
    %scan3A = arith.constant 0 : i32
    %scan3A_10 = arith.constant 5 : i32
    %scan3A_11 = arith.addi %scan3A, %scan3A_10 : i32
    %scan3A_12 = arith.constant 1 : i32
    scf.for %scan3A_14 = %scan3A to %scan3A_11 step %scan3A_12  : i32 {
      %mul3A_15 = arith.constant 1 : i32
      %mul3A_16 = arith.muli %scan3A_14, %mul3A_15 : i32
      %add3A_17 = arith.constant 0 : i32
      %add3A_18 = arith.addi %add3A_17, %mul3A_16 : i32
      %mul3A_19 = arith.constant 2 : i32
      %mul3A_20 = arith.muli %mul3A_19, %add3A_18 : i32
      %add3A_21 = arith.constant 1 : i32
      %add3A_22 = arith.addi %mul3A_20, %add3A_21 : i32
      %mul3A_23 = arith.constant 16 : i32
      %mul3A_24 = arith.muli %add3A_22, %mul3A_23 : i32
      %add3A_25 = arith.addi %add3A_4, %mul3A_24 : i32
      %dma_start3A_26 = arith.constant 0 : i32
      %dma_start3A_27 = tpu.memref_slice %arg2[%add3A_25, %dma_start3A_26] : memref<16384x200xf32, #tpu.memory_space<hbm>> -> memref<16x200xf32, #tpu.memory_space<hbm>>
      %dma_start3A_28 = arith.constant 0 : i32
      %dma_start3A_29 = tpu.memref_slice %arg2[%add3A_25, %dma_start3A_28] : memref<16384x200xf32, #tpu.memory_space<hbm>> -> memref<16x200xf32, #tpu.memory_space<hbm>>
      tpu.enqueue_dma source(%dma_start3A_29 : memref<16x200xf32, #tpu.memory_space<hbm>>) target(%arg5 : memref<16x200xf32, #tpu.memory_space<vmem>>) target_semaphore(%arg8 : memref<!tpu.dma_semaphore, #tpu.memory_space<semaphore_mem>>)
      %mul3A_30 = arith.constant 16 : i32
      %mul3A_31 = arith.muli %mul3A_20, %mul3A_30 : i32
      %add3A_32 = arith.addi %add3A_4, %mul3A_31 : i32
      %dma_wait3A = arith.constant 0 : i32
      %dma_wait3A_33 = tpu.memref_slice %arg2[%add3A_32, %dma_wait3A] : memref<16384x200xf32, #tpu.memory_space<hbm>> -> memref<16x200xf32, #tpu.memory_space<hbm>>
      %dma_wait3A_34 = arith.constant 0 : i32
      %dma_wait3A_35 = tpu.memref_slice %arg2[%add3A_32, %dma_wait3A_34] : memref<16384x200xf32, #tpu.memory_space<hbm>> -> memref<16x200xf32, #tpu.memory_space<hbm>>
      tpu.wait_dma2 semaphore(%arg7 : memref<!tpu.dma_semaphore, #tpu.memory_space<semaphore_mem>>) src(%dma_wait3A_35 : memref<16x200xf32, #tpu.memory_space<hbm>>) dst(%arg4 : memref<16x200xf32, #tpu.memory_space<vmem>>)
      %broadcast_in_dim3A = arith.constant 0xFF800000 : f32
      %broadcast_in_dim3A_36 = vector.broadcast %broadcast_in_dim3A : f32 to vector<16xf32>
      %scan3A_37 = arith.constant 0 : i32
      %scan3A_38 = arith.constant 100 : i32
      %scan3A_39 = arith.addi %scan3A_37, %scan3A_38 : i32
      %scan3A_40 = arith.constant 2 : i32
      %scan3A_41:20 = scf.for %scan3A_105 = %scan3A_37 to %scan3A_39 step %scan3A_40 iter_args(%scan3A_106 = %broadcast_in_dim3A_36, %scan3A_107 = %broadcast_in_dim3A_36, %scan3A_108 = %broadcast_in_dim3A_36, %scan3A_109 = %broadcast_in_dim3A_36, %scan3A_110 = %broadcast_in_dim3A_36, %scan3A_111 = %broadcast_in_dim3A_36, %scan3A_112 = %broadcast_in_dim3A_36, %scan3A_113 = %broadcast_in_dim3A_36, %scan3A_114 = %broadcast_in_dim3A_36, %scan3A_115 = %broadcast_in_dim3A_36, %scan3A_116 = %broadcast_in_dim3A_36, %scan3A_117 = %broadcast_in_dim3A_36, %scan3A_118 = %broadcast_in_dim3A_36, %scan3A_119 = %broadcast_in_dim3A_36, %scan3A_120 = %broadcast_in_dim3A_36, %scan3A_121 = %broadcast_in_dim3A_36, %scan3A_122 = %broadcast_in_dim3A_36, %scan3A_123 = %broadcast_in_dim3A_36, %scan3A_124 = %broadcast_in_dim3A_36, %scan3A_125 = %broadcast_in_dim3A_36) -> (vector<16xf32>, vector<16xf32>, vector<16xf32>, vector<16xf32>, vector<16xf32>, vector<16xf32>, vector<16xf32>, vector<16xf32>, vector<16xf32>, vector<16xf32>, vector<16xf32>, vector<16xf32>, vector<16xf32>, vector<16xf32>, vector<16xf32>, vector<16xf32>, vector<16xf32>, vector<16xf32>, vector<16xf32>, vector<16xf32>)  : i32 {
        %mul3A_126 = arith.constant 1 : i32
        %mul3A_127 = arith.muli %scan3A_105, %mul3A_126 : i32
        %add3A_128 = arith.constant 0 : i32
        %add3A_129 = arith.addi %add3A_128, %mul3A_127 : i32
        %broadcast_in_dim3A_130 = arith.constant 0 : i32
        %broadcast_in_dim3A_131 = vector.broadcast %broadcast_in_dim3A_130 : i32 to vector<16xi32>
        %add3A_132 = vector.broadcast %add3A_129 : i32 to vector<16xi32>
        %add3A_133 = arith.addi %broadcast_in_dim3A_131, %add3A_132 : vector<16xi32>
        %gather3A = tpu.vector_load_idx %arg4[%iota3A, %add3A_133] : memref<16x200xf32, #tpu.memory_space<vmem>>[vector<16xi32>, vector<16xi32>], vector<16xf32>,
        %add3A_134 = arith.constant 100 : i32
        %add3A_135 = vector.broadcast %add3A_134 : i32 to vector<16xi32>
        %add3A_136 = arith.addi %add3A_133, %add3A_135 : vector<16xi32>
        %gather3A_137 = tpu.vector_load_idx %arg4[%iota3A, %add3A_136] : memref<16x200xf32, #tpu.memory_space<vmem>>[vector<16xi32>, vector<16xi32>], vector<16xf32>,
        %max3A_138 = arith.maximumf %scan3A_106, %gather3A : vector<16xf32>
        %min3A_139 = arith.minimumf %scan3A_106, %gather3A : vector<16xf32>
        %max3A_140 = arith.maximumf %scan3A_116, %gather3A_137 : vector<16xf32>
        %min3A_141 = arith.minimumf %scan3A_116, %gather3A_137 : vector<16xf32>
        %max3A_142 = arith.maximumf %scan3A_107, %min3A_139 : vector<16xf32>
        %min3A_143 = arith.minimumf %scan3A_107, %min3A_139 : vector<16xf32>
        %max3A_144 = arith.maximumf %scan3A_117, %min3A_141 : vector<16xf32>
        %min3A_145 = arith.minimumf %scan3A_117, %min3A_141 : vector<16xf32>
        %max3A_146 = arith.maximumf %scan3A_108, %min3A_143 : vector<16xf32>
        %min3A_147 = arith.minimumf %scan3A_108, %min3A_143 : vector<16xf32>
        %max3A_148 = arith.maximumf %scan3A_118, %min3A_145 : vector<16xf32>
        %min3A_149 = arith.minimumf %scan3A_118, %min3A_145 : vector<16xf32>
        %max3A_150 = arith.maximumf %scan3A_109, %min3A_147 : vector<16xf32>
        %min3A_151 = arith.minimumf %scan3A_109, %min3A_147 : vector<16xf32>
        %max3A_152 = arith.maximumf %scan3A_119, %min3A_149 : vector<16xf32>
        %min3A_153 = arith.minimumf %scan3A_119, %min3A_149 : vector<16xf32>
        %max3A_154 = arith.maximumf %scan3A_110, %min3A_151 : vector<16xf32>
        %min3A_155 = arith.minimumf %scan3A_110, %min3A_151 : vector<16xf32>
        %max3A_156 = arith.maximumf %scan3A_120, %min3A_153 : vector<16xf32>
        %min3A_157 = arith.minimumf %scan3A_120, %min3A_153 : vector<16xf32>
        %max3A_158 = arith.maximumf %scan3A_111, %min3A_155 : vector<16xf32>
        %min3A_159 = arith.minimumf %scan3A_111, %min3A_155 : vector<16xf32>
        %max3A_160 = arith.maximumf %scan3A_121, %min3A_157 : vector<16xf32>
        %min3A_161 = arith.minimumf %scan3A_121, %min3A_157 : vector<16xf32>
        %max3A_162 = arith.maximumf %scan3A_112, %min3A_159 : vector<16xf32>
        %min3A_163 = arith.minimumf %scan3A_112, %min3A_159 : vector<16xf32>
        %max3A_164 = arith.maximumf %scan3A_122, %min3A_161 : vector<16xf32>
        %min3A_165 = arith.minimumf %scan3A_122, %min3A_161 : vector<16xf32>
        %max3A_166 = arith.maximumf %scan3A_113, %min3A_163 : vector<16xf32>
        %min3A_167 = arith.minimumf %scan3A_113, %min3A_163 : vector<16xf32>
        %max3A_168 = arith.maximumf %scan3A_123, %min3A_165 : vector<16xf32>
        %min3A_169 = arith.minimumf %scan3A_123, %min3A_165 : vector<16xf32>
        %max3A_170 = arith.maximumf %scan3A_114, %min3A_167 : vector<16xf32>
        %min3A_171 = arith.minimumf %scan3A_114, %min3A_167 : vector<16xf32>
        %max3A_172 = arith.maximumf %scan3A_124, %min3A_169 : vector<16xf32>
        %min3A_173 = arith.minimumf %scan3A_124, %min3A_169 : vector<16xf32>
        %max3A_174 = arith.maximumf %scan3A_115, %min3A_171 : vector<16xf32>
        %min3A_175 = arith.minimumf %scan3A_115, %min3A_171 : vector<16xf32>
        %max3A_176 = arith.maximumf %scan3A_125, %min3A_173 : vector<16xf32>
        %min3A_177 = arith.minimumf %scan3A_125, %min3A_173 : vector<16xf32>
        %scan3A_178 = arith.constant 1 : i32
        %scan3A_179 = arith.addi %scan3A_105, %scan3A_178 : i32
        %mul3A_180 = arith.constant 1 : i32
        %mul3A_181 = arith.muli %scan3A_179, %mul3A_180 : i32
        %add3A_182 = arith.constant 0 : i32
        %add3A_183 = arith.addi %add3A_182, %mul3A_181 : i32
        %broadcast_in_dim3A_184 = arith.constant 0 : i32
        %broadcast_in_dim3A_185 = vector.broadcast %broadcast_in_dim3A_184 : i32 to vector<16xi32>
        %add3A_186 = vector.broadcast %add3A_183 : i32 to vector<16xi32>
        %add3A_187 = arith.addi %broadcast_in_dim3A_185, %add3A_186 : vector<16xi32>
        %gather3A_188 = tpu.vector_load_idx %arg4[%iota3A, %add3A_187] : memref<16x200xf32, #tpu.memory_space<vmem>>[vector<16xi32>, vector<16xi32>], vector<16xf32>,
        %add3A_189 = arith.constant 100 : i32
        %add3A_190 = vector.broadcast %add3A_189 : i32 to vector<16xi32>
        %add3A_191 = arith.addi %add3A_187, %add3A_190 : vector<16xi32>
        %gather3A_192 = tpu.vector_load_idx %arg4[%iota3A, %add3A_191] : memref<16x200xf32, #tpu.memory_space<vmem>>[vector<16xi32>, vector<16xi32>], vector<16xf32>,
        %max3A_193 = arith.maximumf %max3A_138, %gather3A_188 : vector<16xf32>
        %min3A_194 = arith.minimumf %max3A_138, %gather3A_188 : vector<16xf32>
        %max3A_195 = arith.maximumf %max3A_140, %gather3A_192 : vector<16xf32>
        %min3A_196 = arith.minimumf %max3A_140, %gather3A_192 : vector<16xf32>
        %max3A_197 = arith.maximumf %max3A_142, %min3A_194 : vector<16xf32>
        %min3A_198 = arith.minimumf %max3A_142, %min3A_194 : vector<16xf32>
        %max3A_199 = arith.maximumf %max3A_144, %min3A_196 : vector<16xf32>
        %min3A_200 = arith.minimumf %max3A_144, %min3A_196 : vector<16xf32>
        %max3A_201 = arith.maximumf %max3A_146, %min3A_198 : vector<16xf32>
        %min3A_202 = arith.minimumf %max3A_146, %min3A_198 : vector<16xf32>
        %max3A_203 = arith.maximumf %max3A_148, %min3A_200 : vector<16xf32>
        %min3A_204 = arith.minimumf %max3A_148, %min3A_200 : vector<16xf32>
        %max3A_205 = arith.maximumf %max3A_150, %min3A_202 : vector<16xf32>
        %min3A_206 = arith.minimumf %max3A_150, %min3A_202 : vector<16xf32>
        %max3A_207 = arith.maximumf %max3A_152, %min3A_204 : vector<16xf32>
        %min3A_208 = arith.minimumf %max3A_152, %min3A_204 : vector<16xf32>
        %max3A_209 = arith.maximumf %max3A_154, %min3A_206 : vector<16xf32>
        %min3A_210 = arith.minimumf %max3A_154, %min3A_206 : vector<16xf32>
        %max3A_211 = arith.maximumf %max3A_156, %min3A_208 : vector<16xf32>
        %min3A_212 = arith.minimumf %max3A_156, %min3A_208 : vector<16xf32>
        %max3A_213 = arith.maximumf %max3A_158, %min3A_210 : vector<16xf32>
        %min3A_214 = arith.minimumf %max3A_158, %min3A_210 : vector<16xf32>
        %max3A_215 = arith.maximumf %max3A_160, %min3A_212 : vector<16xf32>
        %min3A_216 = arith.minimumf %max3A_160, %min3A_212 : vector<16xf32>
        %max3A_217 = arith.maximumf %max3A_162, %min3A_214 : vector<16xf32>
        %min3A_218 = arith.minimumf %max3A_162, %min3A_214 : vector<16xf32>
        %max3A_219 = arith.maximumf %max3A_164, %min3A_216 : vector<16xf32>
        %min3A_220 = arith.minimumf %max3A_164, %min3A_216 : vector<16xf32>
        %max3A_221 = arith.maximumf %max3A_166, %min3A_218 : vector<16xf32>
        %min3A_222 = arith.minimumf %max3A_166, %min3A_218 : vector<16xf32>
        %max3A_223 = arith.maximumf %max3A_168, %min3A_220 : vector<16xf32>
        %min3A_224 = arith.minimumf %max3A_168, %min3A_220 : vector<16xf32>
        %max3A_225 = arith.maximumf %max3A_170, %min3A_222 : vector<16xf32>
        %min3A_226 = arith.minimumf %max3A_170, %min3A_222 : vector<16xf32>
        %max3A_227 = arith.maximumf %max3A_172, %min3A_224 : vector<16xf32>
        %min3A_228 = arith.minimumf %max3A_172, %min3A_224 : vector<16xf32>
        %max3A_229 = arith.maximumf %max3A_174, %min3A_226 : vector<16xf32>
        %min3A_230 = arith.minimumf %max3A_174, %min3A_226 : vector<16xf32>
        %max3A_231 = arith.maximumf %max3A_176, %min3A_228 : vector<16xf32>
        %min3A_232 = arith.minimumf %max3A_176, %min3A_228 : vector<16xf32>
        scf.yield %max3A_193, %max3A_197, %max3A_201, %max3A_205, %max3A_209, %max3A_213, %max3A_217, %max3A_221, %max3A_225, %max3A_229, %max3A_195, %max3A_199, %max3A_203, %max3A_207, %max3A_211, %max3A_215, %max3A_219, %max3A_223, %max3A_227, %max3A_231 : vector<16xf32>, vector<16xf32>, vector<16xf32>, vector<16xf32>, vector<16xf32>, vector<16xf32>, vector<16xf32>, vector<16xf32>, vector<16xf32>, vector<16xf32>, vector<16xf32>, vector<16xf32>, vector<16xf32>, vector<16xf32>, vector<16xf32>, vector<16xf32>, vector<16xf32>, vector<16xf32>, vector<16xf32>, vector<16xf32>
      }
      %scan3A_42 = arith.constant 100 : i32
      %max3A = arith.maximumf %scan3A_41#0, %scan3A_41#19 : vector<16xf32>
      %max3A_43 = arith.maximumf %scan3A_41#1, %scan3A_41#18 : vector<16xf32>
      %max3A_44 = arith.maximumf %scan3A_41#2, %scan3A_41#17 : vector<16xf32>
      %max3A_45 = arith.maximumf %scan3A_41#3, %scan3A_41#16 : vector<16xf32>
      %max3A_46 = arith.maximumf %scan3A_41#4, %scan3A_41#15 : vector<16xf32>
      %max3A_47 = arith.maximumf %scan3A_41#5, %scan3A_41#14 : vector<16xf32>
      %max3A_48 = arith.maximumf %scan3A_41#6, %scan3A_41#13 : vector<16xf32>
      %max3A_49 = arith.maximumf %scan3A_41#7, %scan3A_41#12 : vector<16xf32>
      %max3A_50 = arith.maximumf %scan3A_41#8, %scan3A_41#11 : vector<16xf32>
      %max3A_51 = arith.maximumf %scan3A_41#9, %scan3A_41#10 : vector<16xf32>
      %min3A = arith.minimumf %max3A, %max3A_43 : vector<16xf32>
      %min3A_52 = arith.minimumf %max3A_44, %max3A_45 : vector<16xf32>
      %min3A_53 = arith.minimumf %max3A_46, %max3A_47 : vector<16xf32>
      %min3A_54 = arith.minimumf %max3A_48, %max3A_49 : vector<16xf32>
      %min3A_55 = arith.minimumf %max3A_50, %max3A_51 : vector<16xf32>
      %min3A_56 = arith.minimumf %min3A, %min3A_52 : vector<16xf32>
      %min3A_57 = arith.minimumf %min3A_53, %min3A_54 : vector<16xf32>
      %min3A_58 = arith.minimumf %min3A_56, %min3A_57 : vector<16xf32>
      %min3A_59 = arith.minimumf %min3A_58, %min3A_55 : vector<16xf32>
      %swap3A = arith.index_cast %mul3A_20 : i32 to index
      %swap3A_60 = arith.constant 0 : index
      %swap3A_61 = tpu.vector_load %arg6[%swap3A, %swap3A_60] {strides = array<i32>} : memref<10x16xf32, #tpu.memory_space<vmem>>, vector<16xf32>,
      tpu.vector_store %arg6[%swap3A, %swap3A_60], %min3A_59 {strides = array<i32>} : memref<10x16xf32, #tpu.memory_space<vmem>>, vector<16xf32>,
      %lt3A = arith.constant 4 : i32
      %lt3A_62 = arith.cmpi slt, %add3A_18, %lt3A : i32
      %convert_element_type3A = arith.extui %lt3A_62 : i1 to i32
      %cond3A = arith.constant 0 : i32
      %cond3A_63 = arith.cmpi ne, %convert_element_type3A, %cond3A : i32
      scf.if %cond3A_63 {
        %add3A_105 = arith.constant 2 : i32
        %add3A_106 = arith.addi %mul3A_20, %add3A_105 : i32
        %mul3A_107 = arith.constant 16 : i32
        %mul3A_108 = arith.muli %add3A_106, %mul3A_107 : i32
        %add3A_109 = arith.addi %add3A_4, %mul3A_108 : i32
        %dma_start3A_110 = arith.constant 0 : i32
        %dma_start3A_111 = tpu.memref_slice %arg2[%add3A_109, %dma_start3A_110] : memref<16384x200xf32, #tpu.memory_space<hbm>> -> memref<16x200xf32, #tpu.memory_space<hbm>>
        %dma_start3A_112 = arith.constant 0 : i32
        %dma_start3A_113 = tpu.memref_slice %arg2[%add3A_109, %dma_start3A_112] : memref<16384x200xf32, #tpu.memory_space<hbm>> -> memref<16x200xf32, #tpu.memory_space<hbm>>
        tpu.enqueue_dma source(%dma_start3A_113 : memref<16x200xf32, #tpu.memory_space<hbm>>) target(%arg4 : memref<16x200xf32, #tpu.memory_space<vmem>>) target_semaphore(%arg7 : memref<!tpu.dma_semaphore, #tpu.memory_space<semaphore_mem>>)
      } else {
      }
      %add3A_64 = arith.constant 1 : i32
      %add3A_65 = arith.addi %mul3A_20, %add3A_64 : i32
      %mul3A_66 = arith.constant 16 : i32
      %mul3A_67 = arith.muli %add3A_65, %mul3A_66 : i32
      %add3A_68 = arith.addi %add3A_4, %mul3A_67 : i32
      %dma_wait3A_69 = arith.constant 0 : i32
      %dma_wait3A_70 = tpu.memref_slice %arg2[%add3A_68, %dma_wait3A_69] : memref<16384x200xf32, #tpu.memory_space<hbm>> -> memref<16x200xf32, #tpu.memory_space<hbm>>
      %dma_wait3A_71 = arith.constant 0 : i32
      %dma_wait3A_72 = tpu.memref_slice %arg2[%add3A_68, %dma_wait3A_71] : memref<16384x200xf32, #tpu.memory_space<hbm>> -> memref<16x200xf32, #tpu.memory_space<hbm>>
      tpu.wait_dma2 semaphore(%arg8 : memref<!tpu.dma_semaphore, #tpu.memory_space<semaphore_mem>>) src(%dma_wait3A_72 : memref<16x200xf32, #tpu.memory_space<hbm>>) dst(%arg5 : memref<16x200xf32, #tpu.memory_space<vmem>>)
      %add3A_73 = arith.constant 1 : i32
      %add3A_74 = arith.addi %mul3A_20, %add3A_73 : i32
      %broadcast_in_dim3A_75 = arith.constant 0xFF800000 : f32
      %broadcast_in_dim3A_76 = vector.broadcast %broadcast_in_dim3A_75 : f32 to vector<16xf32>
      %scan3A_77 = arith.constant 0 : i32
      %scan3A_78 = arith.constant 100 : i32
      %scan3A_79 = arith.addi %scan3A_77, %scan3A_78 : i32
      %scan3A_80 = arith.constant 2 : i32
      %scan3A_81:20 = scf.for %scan3A_105 = %scan3A_77 to %scan3A_79 step %scan3A_80 iter_args(%scan3A_106 = %broadcast_in_dim3A_76, %scan3A_107 = %broadcast_in_dim3A_76, %scan3A_108 = %broadcast_in_dim3A_76, %scan3A_109 = %broadcast_in_dim3A_76, %scan3A_110 = %broadcast_in_dim3A_76, %scan3A_111 = %broadcast_in_dim3A_76, %scan3A_112 = %broadcast_in_dim3A_76, %scan3A_113 = %broadcast_in_dim3A_76, %scan3A_114 = %broadcast_in_dim3A_76, %scan3A_115 = %broadcast_in_dim3A_76, %scan3A_116 = %broadcast_in_dim3A_76, %scan3A_117 = %broadcast_in_dim3A_76, %scan3A_118 = %broadcast_in_dim3A_76, %scan3A_119 = %broadcast_in_dim3A_76, %scan3A_120 = %broadcast_in_dim3A_76, %scan3A_121 = %broadcast_in_dim3A_76, %scan3A_122 = %broadcast_in_dim3A_76, %scan3A_123 = %broadcast_in_dim3A_76, %scan3A_124 = %broadcast_in_dim3A_76, %scan3A_125 = %broadcast_in_dim3A_76) -> (vector<16xf32>, vector<16xf32>, vector<16xf32>, vector<16xf32>, vector<16xf32>, vector<16xf32>, vector<16xf32>, vector<16xf32>, vector<16xf32>, vector<16xf32>, vector<16xf32>, vector<16xf32>, vector<16xf32>, vector<16xf32>, vector<16xf32>, vector<16xf32>, vector<16xf32>, vector<16xf32>, vector<16xf32>, vector<16xf32>)  : i32 {
        %mul3A_126 = arith.constant 1 : i32
        %mul3A_127 = arith.muli %scan3A_105, %mul3A_126 : i32
        %add3A_128 = arith.constant 0 : i32
        %add3A_129 = arith.addi %add3A_128, %mul3A_127 : i32
        %broadcast_in_dim3A_130 = arith.constant 0 : i32
        %broadcast_in_dim3A_131 = vector.broadcast %broadcast_in_dim3A_130 : i32 to vector<16xi32>
        %add3A_132 = vector.broadcast %add3A_129 : i32 to vector<16xi32>
        %add3A_133 = arith.addi %broadcast_in_dim3A_131, %add3A_132 : vector<16xi32>
        %gather3A = tpu.vector_load_idx %arg5[%iota3A, %add3A_133] : memref<16x200xf32, #tpu.memory_space<vmem>>[vector<16xi32>, vector<16xi32>], vector<16xf32>,
        %add3A_134 = arith.constant 100 : i32
        %add3A_135 = vector.broadcast %add3A_134 : i32 to vector<16xi32>
        %add3A_136 = arith.addi %add3A_133, %add3A_135 : vector<16xi32>
        %gather3A_137 = tpu.vector_load_idx %arg5[%iota3A, %add3A_136] : memref<16x200xf32, #tpu.memory_space<vmem>>[vector<16xi32>, vector<16xi32>], vector<16xf32>,
        %max3A_138 = arith.maximumf %scan3A_106, %gather3A : vector<16xf32>
        %min3A_139 = arith.minimumf %scan3A_106, %gather3A : vector<16xf32>
        %max3A_140 = arith.maximumf %scan3A_116, %gather3A_137 : vector<16xf32>
        %min3A_141 = arith.minimumf %scan3A_116, %gather3A_137 : vector<16xf32>
        %max3A_142 = arith.maximumf %scan3A_107, %min3A_139 : vector<16xf32>
        %min3A_143 = arith.minimumf %scan3A_107, %min3A_139 : vector<16xf32>
        %max3A_144 = arith.maximumf %scan3A_117, %min3A_141 : vector<16xf32>
        %min3A_145 = arith.minimumf %scan3A_117, %min3A_141 : vector<16xf32>
        %max3A_146 = arith.maximumf %scan3A_108, %min3A_143 : vector<16xf32>
        %min3A_147 = arith.minimumf %scan3A_108, %min3A_143 : vector<16xf32>
        %max3A_148 = arith.maximumf %scan3A_118, %min3A_145 : vector<16xf32>
        %min3A_149 = arith.minimumf %scan3A_118, %min3A_145 : vector<16xf32>
        %max3A_150 = arith.maximumf %scan3A_109, %min3A_147 : vector<16xf32>
        %min3A_151 = arith.minimumf %scan3A_109, %min3A_147 : vector<16xf32>
        %max3A_152 = arith.maximumf %scan3A_119, %min3A_149 : vector<16xf32>
        %min3A_153 = arith.minimumf %scan3A_119, %min3A_149 : vector<16xf32>
        %max3A_154 = arith.maximumf %scan3A_110, %min3A_151 : vector<16xf32>
        %min3A_155 = arith.minimumf %scan3A_110, %min3A_151 : vector<16xf32>
        %max3A_156 = arith.maximumf %scan3A_120, %min3A_153 : vector<16xf32>
        %min3A_157 = arith.minimumf %scan3A_120, %min3A_153 : vector<16xf32>
        %max3A_158 = arith.maximumf %scan3A_111, %min3A_155 : vector<16xf32>
        %min3A_159 = arith.minimumf %scan3A_111, %min3A_155 : vector<16xf32>
        %max3A_160 = arith.maximumf %scan3A_121, %min3A_157 : vector<16xf32>
        %min3A_161 = arith.minimumf %scan3A_121, %min3A_157 : vector<16xf32>
        %max3A_162 = arith.maximumf %scan3A_112, %min3A_159 : vector<16xf32>
        %min3A_163 = arith.minimumf %scan3A_112, %min3A_159 : vector<16xf32>
        %max3A_164 = arith.maximumf %scan3A_122, %min3A_161 : vector<16xf32>
        %min3A_165 = arith.minimumf %scan3A_122, %min3A_161 : vector<16xf32>
        %max3A_166 = arith.maximumf %scan3A_113, %min3A_163 : vector<16xf32>
        %min3A_167 = arith.minimumf %scan3A_113, %min3A_163 : vector<16xf32>
        %max3A_168 = arith.maximumf %scan3A_123, %min3A_165 : vector<16xf32>
        %min3A_169 = arith.minimumf %scan3A_123, %min3A_165 : vector<16xf32>
        %max3A_170 = arith.maximumf %scan3A_114, %min3A_167 : vector<16xf32>
        %min3A_171 = arith.minimumf %scan3A_114, %min3A_167 : vector<16xf32>
        %max3A_172 = arith.maximumf %scan3A_124, %min3A_169 : vector<16xf32>
        %min3A_173 = arith.minimumf %scan3A_124, %min3A_169 : vector<16xf32>
        %max3A_174 = arith.maximumf %scan3A_115, %min3A_171 : vector<16xf32>
        %min3A_175 = arith.minimumf %scan3A_115, %min3A_171 : vector<16xf32>
        %max3A_176 = arith.maximumf %scan3A_125, %min3A_173 : vector<16xf32>
        %min3A_177 = arith.minimumf %scan3A_125, %min3A_173 : vector<16xf32>
        %scan3A_178 = arith.constant 1 : i32
        %scan3A_179 = arith.addi %scan3A_105, %scan3A_178 : i32
        %mul3A_180 = arith.constant 1 : i32
        %mul3A_181 = arith.muli %scan3A_179, %mul3A_180 : i32
        %add3A_182 = arith.constant 0 : i32
        %add3A_183 = arith.addi %add3A_182, %mul3A_181 : i32
        %broadcast_in_dim3A_184 = arith.constant 0 : i32
        %broadcast_in_dim3A_185 = vector.broadcast %broadcast_in_dim3A_184 : i32 to vector<16xi32>
        %add3A_186 = vector.broadcast %add3A_183 : i32 to vector<16xi32>
        %add3A_187 = arith.addi %broadcast_in_dim3A_185, %add3A_186 : vector<16xi32>
        %gather3A_188 = tpu.vector_load_idx %arg5[%iota3A, %add3A_187] : memref<16x200xf32, #tpu.memory_space<vmem>>[vector<16xi32>, vector<16xi32>], vector<16xf32>,
        %add3A_189 = arith.constant 100 : i32
        %add3A_190 = vector.broadcast %add3A_189 : i32 to vector<16xi32>
        %add3A_191 = arith.addi %add3A_187, %add3A_190 : vector<16xi32>
        %gather3A_192 = tpu.vector_load_idx %arg5[%iota3A, %add3A_191] : memref<16x200xf32, #tpu.memory_space<vmem>>[vector<16xi32>, vector<16xi32>], vector<16xf32>,
        %max3A_193 = arith.maximumf %max3A_138, %gather3A_188 : vector<16xf32>
        %min3A_194 = arith.minimumf %max3A_138, %gather3A_188 : vector<16xf32>
        %max3A_195 = arith.maximumf %max3A_140, %gather3A_192 : vector<16xf32>
        %min3A_196 = arith.minimumf %max3A_140, %gather3A_192 : vector<16xf32>
        %max3A_197 = arith.maximumf %max3A_142, %min3A_194 : vector<16xf32>
        %min3A_198 = arith.minimumf %max3A_142, %min3A_194 : vector<16xf32>
        %max3A_199 = arith.maximumf %max3A_144, %min3A_196 : vector<16xf32>
        %min3A_200 = arith.minimumf %max3A_144, %min3A_196 : vector<16xf32>
        %max3A_201 = arith.maximumf %max3A_146, %min3A_198 : vector<16xf32>
        %min3A_202 = arith.minimumf %max3A_146, %min3A_198 : vector<16xf32>
        %max3A_203 = arith.maximumf %max3A_148, %min3A_200 : vector<16xf32>
        %min3A_204 = arith.minimumf %max3A_148, %min3A_200 : vector<16xf32>
        %max3A_205 = arith.maximumf %max3A_150, %min3A_202 : vector<16xf32>
        %min3A_206 = arith.minimumf %max3A_150, %min3A_202 : vector<16xf32>
        %max3A_207 = arith.maximumf %max3A_152, %min3A_204 : vector<16xf32>
        %min3A_208 = arith.minimumf %max3A_152, %min3A_204 : vector<16xf32>
        %max3A_209 = arith.maximumf %max3A_154, %min3A_206 : vector<16xf32>
        %min3A_210 = arith.minimumf %max3A_154, %min3A_206 : vector<16xf32>
        %max3A_211 = arith.maximumf %max3A_156, %min3A_208 : vector<16xf32>
        %min3A_212 = arith.minimumf %max3A_156, %min3A_208 : vector<16xf32>
        %max3A_213 = arith.maximumf %max3A_158, %min3A_210 : vector<16xf32>
        %min3A_214 = arith.minimumf %max3A_158, %min3A_210 : vector<16xf32>
        %max3A_215 = arith.maximumf %max3A_160, %min3A_212 : vector<16xf32>
        %min3A_216 = arith.minimumf %max3A_160, %min3A_212 : vector<16xf32>
        %max3A_217 = arith.maximumf %max3A_162, %min3A_214 : vector<16xf32>
        %min3A_218 = arith.minimumf %max3A_162, %min3A_214 : vector<16xf32>
        %max3A_219 = arith.maximumf %max3A_164, %min3A_216 : vector<16xf32>
        %min3A_220 = arith.minimumf %max3A_164, %min3A_216 : vector<16xf32>
        %max3A_221 = arith.maximumf %max3A_166, %min3A_218 : vector<16xf32>
        %min3A_222 = arith.minimumf %max3A_166, %min3A_218 : vector<16xf32>
        %max3A_223 = arith.maximumf %max3A_168, %min3A_220 : vector<16xf32>
        %min3A_224 = arith.minimumf %max3A_168, %min3A_220 : vector<16xf32>
        %max3A_225 = arith.maximumf %max3A_170, %min3A_222 : vector<16xf32>
        %min3A_226 = arith.minimumf %max3A_170, %min3A_222 : vector<16xf32>
        %max3A_227 = arith.maximumf %max3A_172, %min3A_224 : vector<16xf32>
        %min3A_228 = arith.minimumf %max3A_172, %min3A_224 : vector<16xf32>
        %max3A_229 = arith.maximumf %max3A_174, %min3A_226 : vector<16xf32>
        %min3A_230 = arith.minimumf %max3A_174, %min3A_226 : vector<16xf32>
        %max3A_231 = arith.maximumf %max3A_176, %min3A_228 : vector<16xf32>
        %min3A_232 = arith.minimumf %max3A_176, %min3A_228 : vector<16xf32>
        scf.yield %max3A_193, %max3A_197, %max3A_201, %max3A_205, %max3A_209, %max3A_213, %max3A_217, %max3A_221, %max3A_225, %max3A_229, %max3A_195, %max3A_199, %max3A_203, %max3A_207, %max3A_211, %max3A_215, %max3A_219, %max3A_223, %max3A_227, %max3A_231 : vector<16xf32>, vector<16xf32>, vector<16xf32>, vector<16xf32>, vector<16xf32>, vector<16xf32>, vector<16xf32>, vector<16xf32>, vector<16xf32>, vector<16xf32>, vector<16xf32>, vector<16xf32>, vector<16xf32>, vector<16xf32>, vector<16xf32>, vector<16xf32>, vector<16xf32>, vector<16xf32>, vector<16xf32>, vector<16xf32>
      }
      %scan3A_82 = arith.constant 100 : i32
      %max3A_83 = arith.maximumf %scan3A_81#0, %scan3A_81#19 : vector<16xf32>
      %max3A_84 = arith.maximumf %scan3A_81#1, %scan3A_81#18 : vector<16xf32>
      %max3A_85 = arith.maximumf %scan3A_81#2, %scan3A_81#17 : vector<16xf32>
      %max3A_86 = arith.maximumf %scan3A_81#3, %scan3A_81#16 : vector<16xf32>
      %max3A_87 = arith.maximumf %scan3A_81#4, %scan3A_81#15 : vector<16xf32>
      %max3A_88 = arith.maximumf %scan3A_81#5, %scan3A_81#14 : vector<16xf32>
      %max3A_89 = arith.maximumf %scan3A_81#6, %scan3A_81#13 : vector<16xf32>
      %max3A_90 = arith.maximumf %scan3A_81#7, %scan3A_81#12 : vector<16xf32>
      %max3A_91 = arith.maximumf %scan3A_81#8, %scan3A_81#11 : vector<16xf32>
      %max3A_92 = arith.maximumf %scan3A_81#9, %scan3A_81#10 : vector<16xf32>
      %min3A_93 = arith.minimumf %max3A_83, %max3A_84 : vector<16xf32>
      %min3A_94 = arith.minimumf %max3A_85, %max3A_86 : vector<16xf32>
      %min3A_95 = arith.minimumf %max3A_87, %max3A_88 : vector<16xf32>
      %min3A_96 = arith.minimumf %max3A_89, %max3A_90 : vector<16xf32>
      %min3A_97 = arith.minimumf %max3A_91, %max3A_92 : vector<16xf32>
      %min3A_98 = arith.minimumf %min3A_93, %min3A_94 : vector<16xf32>
      %min3A_99 = arith.minimumf %min3A_95, %min3A_96 : vector<16xf32>
      %min3A_100 = arith.minimumf %min3A_98, %min3A_99 : vector<16xf32>
      %min3A_101 = arith.minimumf %min3A_100, %min3A_97 : vector<16xf32>
      %swap3A_102 = arith.index_cast %add3A_74 : i32 to index
      %swap3A_103 = arith.constant 0 : index
      %swap3A_104 = tpu.vector_load %arg6[%swap3A_102, %swap3A_103] {strides = array<i32>} : memref<10x16xf32, #tpu.memory_space<vmem>>, vector<16xf32>,
      tpu.vector_store %arg6[%swap3A_102, %swap3A_103], %min3A_101 {strides = array<i32>} : memref<10x16xf32, #tpu.memory_space<vmem>>, vector<16xf32>,
    }
    %scan3A_13 = arith.constant 5 : i32
    "tpu.region"() ({
      %run_scoped3A = tpu.sem_alloc : memref<!tpu.dma_semaphore, #tpu.memory_space<semaphore_mem>>
      %dma_start3A_14 = arith.constant 0 : i32
      %dma_start3A_15 = arith.constant 0 : i32
      %dma_start3A_16 = tpu.memref_slice %arg3[%add3A, %dma_start3A_14, %dma_start3A_15] : memref<32x10x16xf32, #tpu.memory_space<hbm>> -> memref<1x10x16xf32, #tpu.memory_space<hbm>>
      %dma_start3A_17 = tpu.memref_squeeze %dma_start3A_16 : memref<1x10x16xf32, #tpu.memory_space<hbm>> -> memref<10x16xf32, #tpu.memory_space<hbm>>
      %dma_start3A_18 = arith.constant 0 : i32
      %dma_start3A_19 = arith.constant 0 : i32
      %dma_start3A_20 = tpu.memref_slice %arg3[%add3A, %dma_start3A_18, %dma_start3A_19] : memref<32x10x16xf32, #tpu.memory_space<hbm>> -> memref<1x10x16xf32, #tpu.memory_space<hbm>>
      %dma_start3A_21 = tpu.memref_squeeze %dma_start3A_20 : memref<1x10x16xf32, #tpu.memory_space<hbm>> -> memref<10x16xf32, #tpu.memory_space<hbm>>
      tpu.enqueue_dma source(%arg6 : memref<10x16xf32, #tpu.memory_space<vmem>>) target(%dma_start3A_21 : memref<10x16xf32, #tpu.memory_space<hbm>>) target_semaphore(%run_scoped3A : memref<!tpu.dma_semaphore, #tpu.memory_space<semaphore_mem>>)
      %dma_wait3A = arith.constant 0 : i32
      %dma_wait3A_22 = arith.constant 0 : i32
      %dma_wait3A_23 = tpu.memref_slice %arg3[%add3A, %dma_wait3A, %dma_wait3A_22] : memref<32x10x16xf32, #tpu.memory_space<hbm>> -> memref<1x10x16xf32, #tpu.memory_space<hbm>>
      %dma_wait3A_24 = tpu.memref_squeeze %dma_wait3A_23 : memref<1x10x16xf32, #tpu.memory_space<hbm>> -> memref<10x16xf32, #tpu.memory_space<hbm>>
      %dma_wait3A_25 = arith.constant 0 : i32
      %dma_wait3A_26 = arith.constant 0 : i32
      %dma_wait3A_27 = tpu.memref_slice %arg3[%add3A, %dma_wait3A_25, %dma_wait3A_26] : memref<32x10x16xf32, #tpu.memory_space<hbm>> -> memref<1x10x16xf32, #tpu.memory_space<hbm>>
      %dma_wait3A_28 = tpu.memref_squeeze %dma_wait3A_27 : memref<1x10x16xf32, #tpu.memory_space<hbm>> -> memref<10x16xf32, #tpu.memory_space<hbm>>
      tpu.wait_dma2 semaphore(%run_scoped3A : memref<!tpu.dma_semaphore, #tpu.memory_space<semaphore_mem>>) src(%arg6 : memref<10x16xf32, #tpu.memory_space<vmem>>) dst(%dma_wait3A_28 : memref<10x16xf32, #tpu.memory_space<hbm>>)
      tpu.yield
    }) : () -> ()
    return
  }
}

#map = affine_map<(d0, d1) -> (0, 0)>
#map1 = affine_map<(d0, d1) -> (0, 0, 0)>
module attributes {stable_mosaic.version = 14 : i64} {
  func.func @body(%arg0: i32, %arg1: i32, %arg2: memref<16384x200xf32, #tpu.memory_space<hbm>>, %arg3: memref<32x16x16xf32, #tpu.memory_space<hbm>>, %arg4: memref<16x200xf32, #tpu.memory_space<vmem>>, %arg5: memref<16x200xf32, #tpu.memory_space<vmem>>, %arg6: memref<16x16xf32, #tpu.memory_space<vmem>>, %arg7: memref<!tpu.dma_semaphore, #tpu.memory_space<semaphore_mem>>, %arg8: memref<!tpu.dma_semaphore, #tpu.memory_space<semaphore_mem>>) attributes {dimension_semantics = [#tpu.dimension_semantics<core_parallel>, #tpu.dimension_semantics<subcore_parallel>], iteration_bounds = array<i64: 2, 16>, scalar_prefetch = 0 : i64, scratch_operands = 5 : i64, tpu.core_type = #tpu.core_type<sc_vector_subcore>, window_params = [{transform_indices = #map}, {transform_indices = #map1}]} {
    %mul3A = arith.constant 2 : i32
    %mul3A_0 = arith.muli %arg1, %mul3A : i32
    %add3A = arith.addi %mul3A_0, %arg0 : i32
    %mul3A_1 = arith.constant 256 : i32
    %mul3A_2 = arith.muli %add3A, %mul3A_1 : i32
    %add3A_3 = arith.constant 0 : i32
    %add3A_4 = arith.addi %add3A_3, %mul3A_2 : i32
    %iota3A = tpu.iota {dimensions = array<i32: 0>} : vector<16xi32>
    %add3A_5 = arith.constant 0 : i32
    %add3A_6 = arith.addi %add3A_4, %add3A_5 : i32
    %dma_start3A = arith.constant 0 : i32
    %dma_start3A_7 = tpu.memref_slice %arg2[%add3A_6, %dma_start3A] : memref<16384x200xf32, #tpu.memory_space<hbm>> -> memref<16x200xf32, #tpu.memory_space<hbm>>
    %dma_start3A_8 = arith.constant 0 : i32
    %dma_start3A_9 = tpu.memref_slice %arg2[%add3A_6, %dma_start3A_8] : memref<16384x200xf32, #tpu.memory_space<hbm>> -> memref<16x200xf32, #tpu.memory_space<hbm>>
    tpu.enqueue_dma source(%dma_start3A_9 : memref<16x200xf32, #tpu.memory_space<hbm>>) target(%arg4 : memref<16x200xf32, #tpu.memory_space<vmem>>) target_semaphore(%arg7 : memref<!tpu.dma_semaphore, #tpu.memory_space<semaphore_mem>>)
    %scan3A = arith.constant 0 : i32
    %scan3A_10 = arith.constant 8 : i32
    %scan3A_11 = arith.addi %scan3A, %scan3A_10 : i32
    %scan3A_12 = arith.constant 1 : i32
    scf.for %scan3A_14 = %scan3A to %scan3A_11 step %scan3A_12  : i32 {
      %mul3A_15 = arith.constant 1 : i32
      %mul3A_16 = arith.muli %scan3A_14, %mul3A_15 : i32
      %add3A_17 = arith.constant 0 : i32
      %add3A_18 = arith.addi %add3A_17, %mul3A_16 : i32
      %mul3A_19 = arith.constant 2 : i32
      %mul3A_20 = arith.muli %mul3A_19, %add3A_18 : i32
      %add3A_21 = arith.constant 1 : i32
      %add3A_22 = arith.addi %mul3A_20, %add3A_21 : i32
      %mul3A_23 = arith.constant 16 : i32
      %mul3A_24 = arith.muli %add3A_22, %mul3A_23 : i32
      %add3A_25 = arith.addi %add3A_4, %mul3A_24 : i32
      %dma_start3A_26 = arith.constant 0 : i32
      %dma_start3A_27 = tpu.memref_slice %arg2[%add3A_25, %dma_start3A_26] : memref<16384x200xf32, #tpu.memory_space<hbm>> -> memref<16x200xf32, #tpu.memory_space<hbm>>
      %dma_start3A_28 = arith.constant 0 : i32
      %dma_start3A_29 = tpu.memref_slice %arg2[%add3A_25, %dma_start3A_28] : memref<16384x200xf32, #tpu.memory_space<hbm>> -> memref<16x200xf32, #tpu.memory_space<hbm>>
      tpu.enqueue_dma source(%dma_start3A_29 : memref<16x200xf32, #tpu.memory_space<hbm>>) target(%arg5 : memref<16x200xf32, #tpu.memory_space<vmem>>) target_semaphore(%arg8 : memref<!tpu.dma_semaphore, #tpu.memory_space<semaphore_mem>>)
      %mul3A_30 = arith.constant 16 : i32
      %mul3A_31 = arith.muli %mul3A_20, %mul3A_30 : i32
      %add3A_32 = arith.addi %add3A_4, %mul3A_31 : i32
      %dma_wait3A = arith.constant 0 : i32
      %dma_wait3A_33 = tpu.memref_slice %arg2[%add3A_32, %dma_wait3A] : memref<16384x200xf32, #tpu.memory_space<hbm>> -> memref<16x200xf32, #tpu.memory_space<hbm>>
      %dma_wait3A_34 = arith.constant 0 : i32
      %dma_wait3A_35 = tpu.memref_slice %arg2[%add3A_32, %dma_wait3A_34] : memref<16384x200xf32, #tpu.memory_space<hbm>> -> memref<16x200xf32, #tpu.memory_space<hbm>>
      tpu.wait_dma2 semaphore(%arg7 : memref<!tpu.dma_semaphore, #tpu.memory_space<semaphore_mem>>) src(%dma_wait3A_35 : memref<16x200xf32, #tpu.memory_space<hbm>>) dst(%arg4 : memref<16x200xf32, #tpu.memory_space<vmem>>)
      %broadcast_in_dim3A = arith.constant 0xFF800000 : f32
      %broadcast_in_dim3A_36 = vector.broadcast %broadcast_in_dim3A : f32 to vector<16xf32>
      %scan3A_37 = arith.constant 0 : i32
      %scan3A_38 = arith.constant 100 : i32
      %scan3A_39 = arith.addi %scan3A_37, %scan3A_38 : i32
      %scan3A_40 = arith.constant 2 : i32
      %scan3A_41:20 = scf.for %scan3A_105 = %scan3A_37 to %scan3A_39 step %scan3A_40 iter_args(%scan3A_106 = %broadcast_in_dim3A_36, %scan3A_107 = %broadcast_in_dim3A_36, %scan3A_108 = %broadcast_in_dim3A_36, %scan3A_109 = %broadcast_in_dim3A_36, %scan3A_110 = %broadcast_in_dim3A_36, %scan3A_111 = %broadcast_in_dim3A_36, %scan3A_112 = %broadcast_in_dim3A_36, %scan3A_113 = %broadcast_in_dim3A_36, %scan3A_114 = %broadcast_in_dim3A_36, %scan3A_115 = %broadcast_in_dim3A_36, %scan3A_116 = %broadcast_in_dim3A_36, %scan3A_117 = %broadcast_in_dim3A_36, %scan3A_118 = %broadcast_in_dim3A_36, %scan3A_119 = %broadcast_in_dim3A_36, %scan3A_120 = %broadcast_in_dim3A_36, %scan3A_121 = %broadcast_in_dim3A_36, %scan3A_122 = %broadcast_in_dim3A_36, %scan3A_123 = %broadcast_in_dim3A_36, %scan3A_124 = %broadcast_in_dim3A_36, %scan3A_125 = %broadcast_in_dim3A_36) -> (vector<16xf32>, vector<16xf32>, vector<16xf32>, vector<16xf32>, vector<16xf32>, vector<16xf32>, vector<16xf32>, vector<16xf32>, vector<16xf32>, vector<16xf32>, vector<16xf32>, vector<16xf32>, vector<16xf32>, vector<16xf32>, vector<16xf32>, vector<16xf32>, vector<16xf32>, vector<16xf32>, vector<16xf32>, vector<16xf32>)  : i32 {
        %mul3A_126 = arith.constant 1 : i32
        %mul3A_127 = arith.muli %scan3A_105, %mul3A_126 : i32
        %add3A_128 = arith.constant 0 : i32
        %add3A_129 = arith.addi %add3A_128, %mul3A_127 : i32
        %broadcast_in_dim3A_130 = arith.constant 0 : i32
        %broadcast_in_dim3A_131 = vector.broadcast %broadcast_in_dim3A_130 : i32 to vector<16xi32>
        %add3A_132 = vector.broadcast %add3A_129 : i32 to vector<16xi32>
        %add3A_133 = arith.addi %broadcast_in_dim3A_131, %add3A_132 : vector<16xi32>
        %gather3A = tpu.vector_load_idx %arg4[%iota3A, %add3A_133] : memref<16x200xf32, #tpu.memory_space<vmem>>[vector<16xi32>, vector<16xi32>], vector<16xf32>,
        %add3A_134 = arith.constant 100 : i32
        %add3A_135 = vector.broadcast %add3A_134 : i32 to vector<16xi32>
        %add3A_136 = arith.addi %add3A_133, %add3A_135 : vector<16xi32>
        %gather3A_137 = tpu.vector_load_idx %arg4[%iota3A, %add3A_136] : memref<16x200xf32, #tpu.memory_space<vmem>>[vector<16xi32>, vector<16xi32>], vector<16xf32>,
        %max3A_138 = arith.maximumf %scan3A_106, %gather3A : vector<16xf32>
        %min3A_139 = arith.minimumf %scan3A_106, %gather3A : vector<16xf32>
        %max3A_140 = arith.maximumf %scan3A_116, %gather3A_137 : vector<16xf32>
        %min3A_141 = arith.minimumf %scan3A_116, %gather3A_137 : vector<16xf32>
        %max3A_142 = arith.maximumf %scan3A_107, %min3A_139 : vector<16xf32>
        %min3A_143 = arith.minimumf %scan3A_107, %min3A_139 : vector<16xf32>
        %max3A_144 = arith.maximumf %scan3A_117, %min3A_141 : vector<16xf32>
        %min3A_145 = arith.minimumf %scan3A_117, %min3A_141 : vector<16xf32>
        %max3A_146 = arith.maximumf %scan3A_108, %min3A_143 : vector<16xf32>
        %min3A_147 = arith.minimumf %scan3A_108, %min3A_143 : vector<16xf32>
        %max3A_148 = arith.maximumf %scan3A_118, %min3A_145 : vector<16xf32>
        %min3A_149 = arith.minimumf %scan3A_118, %min3A_145 : vector<16xf32>
        %max3A_150 = arith.maximumf %scan3A_109, %min3A_147 : vector<16xf32>
        %min3A_151 = arith.minimumf %scan3A_109, %min3A_147 : vector<16xf32>
        %max3A_152 = arith.maximumf %scan3A_119, %min3A_149 : vector<16xf32>
        %min3A_153 = arith.minimumf %scan3A_119, %min3A_149 : vector<16xf32>
        %max3A_154 = arith.maximumf %scan3A_110, %min3A_151 : vector<16xf32>
        %min3A_155 = arith.minimumf %scan3A_110, %min3A_151 : vector<16xf32>
        %max3A_156 = arith.maximumf %scan3A_120, %min3A_153 : vector<16xf32>
        %min3A_157 = arith.minimumf %scan3A_120, %min3A_153 : vector<16xf32>
        %max3A_158 = arith.maximumf %scan3A_111, %min3A_155 : vector<16xf32>
        %min3A_159 = arith.minimumf %scan3A_111, %min3A_155 : vector<16xf32>
        %max3A_160 = arith.maximumf %scan3A_121, %min3A_157 : vector<16xf32>
        %min3A_161 = arith.minimumf %scan3A_121, %min3A_157 : vector<16xf32>
        %max3A_162 = arith.maximumf %scan3A_112, %min3A_159 : vector<16xf32>
        %min3A_163 = arith.minimumf %scan3A_112, %min3A_159 : vector<16xf32>
        %max3A_164 = arith.maximumf %scan3A_122, %min3A_161 : vector<16xf32>
        %min3A_165 = arith.minimumf %scan3A_122, %min3A_161 : vector<16xf32>
        %max3A_166 = arith.maximumf %scan3A_113, %min3A_163 : vector<16xf32>
        %min3A_167 = arith.minimumf %scan3A_113, %min3A_163 : vector<16xf32>
        %max3A_168 = arith.maximumf %scan3A_123, %min3A_165 : vector<16xf32>
        %min3A_169 = arith.minimumf %scan3A_123, %min3A_165 : vector<16xf32>
        %max3A_170 = arith.maximumf %scan3A_114, %min3A_167 : vector<16xf32>
        %min3A_171 = arith.minimumf %scan3A_114, %min3A_167 : vector<16xf32>
        %max3A_172 = arith.maximumf %scan3A_124, %min3A_169 : vector<16xf32>
        %min3A_173 = arith.minimumf %scan3A_124, %min3A_169 : vector<16xf32>
        %max3A_174 = arith.maximumf %scan3A_115, %min3A_171 : vector<16xf32>
        %min3A_175 = arith.minimumf %scan3A_115, %min3A_171 : vector<16xf32>
        %max3A_176 = arith.maximumf %scan3A_125, %min3A_173 : vector<16xf32>
        %min3A_177 = arith.minimumf %scan3A_125, %min3A_173 : vector<16xf32>
        %scan3A_178 = arith.constant 1 : i32
        %scan3A_179 = arith.addi %scan3A_105, %scan3A_178 : i32
        %mul3A_180 = arith.constant 1 : i32
        %mul3A_181 = arith.muli %scan3A_179, %mul3A_180 : i32
        %add3A_182 = arith.constant 0 : i32
        %add3A_183 = arith.addi %add3A_182, %mul3A_181 : i32
        %broadcast_in_dim3A_184 = arith.constant 0 : i32
        %broadcast_in_dim3A_185 = vector.broadcast %broadcast_in_dim3A_184 : i32 to vector<16xi32>
        %add3A_186 = vector.broadcast %add3A_183 : i32 to vector<16xi32>
        %add3A_187 = arith.addi %broadcast_in_dim3A_185, %add3A_186 : vector<16xi32>
        %gather3A_188 = tpu.vector_load_idx %arg4[%iota3A, %add3A_187] : memref<16x200xf32, #tpu.memory_space<vmem>>[vector<16xi32>, vector<16xi32>], vector<16xf32>,
        %add3A_189 = arith.constant 100 : i32
        %add3A_190 = vector.broadcast %add3A_189 : i32 to vector<16xi32>
        %add3A_191 = arith.addi %add3A_187, %add3A_190 : vector<16xi32>
        %gather3A_192 = tpu.vector_load_idx %arg4[%iota3A, %add3A_191] : memref<16x200xf32, #tpu.memory_space<vmem>>[vector<16xi32>, vector<16xi32>], vector<16xf32>,
        %max3A_193 = arith.maximumf %max3A_138, %gather3A_188 : vector<16xf32>
        %min3A_194 = arith.minimumf %max3A_138, %gather3A_188 : vector<16xf32>
        %max3A_195 = arith.maximumf %max3A_140, %gather3A_192 : vector<16xf32>
        %min3A_196 = arith.minimumf %max3A_140, %gather3A_192 : vector<16xf32>
        %max3A_197 = arith.maximumf %max3A_142, %min3A_194 : vector<16xf32>
        %min3A_198 = arith.minimumf %max3A_142, %min3A_194 : vector<16xf32>
        %max3A_199 = arith.maximumf %max3A_144, %min3A_196 : vector<16xf32>
        %min3A_200 = arith.minimumf %max3A_144, %min3A_196 : vector<16xf32>
        %max3A_201 = arith.maximumf %max3A_146, %min3A_198 : vector<16xf32>
        %min3A_202 = arith.minimumf %max3A_146, %min3A_198 : vector<16xf32>
        %max3A_203 = arith.maximumf %max3A_148, %min3A_200 : vector<16xf32>
        %min3A_204 = arith.minimumf %max3A_148, %min3A_200 : vector<16xf32>
        %max3A_205 = arith.maximumf %max3A_150, %min3A_202 : vector<16xf32>
        %min3A_206 = arith.minimumf %max3A_150, %min3A_202 : vector<16xf32>
        %max3A_207 = arith.maximumf %max3A_152, %min3A_204 : vector<16xf32>
        %min3A_208 = arith.minimumf %max3A_152, %min3A_204 : vector<16xf32>
        %max3A_209 = arith.maximumf %max3A_154, %min3A_206 : vector<16xf32>
        %min3A_210 = arith.minimumf %max3A_154, %min3A_206 : vector<16xf32>
        %max3A_211 = arith.maximumf %max3A_156, %min3A_208 : vector<16xf32>
        %min3A_212 = arith.minimumf %max3A_156, %min3A_208 : vector<16xf32>
        %max3A_213 = arith.maximumf %max3A_158, %min3A_210 : vector<16xf32>
        %min3A_214 = arith.minimumf %max3A_158, %min3A_210 : vector<16xf32>
        %max3A_215 = arith.maximumf %max3A_160, %min3A_212 : vector<16xf32>
        %min3A_216 = arith.minimumf %max3A_160, %min3A_212 : vector<16xf32>
        %max3A_217 = arith.maximumf %max3A_162, %min3A_214 : vector<16xf32>
        %min3A_218 = arith.minimumf %max3A_162, %min3A_214 : vector<16xf32>
        %max3A_219 = arith.maximumf %max3A_164, %min3A_216 : vector<16xf32>
        %min3A_220 = arith.minimumf %max3A_164, %min3A_216 : vector<16xf32>
        %max3A_221 = arith.maximumf %max3A_166, %min3A_218 : vector<16xf32>
        %min3A_222 = arith.minimumf %max3A_166, %min3A_218 : vector<16xf32>
        %max3A_223 = arith.maximumf %max3A_168, %min3A_220 : vector<16xf32>
        %min3A_224 = arith.minimumf %max3A_168, %min3A_220 : vector<16xf32>
        %max3A_225 = arith.maximumf %max3A_170, %min3A_222 : vector<16xf32>
        %min3A_226 = arith.minimumf %max3A_170, %min3A_222 : vector<16xf32>
        %max3A_227 = arith.maximumf %max3A_172, %min3A_224 : vector<16xf32>
        %min3A_228 = arith.minimumf %max3A_172, %min3A_224 : vector<16xf32>
        %max3A_229 = arith.maximumf %max3A_174, %min3A_226 : vector<16xf32>
        %min3A_230 = arith.minimumf %max3A_174, %min3A_226 : vector<16xf32>
        %max3A_231 = arith.maximumf %max3A_176, %min3A_228 : vector<16xf32>
        %min3A_232 = arith.minimumf %max3A_176, %min3A_228 : vector<16xf32>
        scf.yield %max3A_193, %max3A_197, %max3A_201, %max3A_205, %max3A_209, %max3A_213, %max3A_217, %max3A_221, %max3A_225, %max3A_229, %max3A_195, %max3A_199, %max3A_203, %max3A_207, %max3A_211, %max3A_215, %max3A_219, %max3A_223, %max3A_227, %max3A_231 : vector<16xf32>, vector<16xf32>, vector<16xf32>, vector<16xf32>, vector<16xf32>, vector<16xf32>, vector<16xf32>, vector<16xf32>, vector<16xf32>, vector<16xf32>, vector<16xf32>, vector<16xf32>, vector<16xf32>, vector<16xf32>, vector<16xf32>, vector<16xf32>, vector<16xf32>, vector<16xf32>, vector<16xf32>, vector<16xf32>
      }
      %scan3A_42 = arith.constant 100 : i32
      %max3A = arith.maximumf %scan3A_41#0, %scan3A_41#19 : vector<16xf32>
      %max3A_43 = arith.maximumf %scan3A_41#1, %scan3A_41#18 : vector<16xf32>
      %max3A_44 = arith.maximumf %scan3A_41#2, %scan3A_41#17 : vector<16xf32>
      %max3A_45 = arith.maximumf %scan3A_41#3, %scan3A_41#16 : vector<16xf32>
      %max3A_46 = arith.maximumf %scan3A_41#4, %scan3A_41#15 : vector<16xf32>
      %max3A_47 = arith.maximumf %scan3A_41#5, %scan3A_41#14 : vector<16xf32>
      %max3A_48 = arith.maximumf %scan3A_41#6, %scan3A_41#13 : vector<16xf32>
      %max3A_49 = arith.maximumf %scan3A_41#7, %scan3A_41#12 : vector<16xf32>
      %max3A_50 = arith.maximumf %scan3A_41#8, %scan3A_41#11 : vector<16xf32>
      %max3A_51 = arith.maximumf %scan3A_41#9, %scan3A_41#10 : vector<16xf32>
      %min3A = arith.minimumf %max3A, %max3A_43 : vector<16xf32>
      %min3A_52 = arith.minimumf %max3A_44, %max3A_45 : vector<16xf32>
      %min3A_53 = arith.minimumf %max3A_46, %max3A_47 : vector<16xf32>
      %min3A_54 = arith.minimumf %max3A_48, %max3A_49 : vector<16xf32>
      %min3A_55 = arith.minimumf %max3A_50, %max3A_51 : vector<16xf32>
      %min3A_56 = arith.minimumf %min3A, %min3A_52 : vector<16xf32>
      %min3A_57 = arith.minimumf %min3A_53, %min3A_54 : vector<16xf32>
      %min3A_58 = arith.minimumf %min3A_56, %min3A_57 : vector<16xf32>
      %min3A_59 = arith.minimumf %min3A_58, %min3A_55 : vector<16xf32>
      %swap3A = arith.index_cast %mul3A_20 : i32 to index
      %swap3A_60 = arith.constant 0 : index
      %swap3A_61 = tpu.vector_load %arg6[%swap3A, %swap3A_60] {strides = array<i32>} : memref<16x16xf32, #tpu.memory_space<vmem>>, vector<16xf32>,
      tpu.vector_store %arg6[%swap3A, %swap3A_60], %min3A_59 {strides = array<i32>} : memref<16x16xf32, #tpu.memory_space<vmem>>, vector<16xf32>,
      %lt3A = arith.constant 7 : i32
      %lt3A_62 = arith.cmpi slt, %add3A_18, %lt3A : i32
      %convert_element_type3A = arith.extui %lt3A_62 : i1 to i32
      %cond3A = arith.constant 0 : i32
      %cond3A_63 = arith.cmpi ne, %convert_element_type3A, %cond3A : i32
      scf.if %cond3A_63 {
        %add3A_105 = arith.constant 2 : i32
        %add3A_106 = arith.addi %mul3A_20, %add3A_105 : i32
        %mul3A_107 = arith.constant 16 : i32
        %mul3A_108 = arith.muli %add3A_106, %mul3A_107 : i32
        %add3A_109 = arith.addi %add3A_4, %mul3A_108 : i32
        %dma_start3A_110 = arith.constant 0 : i32
        %dma_start3A_111 = tpu.memref_slice %arg2[%add3A_109, %dma_start3A_110] : memref<16384x200xf32, #tpu.memory_space<hbm>> -> memref<16x200xf32, #tpu.memory_space<hbm>>
        %dma_start3A_112 = arith.constant 0 : i32
        %dma_start3A_113 = tpu.memref_slice %arg2[%add3A_109, %dma_start3A_112] : memref<16384x200xf32, #tpu.memory_space<hbm>> -> memref<16x200xf32, #tpu.memory_space<hbm>>
        tpu.enqueue_dma source(%dma_start3A_113 : memref<16x200xf32, #tpu.memory_space<hbm>>) target(%arg4 : memref<16x200xf32, #tpu.memory_space<vmem>>) target_semaphore(%arg7 : memref<!tpu.dma_semaphore, #tpu.memory_space<semaphore_mem>>)
      } else {
      }
      %add3A_64 = arith.constant 1 : i32
      %add3A_65 = arith.addi %mul3A_20, %add3A_64 : i32
      %mul3A_66 = arith.constant 16 : i32
      %mul3A_67 = arith.muli %add3A_65, %mul3A_66 : i32
      %add3A_68 = arith.addi %add3A_4, %mul3A_67 : i32
      %dma_wait3A_69 = arith.constant 0 : i32
      %dma_wait3A_70 = tpu.memref_slice %arg2[%add3A_68, %dma_wait3A_69] : memref<16384x200xf32, #tpu.memory_space<hbm>> -> memref<16x200xf32, #tpu.memory_space<hbm>>
      %dma_wait3A_71 = arith.constant 0 : i32
      %dma_wait3A_72 = tpu.memref_slice %arg2[%add3A_68, %dma_wait3A_71] : memref<16384x200xf32, #tpu.memory_space<hbm>> -> memref<16x200xf32, #tpu.memory_space<hbm>>
      tpu.wait_dma2 semaphore(%arg8 : memref<!tpu.dma_semaphore, #tpu.memory_space<semaphore_mem>>) src(%dma_wait3A_72 : memref<16x200xf32, #tpu.memory_space<hbm>>) dst(%arg5 : memref<16x200xf32, #tpu.memory_space<vmem>>)
      %add3A_73 = arith.constant 1 : i32
      %add3A_74 = arith.addi %mul3A_20, %add3A_73 : i32
      %broadcast_in_dim3A_75 = arith.constant 0xFF800000 : f32
      %broadcast_in_dim3A_76 = vector.broadcast %broadcast_in_dim3A_75 : f32 to vector<16xf32>
      %scan3A_77 = arith.constant 0 : i32
      %scan3A_78 = arith.constant 100 : i32
      %scan3A_79 = arith.addi %scan3A_77, %scan3A_78 : i32
      %scan3A_80 = arith.constant 2 : i32
      %scan3A_81:20 = scf.for %scan3A_105 = %scan3A_77 to %scan3A_79 step %scan3A_80 iter_args(%scan3A_106 = %broadcast_in_dim3A_76, %scan3A_107 = %broadcast_in_dim3A_76, %scan3A_108 = %broadcast_in_dim3A_76, %scan3A_109 = %broadcast_in_dim3A_76, %scan3A_110 = %broadcast_in_dim3A_76, %scan3A_111 = %broadcast_in_dim3A_76, %scan3A_112 = %broadcast_in_dim3A_76, %scan3A_113 = %broadcast_in_dim3A_76, %scan3A_114 = %broadcast_in_dim3A_76, %scan3A_115 = %broadcast_in_dim3A_76, %scan3A_116 = %broadcast_in_dim3A_76, %scan3A_117 = %broadcast_in_dim3A_76, %scan3A_118 = %broadcast_in_dim3A_76, %scan3A_119 = %broadcast_in_dim3A_76, %scan3A_120 = %broadcast_in_dim3A_76, %scan3A_121 = %broadcast_in_dim3A_76, %scan3A_122 = %broadcast_in_dim3A_76, %scan3A_123 = %broadcast_in_dim3A_76, %scan3A_124 = %broadcast_in_dim3A_76, %scan3A_125 = %broadcast_in_dim3A_76) -> (vector<16xf32>, vector<16xf32>, vector<16xf32>, vector<16xf32>, vector<16xf32>, vector<16xf32>, vector<16xf32>, vector<16xf32>, vector<16xf32>, vector<16xf32>, vector<16xf32>, vector<16xf32>, vector<16xf32>, vector<16xf32>, vector<16xf32>, vector<16xf32>, vector<16xf32>, vector<16xf32>, vector<16xf32>, vector<16xf32>)  : i32 {
        %mul3A_126 = arith.constant 1 : i32
        %mul3A_127 = arith.muli %scan3A_105, %mul3A_126 : i32
        %add3A_128 = arith.constant 0 : i32
        %add3A_129 = arith.addi %add3A_128, %mul3A_127 : i32
        %broadcast_in_dim3A_130 = arith.constant 0 : i32
        %broadcast_in_dim3A_131 = vector.broadcast %broadcast_in_dim3A_130 : i32 to vector<16xi32>
        %add3A_132 = vector.broadcast %add3A_129 : i32 to vector<16xi32>
        %add3A_133 = arith.addi %broadcast_in_dim3A_131, %add3A_132 : vector<16xi32>
        %gather3A = tpu.vector_load_idx %arg5[%iota3A, %add3A_133] : memref<16x200xf32, #tpu.memory_space<vmem>>[vector<16xi32>, vector<16xi32>], vector<16xf32>,
        %add3A_134 = arith.constant 100 : i32
        %add3A_135 = vector.broadcast %add3A_134 : i32 to vector<16xi32>
        %add3A_136 = arith.addi %add3A_133, %add3A_135 : vector<16xi32>
        %gather3A_137 = tpu.vector_load_idx %arg5[%iota3A, %add3A_136] : memref<16x200xf32, #tpu.memory_space<vmem>>[vector<16xi32>, vector<16xi32>], vector<16xf32>,
        %max3A_138 = arith.maximumf %scan3A_106, %gather3A : vector<16xf32>
        %min3A_139 = arith.minimumf %scan3A_106, %gather3A : vector<16xf32>
        %max3A_140 = arith.maximumf %scan3A_116, %gather3A_137 : vector<16xf32>
        %min3A_141 = arith.minimumf %scan3A_116, %gather3A_137 : vector<16xf32>
        %max3A_142 = arith.maximumf %scan3A_107, %min3A_139 : vector<16xf32>
        %min3A_143 = arith.minimumf %scan3A_107, %min3A_139 : vector<16xf32>
        %max3A_144 = arith.maximumf %scan3A_117, %min3A_141 : vector<16xf32>
        %min3A_145 = arith.minimumf %scan3A_117, %min3A_141 : vector<16xf32>
        %max3A_146 = arith.maximumf %scan3A_108, %min3A_143 : vector<16xf32>
        %min3A_147 = arith.minimumf %scan3A_108, %min3A_143 : vector<16xf32>
        %max3A_148 = arith.maximumf %scan3A_118, %min3A_145 : vector<16xf32>
        %min3A_149 = arith.minimumf %scan3A_118, %min3A_145 : vector<16xf32>
        %max3A_150 = arith.maximumf %scan3A_109, %min3A_147 : vector<16xf32>
        %min3A_151 = arith.minimumf %scan3A_109, %min3A_147 : vector<16xf32>
        %max3A_152 = arith.maximumf %scan3A_119, %min3A_149 : vector<16xf32>
        %min3A_153 = arith.minimumf %scan3A_119, %min3A_149 : vector<16xf32>
        %max3A_154 = arith.maximumf %scan3A_110, %min3A_151 : vector<16xf32>
        %min3A_155 = arith.minimumf %scan3A_110, %min3A_151 : vector<16xf32>
        %max3A_156 = arith.maximumf %scan3A_120, %min3A_153 : vector<16xf32>
        %min3A_157 = arith.minimumf %scan3A_120, %min3A_153 : vector<16xf32>
        %max3A_158 = arith.maximumf %scan3A_111, %min3A_155 : vector<16xf32>
        %min3A_159 = arith.minimumf %scan3A_111, %min3A_155 : vector<16xf32>
        %max3A_160 = arith.maximumf %scan3A_121, %min3A_157 : vector<16xf32>
        %min3A_161 = arith.minimumf %scan3A_121, %min3A_157 : vector<16xf32>
        %max3A_162 = arith.maximumf %scan3A_112, %min3A_159 : vector<16xf32>
        %min3A_163 = arith.minimumf %scan3A_112, %min3A_159 : vector<16xf32>
        %max3A_164 = arith.maximumf %scan3A_122, %min3A_161 : vector<16xf32>
        %min3A_165 = arith.minimumf %scan3A_122, %min3A_161 : vector<16xf32>
        %max3A_166 = arith.maximumf %scan3A_113, %min3A_163 : vector<16xf32>
        %min3A_167 = arith.minimumf %scan3A_113, %min3A_163 : vector<16xf32>
        %max3A_168 = arith.maximumf %scan3A_123, %min3A_165 : vector<16xf32>
        %min3A_169 = arith.minimumf %scan3A_123, %min3A_165 : vector<16xf32>
        %max3A_170 = arith.maximumf %scan3A_114, %min3A_167 : vector<16xf32>
        %min3A_171 = arith.minimumf %scan3A_114, %min3A_167 : vector<16xf32>
        %max3A_172 = arith.maximumf %scan3A_124, %min3A_169 : vector<16xf32>
        %min3A_173 = arith.minimumf %scan3A_124, %min3A_169 : vector<16xf32>
        %max3A_174 = arith.maximumf %scan3A_115, %min3A_171 : vector<16xf32>
        %min3A_175 = arith.minimumf %scan3A_115, %min3A_171 : vector<16xf32>
        %max3A_176 = arith.maximumf %scan3A_125, %min3A_173 : vector<16xf32>
        %min3A_177 = arith.minimumf %scan3A_125, %min3A_173 : vector<16xf32>
        %scan3A_178 = arith.constant 1 : i32
        %scan3A_179 = arith.addi %scan3A_105, %scan3A_178 : i32
        %mul3A_180 = arith.constant 1 : i32
        %mul3A_181 = arith.muli %scan3A_179, %mul3A_180 : i32
        %add3A_182 = arith.constant 0 : i32
        %add3A_183 = arith.addi %add3A_182, %mul3A_181 : i32
        %broadcast_in_dim3A_184 = arith.constant 0 : i32
        %broadcast_in_dim3A_185 = vector.broadcast %broadcast_in_dim3A_184 : i32 to vector<16xi32>
        %add3A_186 = vector.broadcast %add3A_183 : i32 to vector<16xi32>
        %add3A_187 = arith.addi %broadcast_in_dim3A_185, %add3A_186 : vector<16xi32>
        %gather3A_188 = tpu.vector_load_idx %arg5[%iota3A, %add3A_187] : memref<16x200xf32, #tpu.memory_space<vmem>>[vector<16xi32>, vector<16xi32>], vector<16xf32>,
        %add3A_189 = arith.constant 100 : i32
        %add3A_190 = vector.broadcast %add3A_189 : i32 to vector<16xi32>
        %add3A_191 = arith.addi %add3A_187, %add3A_190 : vector<16xi32>
        %gather3A_192 = tpu.vector_load_idx %arg5[%iota3A, %add3A_191] : memref<16x200xf32, #tpu.memory_space<vmem>>[vector<16xi32>, vector<16xi32>], vector<16xf32>,
        %max3A_193 = arith.maximumf %max3A_138, %gather3A_188 : vector<16xf32>
        %min3A_194 = arith.minimumf %max3A_138, %gather3A_188 : vector<16xf32>
        %max3A_195 = arith.maximumf %max3A_140, %gather3A_192 : vector<16xf32>
        %min3A_196 = arith.minimumf %max3A_140, %gather3A_192 : vector<16xf32>
        %max3A_197 = arith.maximumf %max3A_142, %min3A_194 : vector<16xf32>
        %min3A_198 = arith.minimumf %max3A_142, %min3A_194 : vector<16xf32>
        %max3A_199 = arith.maximumf %max3A_144, %min3A_196 : vector<16xf32>
        %min3A_200 = arith.minimumf %max3A_144, %min3A_196 : vector<16xf32>
        %max3A_201 = arith.maximumf %max3A_146, %min3A_198 : vector<16xf32>
        %min3A_202 = arith.minimumf %max3A_146, %min3A_198 : vector<16xf32>
        %max3A_203 = arith.maximumf %max3A_148, %min3A_200 : vector<16xf32>
        %min3A_204 = arith.minimumf %max3A_148, %min3A_200 : vector<16xf32>
        %max3A_205 = arith.maximumf %max3A_150, %min3A_202 : vector<16xf32>
        %min3A_206 = arith.minimumf %max3A_150, %min3A_202 : vector<16xf32>
        %max3A_207 = arith.maximumf %max3A_152, %min3A_204 : vector<16xf32>
        %min3A_208 = arith.minimumf %max3A_152, %min3A_204 : vector<16xf32>
        %max3A_209 = arith.maximumf %max3A_154, %min3A_206 : vector<16xf32>
        %min3A_210 = arith.minimumf %max3A_154, %min3A_206 : vector<16xf32>
        %max3A_211 = arith.maximumf %max3A_156, %min3A_208 : vector<16xf32>
        %min3A_212 = arith.minimumf %max3A_156, %min3A_208 : vector<16xf32>
        %max3A_213 = arith.maximumf %max3A_158, %min3A_210 : vector<16xf32>
        %min3A_214 = arith.minimumf %max3A_158, %min3A_210 : vector<16xf32>
        %max3A_215 = arith.maximumf %max3A_160, %min3A_212 : vector<16xf32>
        %min3A_216 = arith.minimumf %max3A_160, %min3A_212 : vector<16xf32>
        %max3A_217 = arith.maximumf %max3A_162, %min3A_214 : vector<16xf32>
        %min3A_218 = arith.minimumf %max3A_162, %min3A_214 : vector<16xf32>
        %max3A_219 = arith.maximumf %max3A_164, %min3A_216 : vector<16xf32>
        %min3A_220 = arith.minimumf %max3A_164, %min3A_216 : vector<16xf32>
        %max3A_221 = arith.maximumf %max3A_166, %min3A_218 : vector<16xf32>
        %min3A_222 = arith.minimumf %max3A_166, %min3A_218 : vector<16xf32>
        %max3A_223 = arith.maximumf %max3A_168, %min3A_220 : vector<16xf32>
        %min3A_224 = arith.minimumf %max3A_168, %min3A_220 : vector<16xf32>
        %max3A_225 = arith.maximumf %max3A_170, %min3A_222 : vector<16xf32>
        %min3A_226 = arith.minimumf %max3A_170, %min3A_222 : vector<16xf32>
        %max3A_227 = arith.maximumf %max3A_172, %min3A_224 : vector<16xf32>
        %min3A_228 = arith.minimumf %max3A_172, %min3A_224 : vector<16xf32>
        %max3A_229 = arith.maximumf %max3A_174, %min3A_226 : vector<16xf32>
        %min3A_230 = arith.minimumf %max3A_174, %min3A_226 : vector<16xf32>
        %max3A_231 = arith.maximumf %max3A_176, %min3A_228 : vector<16xf32>
        %min3A_232 = arith.minimumf %max3A_176, %min3A_228 : vector<16xf32>
        scf.yield %max3A_193, %max3A_197, %max3A_201, %max3A_205, %max3A_209, %max3A_213, %max3A_217, %max3A_221, %max3A_225, %max3A_229, %max3A_195, %max3A_199, %max3A_203, %max3A_207, %max3A_211, %max3A_215, %max3A_219, %max3A_223, %max3A_227, %max3A_231 : vector<16xf32>, vector<16xf32>, vector<16xf32>, vector<16xf32>, vector<16xf32>, vector<16xf32>, vector<16xf32>, vector<16xf32>, vector<16xf32>, vector<16xf32>, vector<16xf32>, vector<16xf32>, vector<16xf32>, vector<16xf32>, vector<16xf32>, vector<16xf32>, vector<16xf32>, vector<16xf32>, vector<16xf32>, vector<16xf32>
      }
      %scan3A_82 = arith.constant 100 : i32
      %max3A_83 = arith.maximumf %scan3A_81#0, %scan3A_81#19 : vector<16xf32>
      %max3A_84 = arith.maximumf %scan3A_81#1, %scan3A_81#18 : vector<16xf32>
      %max3A_85 = arith.maximumf %scan3A_81#2, %scan3A_81#17 : vector<16xf32>
      %max3A_86 = arith.maximumf %scan3A_81#3, %scan3A_81#16 : vector<16xf32>
      %max3A_87 = arith.maximumf %scan3A_81#4, %scan3A_81#15 : vector<16xf32>
      %max3A_88 = arith.maximumf %scan3A_81#5, %scan3A_81#14 : vector<16xf32>
      %max3A_89 = arith.maximumf %scan3A_81#6, %scan3A_81#13 : vector<16xf32>
      %max3A_90 = arith.maximumf %scan3A_81#7, %scan3A_81#12 : vector<16xf32>
      %max3A_91 = arith.maximumf %scan3A_81#8, %scan3A_81#11 : vector<16xf32>
      %max3A_92 = arith.maximumf %scan3A_81#9, %scan3A_81#10 : vector<16xf32>
      %min3A_93 = arith.minimumf %max3A_83, %max3A_84 : vector<16xf32>
      %min3A_94 = arith.minimumf %max3A_85, %max3A_86 : vector<16xf32>
      %min3A_95 = arith.minimumf %max3A_87, %max3A_88 : vector<16xf32>
      %min3A_96 = arith.minimumf %max3A_89, %max3A_90 : vector<16xf32>
      %min3A_97 = arith.minimumf %max3A_91, %max3A_92 : vector<16xf32>
      %min3A_98 = arith.minimumf %min3A_93, %min3A_94 : vector<16xf32>
      %min3A_99 = arith.minimumf %min3A_95, %min3A_96 : vector<16xf32>
      %min3A_100 = arith.minimumf %min3A_98, %min3A_99 : vector<16xf32>
      %min3A_101 = arith.minimumf %min3A_100, %min3A_97 : vector<16xf32>
      %swap3A_102 = arith.index_cast %add3A_74 : i32 to index
      %swap3A_103 = arith.constant 0 : index
      %swap3A_104 = tpu.vector_load %arg6[%swap3A_102, %swap3A_103] {strides = array<i32>} : memref<16x16xf32, #tpu.memory_space<vmem>>, vector<16xf32>,
      tpu.vector_store %arg6[%swap3A_102, %swap3A_103], %min3A_101 {strides = array<i32>} : memref<16x16xf32, #tpu.memory_space<vmem>>, vector<16xf32>,
    }
    %scan3A_13 = arith.constant 8 : i32
    "tpu.region"() ({
      %run_scoped3A = tpu.sem_alloc : memref<!tpu.dma_semaphore, #tpu.memory_space<semaphore_mem>>
      %dma_start3A_14 = arith.constant 0 : i32
      %dma_start3A_15 = arith.constant 0 : i32
      %dma_start3A_16 = tpu.memref_slice %arg3[%add3A, %dma_start3A_14, %dma_start3A_15] : memref<32x16x16xf32, #tpu.memory_space<hbm>> -> memref<1x16x16xf32, #tpu.memory_space<hbm>>
      %dma_start3A_17 = tpu.memref_squeeze %dma_start3A_16 : memref<1x16x16xf32, #tpu.memory_space<hbm>> -> memref<16x16xf32, #tpu.memory_space<hbm>>
      %dma_start3A_18 = arith.constant 0 : i32
      %dma_start3A_19 = arith.constant 0 : i32
      %dma_start3A_20 = tpu.memref_slice %arg3[%add3A, %dma_start3A_18, %dma_start3A_19] : memref<32x16x16xf32, #tpu.memory_space<hbm>> -> memref<1x16x16xf32, #tpu.memory_space<hbm>>
      %dma_start3A_21 = tpu.memref_squeeze %dma_start3A_20 : memref<1x16x16xf32, #tpu.memory_space<hbm>> -> memref<16x16xf32, #tpu.memory_space<hbm>>
      tpu.enqueue_dma source(%arg6 : memref<16x16xf32, #tpu.memory_space<vmem>>) target(%dma_start3A_21 : memref<16x16xf32, #tpu.memory_space<hbm>>) target_semaphore(%run_scoped3A : memref<!tpu.dma_semaphore, #tpu.memory_space<semaphore_mem>>)
      %dma_wait3A = arith.constant 0 : i32
      %dma_wait3A_22 = arith.constant 0 : i32
      %dma_wait3A_23 = tpu.memref_slice %arg3[%add3A, %dma_wait3A, %dma_wait3A_22] : memref<32x16x16xf32, #tpu.memory_space<hbm>> -> memref<1x16x16xf32, #tpu.memory_space<hbm>>
      %dma_wait3A_24 = tpu.memref_squeeze %dma_wait3A_23 : memref<1x16x16xf32, #tpu.memory_space<hbm>> -> memref<16x16xf32, #tpu.memory_space<hbm>>
      %dma_wait3A_25 = arith.constant 0 : i32
      %dma_wait3A_26 = arith.constant 0 : i32
      %dma_wait3A_27 = tpu.memref_slice %arg3[%add3A, %dma_wait3A_25, %dma_wait3A_26] : memref<32x16x16xf32, #tpu.memory_space<hbm>> -> memref<1x16x16xf32, #tpu.memory_space<hbm>>
      %dma_wait3A_28 = tpu.memref_squeeze %dma_wait3A_27 : memref<1x16x16xf32, #tpu.memory_space<hbm>> -> memref<16x16xf32, #tpu.memory_space<hbm>>
      tpu.wait_dma2 semaphore(%run_scoped3A : memref<!tpu.dma_semaphore, #tpu.memory_space<semaphore_mem>>) src(%arg6 : memref<16x16xf32, #tpu.memory_space<vmem>>) dst(%dma_wait3A_28 : memref<16x16xf32, #tpu.memory_space<hbm>>)
      tpu.yield
    }) : () -> ()
    return
  }
}

#map = affine_map<(d0, d1) -> (0, 0)>
#map1 = affine_map<(d0, d1) -> (0, 0, 0)>
module attributes {stable_mosaic.version = 14 : i64} {
  func.func @body(%arg0: i32, %arg1: i32, %arg2: memref<16384x200xf32, #tpu.memory_space<hbm>>, %arg3: memref<32x6x16xf32, #tpu.memory_space<hbm>>, %arg4: memref<16x200xf32, #tpu.memory_space<vmem>>, %arg5: memref<16x200xf32, #tpu.memory_space<vmem>>, %arg6: memref<6x16xf32, #tpu.memory_space<vmem>>, %arg7: memref<!tpu.dma_semaphore, #tpu.memory_space<semaphore_mem>>, %arg8: memref<!tpu.dma_semaphore, #tpu.memory_space<semaphore_mem>>) attributes {dimension_semantics = [#tpu.dimension_semantics<core_parallel>, #tpu.dimension_semantics<subcore_parallel>], iteration_bounds = array<i64: 2, 16>, scalar_prefetch = 0 : i64, scratch_operands = 5 : i64, tpu.core_type = #tpu.core_type<sc_vector_subcore>, window_params = [{transform_indices = #map}, {transform_indices = #map1}]} {
    %mul3A = arith.constant 2 : i32
    %mul3A_0 = arith.muli %arg1, %mul3A : i32
    %add3A = arith.addi %mul3A_0, %arg0 : i32
    %mul3A_1 = arith.constant 96 : i32
    %mul3A_2 = arith.muli %add3A, %mul3A_1 : i32
    %add3A_3 = arith.constant 13312 : i32
    %add3A_4 = arith.addi %add3A_3, %mul3A_2 : i32
    %iota3A = tpu.iota {dimensions = array<i32: 0>} : vector<16xi32>
    %add3A_5 = arith.constant 0 : i32
    %add3A_6 = arith.addi %add3A_4, %add3A_5 : i32
    %dma_start3A = arith.constant 0 : i32
    %dma_start3A_7 = tpu.memref_slice %arg2[%add3A_6, %dma_start3A] : memref<16384x200xf32, #tpu.memory_space<hbm>> -> memref<16x200xf32, #tpu.memory_space<hbm>>
    %dma_start3A_8 = arith.constant 0 : i32
    %dma_start3A_9 = tpu.memref_slice %arg2[%add3A_6, %dma_start3A_8] : memref<16384x200xf32, #tpu.memory_space<hbm>> -> memref<16x200xf32, #tpu.memory_space<hbm>>
    tpu.enqueue_dma source(%dma_start3A_9 : memref<16x200xf32, #tpu.memory_space<hbm>>) target(%arg4 : memref<16x200xf32, #tpu.memory_space<vmem>>) target_semaphore(%arg7 : memref<!tpu.dma_semaphore, #tpu.memory_space<semaphore_mem>>)
    %scan3A = arith.constant 0 : i32
    %scan3A_10 = arith.constant 3 : i32
    %scan3A_11 = arith.addi %scan3A, %scan3A_10 : i32
    %scan3A_12 = arith.constant 1 : i32
    scf.for %scan3A_14 = %scan3A to %scan3A_11 step %scan3A_12  : i32 {
      %mul3A_15 = arith.constant 1 : i32
      %mul3A_16 = arith.muli %scan3A_14, %mul3A_15 : i32
      %add3A_17 = arith.constant 0 : i32
      %add3A_18 = arith.addi %add3A_17, %mul3A_16 : i32
      %mul3A_19 = arith.constant 2 : i32
      %mul3A_20 = arith.muli %mul3A_19, %add3A_18 : i32
      %add3A_21 = arith.constant 1 : i32
      %add3A_22 = arith.addi %mul3A_20, %add3A_21 : i32
      %mul3A_23 = arith.constant 16 : i32
      %mul3A_24 = arith.muli %add3A_22, %mul3A_23 : i32
      %add3A_25 = arith.addi %add3A_4, %mul3A_24 : i32
      %dma_start3A_26 = arith.constant 0 : i32
      %dma_start3A_27 = tpu.memref_slice %arg2[%add3A_25, %dma_start3A_26] : memref<16384x200xf32, #tpu.memory_space<hbm>> -> memref<16x200xf32, #tpu.memory_space<hbm>>
      %dma_start3A_28 = arith.constant 0 : i32
      %dma_start3A_29 = tpu.memref_slice %arg2[%add3A_25, %dma_start3A_28] : memref<16384x200xf32, #tpu.memory_space<hbm>> -> memref<16x200xf32, #tpu.memory_space<hbm>>
      tpu.enqueue_dma source(%dma_start3A_29 : memref<16x200xf32, #tpu.memory_space<hbm>>) target(%arg5 : memref<16x200xf32, #tpu.memory_space<vmem>>) target_semaphore(%arg8 : memref<!tpu.dma_semaphore, #tpu.memory_space<semaphore_mem>>)
      %mul3A_30 = arith.constant 16 : i32
      %mul3A_31 = arith.muli %mul3A_20, %mul3A_30 : i32
      %add3A_32 = arith.addi %add3A_4, %mul3A_31 : i32
      %dma_wait3A = arith.constant 0 : i32
      %dma_wait3A_33 = tpu.memref_slice %arg2[%add3A_32, %dma_wait3A] : memref<16384x200xf32, #tpu.memory_space<hbm>> -> memref<16x200xf32, #tpu.memory_space<hbm>>
      %dma_wait3A_34 = arith.constant 0 : i32
      %dma_wait3A_35 = tpu.memref_slice %arg2[%add3A_32, %dma_wait3A_34] : memref<16384x200xf32, #tpu.memory_space<hbm>> -> memref<16x200xf32, #tpu.memory_space<hbm>>
      tpu.wait_dma2 semaphore(%arg7 : memref<!tpu.dma_semaphore, #tpu.memory_space<semaphore_mem>>) src(%dma_wait3A_35 : memref<16x200xf32, #tpu.memory_space<hbm>>) dst(%arg4 : memref<16x200xf32, #tpu.memory_space<vmem>>)
      %broadcast_in_dim3A = arith.constant 0xFF800000 : f32
      %broadcast_in_dim3A_36 = vector.broadcast %broadcast_in_dim3A : f32 to vector<16xf32>
      %scan3A_37 = arith.constant 0 : i32
      %scan3A_38 = arith.constant 100 : i32
      %scan3A_39 = arith.addi %scan3A_37, %scan3A_38 : i32
      %scan3A_40 = arith.constant 2 : i32
      %scan3A_41:20 = scf.for %scan3A_105 = %scan3A_37 to %scan3A_39 step %scan3A_40 iter_args(%scan3A_106 = %broadcast_in_dim3A_36, %scan3A_107 = %broadcast_in_dim3A_36, %scan3A_108 = %broadcast_in_dim3A_36, %scan3A_109 = %broadcast_in_dim3A_36, %scan3A_110 = %broadcast_in_dim3A_36, %scan3A_111 = %broadcast_in_dim3A_36, %scan3A_112 = %broadcast_in_dim3A_36, %scan3A_113 = %broadcast_in_dim3A_36, %scan3A_114 = %broadcast_in_dim3A_36, %scan3A_115 = %broadcast_in_dim3A_36, %scan3A_116 = %broadcast_in_dim3A_36, %scan3A_117 = %broadcast_in_dim3A_36, %scan3A_118 = %broadcast_in_dim3A_36, %scan3A_119 = %broadcast_in_dim3A_36, %scan3A_120 = %broadcast_in_dim3A_36, %scan3A_121 = %broadcast_in_dim3A_36, %scan3A_122 = %broadcast_in_dim3A_36, %scan3A_123 = %broadcast_in_dim3A_36, %scan3A_124 = %broadcast_in_dim3A_36, %scan3A_125 = %broadcast_in_dim3A_36) -> (vector<16xf32>, vector<16xf32>, vector<16xf32>, vector<16xf32>, vector<16xf32>, vector<16xf32>, vector<16xf32>, vector<16xf32>, vector<16xf32>, vector<16xf32>, vector<16xf32>, vector<16xf32>, vector<16xf32>, vector<16xf32>, vector<16xf32>, vector<16xf32>, vector<16xf32>, vector<16xf32>, vector<16xf32>, vector<16xf32>)  : i32 {
        %mul3A_126 = arith.constant 1 : i32
        %mul3A_127 = arith.muli %scan3A_105, %mul3A_126 : i32
        %add3A_128 = arith.constant 0 : i32
        %add3A_129 = arith.addi %add3A_128, %mul3A_127 : i32
        %broadcast_in_dim3A_130 = arith.constant 0 : i32
        %broadcast_in_dim3A_131 = vector.broadcast %broadcast_in_dim3A_130 : i32 to vector<16xi32>
        %add3A_132 = vector.broadcast %add3A_129 : i32 to vector<16xi32>
        %add3A_133 = arith.addi %broadcast_in_dim3A_131, %add3A_132 : vector<16xi32>
        %gather3A = tpu.vector_load_idx %arg4[%iota3A, %add3A_133] : memref<16x200xf32, #tpu.memory_space<vmem>>[vector<16xi32>, vector<16xi32>], vector<16xf32>,
        %add3A_134 = arith.constant 100 : i32
        %add3A_135 = vector.broadcast %add3A_134 : i32 to vector<16xi32>
        %add3A_136 = arith.addi %add3A_133, %add3A_135 : vector<16xi32>
        %gather3A_137 = tpu.vector_load_idx %arg4[%iota3A, %add3A_136] : memref<16x200xf32, #tpu.memory_space<vmem>>[vector<16xi32>, vector<16xi32>], vector<16xf32>,
        %max3A_138 = arith.maximumf %scan3A_106, %gather3A : vector<16xf32>
        %min3A_139 = arith.minimumf %scan3A_106, %gather3A : vector<16xf32>
        %max3A_140 = arith.maximumf %scan3A_116, %gather3A_137 : vector<16xf32>
        %min3A_141 = arith.minimumf %scan3A_116, %gather3A_137 : vector<16xf32>
        %max3A_142 = arith.maximumf %scan3A_107, %min3A_139 : vector<16xf32>
        %min3A_143 = arith.minimumf %scan3A_107, %min3A_139 : vector<16xf32>
        %max3A_144 = arith.maximumf %scan3A_117, %min3A_141 : vector<16xf32>
        %min3A_145 = arith.minimumf %scan3A_117, %min3A_141 : vector<16xf32>
        %max3A_146 = arith.maximumf %scan3A_108, %min3A_143 : vector<16xf32>
        %min3A_147 = arith.minimumf %scan3A_108, %min3A_143 : vector<16xf32>
        %max3A_148 = arith.maximumf %scan3A_118, %min3A_145 : vector<16xf32>
        %min3A_149 = arith.minimumf %scan3A_118, %min3A_145 : vector<16xf32>
        %max3A_150 = arith.maximumf %scan3A_109, %min3A_147 : vector<16xf32>
        %min3A_151 = arith.minimumf %scan3A_109, %min3A_147 : vector<16xf32>
        %max3A_152 = arith.maximumf %scan3A_119, %min3A_149 : vector<16xf32>
        %min3A_153 = arith.minimumf %scan3A_119, %min3A_149 : vector<16xf32>
        %max3A_154 = arith.maximumf %scan3A_110, %min3A_151 : vector<16xf32>
        %min3A_155 = arith.minimumf %scan3A_110, %min3A_151 : vector<16xf32>
        %max3A_156 = arith.maximumf %scan3A_120, %min3A_153 : vector<16xf32>
        %min3A_157 = arith.minimumf %scan3A_120, %min3A_153 : vector<16xf32>
        %max3A_158 = arith.maximumf %scan3A_111, %min3A_155 : vector<16xf32>
        %min3A_159 = arith.minimumf %scan3A_111, %min3A_155 : vector<16xf32>
        %max3A_160 = arith.maximumf %scan3A_121, %min3A_157 : vector<16xf32>
        %min3A_161 = arith.minimumf %scan3A_121, %min3A_157 : vector<16xf32>
        %max3A_162 = arith.maximumf %scan3A_112, %min3A_159 : vector<16xf32>
        %min3A_163 = arith.minimumf %scan3A_112, %min3A_159 : vector<16xf32>
        %max3A_164 = arith.maximumf %scan3A_122, %min3A_161 : vector<16xf32>
        %min3A_165 = arith.minimumf %scan3A_122, %min3A_161 : vector<16xf32>
        %max3A_166 = arith.maximumf %scan3A_113, %min3A_163 : vector<16xf32>
        %min3A_167 = arith.minimumf %scan3A_113, %min3A_163 : vector<16xf32>
        %max3A_168 = arith.maximumf %scan3A_123, %min3A_165 : vector<16xf32>
        %min3A_169 = arith.minimumf %scan3A_123, %min3A_165 : vector<16xf32>
        %max3A_170 = arith.maximumf %scan3A_114, %min3A_167 : vector<16xf32>
        %min3A_171 = arith.minimumf %scan3A_114, %min3A_167 : vector<16xf32>
        %max3A_172 = arith.maximumf %scan3A_124, %min3A_169 : vector<16xf32>
        %min3A_173 = arith.minimumf %scan3A_124, %min3A_169 : vector<16xf32>
        %max3A_174 = arith.maximumf %scan3A_115, %min3A_171 : vector<16xf32>
        %min3A_175 = arith.minimumf %scan3A_115, %min3A_171 : vector<16xf32>
        %max3A_176 = arith.maximumf %scan3A_125, %min3A_173 : vector<16xf32>
        %min3A_177 = arith.minimumf %scan3A_125, %min3A_173 : vector<16xf32>
        %scan3A_178 = arith.constant 1 : i32
        %scan3A_179 = arith.addi %scan3A_105, %scan3A_178 : i32
        %mul3A_180 = arith.constant 1 : i32
        %mul3A_181 = arith.muli %scan3A_179, %mul3A_180 : i32
        %add3A_182 = arith.constant 0 : i32
        %add3A_183 = arith.addi %add3A_182, %mul3A_181 : i32
        %broadcast_in_dim3A_184 = arith.constant 0 : i32
        %broadcast_in_dim3A_185 = vector.broadcast %broadcast_in_dim3A_184 : i32 to vector<16xi32>
        %add3A_186 = vector.broadcast %add3A_183 : i32 to vector<16xi32>
        %add3A_187 = arith.addi %broadcast_in_dim3A_185, %add3A_186 : vector<16xi32>
        %gather3A_188 = tpu.vector_load_idx %arg4[%iota3A, %add3A_187] : memref<16x200xf32, #tpu.memory_space<vmem>>[vector<16xi32>, vector<16xi32>], vector<16xf32>,
        %add3A_189 = arith.constant 100 : i32
        %add3A_190 = vector.broadcast %add3A_189 : i32 to vector<16xi32>
        %add3A_191 = arith.addi %add3A_187, %add3A_190 : vector<16xi32>
        %gather3A_192 = tpu.vector_load_idx %arg4[%iota3A, %add3A_191] : memref<16x200xf32, #tpu.memory_space<vmem>>[vector<16xi32>, vector<16xi32>], vector<16xf32>,
        %max3A_193 = arith.maximumf %max3A_138, %gather3A_188 : vector<16xf32>
        %min3A_194 = arith.minimumf %max3A_138, %gather3A_188 : vector<16xf32>
        %max3A_195 = arith.maximumf %max3A_140, %gather3A_192 : vector<16xf32>
        %min3A_196 = arith.minimumf %max3A_140, %gather3A_192 : vector<16xf32>
        %max3A_197 = arith.maximumf %max3A_142, %min3A_194 : vector<16xf32>
        %min3A_198 = arith.minimumf %max3A_142, %min3A_194 : vector<16xf32>
        %max3A_199 = arith.maximumf %max3A_144, %min3A_196 : vector<16xf32>
        %min3A_200 = arith.minimumf %max3A_144, %min3A_196 : vector<16xf32>
        %max3A_201 = arith.maximumf %max3A_146, %min3A_198 : vector<16xf32>
        %min3A_202 = arith.minimumf %max3A_146, %min3A_198 : vector<16xf32>
        %max3A_203 = arith.maximumf %max3A_148, %min3A_200 : vector<16xf32>
        %min3A_204 = arith.minimumf %max3A_148, %min3A_200 : vector<16xf32>
        %max3A_205 = arith.maximumf %max3A_150, %min3A_202 : vector<16xf32>
        %min3A_206 = arith.minimumf %max3A_150, %min3A_202 : vector<16xf32>
        %max3A_207 = arith.maximumf %max3A_152, %min3A_204 : vector<16xf32>
        %min3A_208 = arith.minimumf %max3A_152, %min3A_204 : vector<16xf32>
        %max3A_209 = arith.maximumf %max3A_154, %min3A_206 : vector<16xf32>
        %min3A_210 = arith.minimumf %max3A_154, %min3A_206 : vector<16xf32>
        %max3A_211 = arith.maximumf %max3A_156, %min3A_208 : vector<16xf32>
        %min3A_212 = arith.minimumf %max3A_156, %min3A_208 : vector<16xf32>
        %max3A_213 = arith.maximumf %max3A_158, %min3A_210 : vector<16xf32>
        %min3A_214 = arith.minimumf %max3A_158, %min3A_210 : vector<16xf32>
        %max3A_215 = arith.maximumf %max3A_160, %min3A_212 : vector<16xf32>
        %min3A_216 = arith.minimumf %max3A_160, %min3A_212 : vector<16xf32>
        %max3A_217 = arith.maximumf %max3A_162, %min3A_214 : vector<16xf32>
        %min3A_218 = arith.minimumf %max3A_162, %min3A_214 : vector<16xf32>
        %max3A_219 = arith.maximumf %max3A_164, %min3A_216 : vector<16xf32>
        %min3A_220 = arith.minimumf %max3A_164, %min3A_216 : vector<16xf32>
        %max3A_221 = arith.maximumf %max3A_166, %min3A_218 : vector<16xf32>
        %min3A_222 = arith.minimumf %max3A_166, %min3A_218 : vector<16xf32>
        %max3A_223 = arith.maximumf %max3A_168, %min3A_220 : vector<16xf32>
        %min3A_224 = arith.minimumf %max3A_168, %min3A_220 : vector<16xf32>
        %max3A_225 = arith.maximumf %max3A_170, %min3A_222 : vector<16xf32>
        %min3A_226 = arith.minimumf %max3A_170, %min3A_222 : vector<16xf32>
        %max3A_227 = arith.maximumf %max3A_172, %min3A_224 : vector<16xf32>
        %min3A_228 = arith.minimumf %max3A_172, %min3A_224 : vector<16xf32>
        %max3A_229 = arith.maximumf %max3A_174, %min3A_226 : vector<16xf32>
        %min3A_230 = arith.minimumf %max3A_174, %min3A_226 : vector<16xf32>
        %max3A_231 = arith.maximumf %max3A_176, %min3A_228 : vector<16xf32>
        %min3A_232 = arith.minimumf %max3A_176, %min3A_228 : vector<16xf32>
        scf.yield %max3A_193, %max3A_197, %max3A_201, %max3A_205, %max3A_209, %max3A_213, %max3A_217, %max3A_221, %max3A_225, %max3A_229, %max3A_195, %max3A_199, %max3A_203, %max3A_207, %max3A_211, %max3A_215, %max3A_219, %max3A_223, %max3A_227, %max3A_231 : vector<16xf32>, vector<16xf32>, vector<16xf32>, vector<16xf32>, vector<16xf32>, vector<16xf32>, vector<16xf32>, vector<16xf32>, vector<16xf32>, vector<16xf32>, vector<16xf32>, vector<16xf32>, vector<16xf32>, vector<16xf32>, vector<16xf32>, vector<16xf32>, vector<16xf32>, vector<16xf32>, vector<16xf32>, vector<16xf32>
      }
      %scan3A_42 = arith.constant 100 : i32
      %max3A = arith.maximumf %scan3A_41#0, %scan3A_41#19 : vector<16xf32>
      %max3A_43 = arith.maximumf %scan3A_41#1, %scan3A_41#18 : vector<16xf32>
      %max3A_44 = arith.maximumf %scan3A_41#2, %scan3A_41#17 : vector<16xf32>
      %max3A_45 = arith.maximumf %scan3A_41#3, %scan3A_41#16 : vector<16xf32>
      %max3A_46 = arith.maximumf %scan3A_41#4, %scan3A_41#15 : vector<16xf32>
      %max3A_47 = arith.maximumf %scan3A_41#5, %scan3A_41#14 : vector<16xf32>
      %max3A_48 = arith.maximumf %scan3A_41#6, %scan3A_41#13 : vector<16xf32>
      %max3A_49 = arith.maximumf %scan3A_41#7, %scan3A_41#12 : vector<16xf32>
      %max3A_50 = arith.maximumf %scan3A_41#8, %scan3A_41#11 : vector<16xf32>
      %max3A_51 = arith.maximumf %scan3A_41#9, %scan3A_41#10 : vector<16xf32>
      %min3A = arith.minimumf %max3A, %max3A_43 : vector<16xf32>
      %min3A_52 = arith.minimumf %max3A_44, %max3A_45 : vector<16xf32>
      %min3A_53 = arith.minimumf %max3A_46, %max3A_47 : vector<16xf32>
      %min3A_54 = arith.minimumf %max3A_48, %max3A_49 : vector<16xf32>
      %min3A_55 = arith.minimumf %max3A_50, %max3A_51 : vector<16xf32>
      %min3A_56 = arith.minimumf %min3A, %min3A_52 : vector<16xf32>
      %min3A_57 = arith.minimumf %min3A_53, %min3A_54 : vector<16xf32>
      %min3A_58 = arith.minimumf %min3A_56, %min3A_57 : vector<16xf32>
      %min3A_59 = arith.minimumf %min3A_58, %min3A_55 : vector<16xf32>
      %swap3A = arith.index_cast %mul3A_20 : i32 to index
      %swap3A_60 = arith.constant 0 : index
      %swap3A_61 = tpu.vector_load %arg6[%swap3A, %swap3A_60] {strides = array<i32>} : memref<6x16xf32, #tpu.memory_space<vmem>>, vector<16xf32>,
      tpu.vector_store %arg6[%swap3A, %swap3A_60], %min3A_59 {strides = array<i32>} : memref<6x16xf32, #tpu.memory_space<vmem>>, vector<16xf32>,
      %lt3A = arith.constant 2 : i32
      %lt3A_62 = arith.cmpi slt, %add3A_18, %lt3A : i32
      %convert_element_type3A = arith.extui %lt3A_62 : i1 to i32
      %cond3A = arith.constant 0 : i32
      %cond3A_63 = arith.cmpi ne, %convert_element_type3A, %cond3A : i32
      scf.if %cond3A_63 {
        %add3A_105 = arith.constant 2 : i32
        %add3A_106 = arith.addi %mul3A_20, %add3A_105 : i32
        %mul3A_107 = arith.constant 16 : i32
        %mul3A_108 = arith.muli %add3A_106, %mul3A_107 : i32
        %add3A_109 = arith.addi %add3A_4, %mul3A_108 : i32
        %dma_start3A_110 = arith.constant 0 : i32
        %dma_start3A_111 = tpu.memref_slice %arg2[%add3A_109, %dma_start3A_110] : memref<16384x200xf32, #tpu.memory_space<hbm>> -> memref<16x200xf32, #tpu.memory_space<hbm>>
        %dma_start3A_112 = arith.constant 0 : i32
        %dma_start3A_113 = tpu.memref_slice %arg2[%add3A_109, %dma_start3A_112] : memref<16384x200xf32, #tpu.memory_space<hbm>> -> memref<16x200xf32, #tpu.memory_space<hbm>>
        tpu.enqueue_dma source(%dma_start3A_113 : memref<16x200xf32, #tpu.memory_space<hbm>>) target(%arg4 : memref<16x200xf32, #tpu.memory_space<vmem>>) target_semaphore(%arg7 : memref<!tpu.dma_semaphore, #tpu.memory_space<semaphore_mem>>)
      } else {
      }
      %add3A_64 = arith.constant 1 : i32
      %add3A_65 = arith.addi %mul3A_20, %add3A_64 : i32
      %mul3A_66 = arith.constant 16 : i32
      %mul3A_67 = arith.muli %add3A_65, %mul3A_66 : i32
      %add3A_68 = arith.addi %add3A_4, %mul3A_67 : i32
      %dma_wait3A_69 = arith.constant 0 : i32
      %dma_wait3A_70 = tpu.memref_slice %arg2[%add3A_68, %dma_wait3A_69] : memref<16384x200xf32, #tpu.memory_space<hbm>> -> memref<16x200xf32, #tpu.memory_space<hbm>>
      %dma_wait3A_71 = arith.constant 0 : i32
      %dma_wait3A_72 = tpu.memref_slice %arg2[%add3A_68, %dma_wait3A_71] : memref<16384x200xf32, #tpu.memory_space<hbm>> -> memref<16x200xf32, #tpu.memory_space<hbm>>
      tpu.wait_dma2 semaphore(%arg8 : memref<!tpu.dma_semaphore, #tpu.memory_space<semaphore_mem>>) src(%dma_wait3A_72 : memref<16x200xf32, #tpu.memory_space<hbm>>) dst(%arg5 : memref<16x200xf32, #tpu.memory_space<vmem>>)
      %add3A_73 = arith.constant 1 : i32
      %add3A_74 = arith.addi %mul3A_20, %add3A_73 : i32
      %broadcast_in_dim3A_75 = arith.constant 0xFF800000 : f32
      %broadcast_in_dim3A_76 = vector.broadcast %broadcast_in_dim3A_75 : f32 to vector<16xf32>
      %scan3A_77 = arith.constant 0 : i32
      %scan3A_78 = arith.constant 100 : i32
      %scan3A_79 = arith.addi %scan3A_77, %scan3A_78 : i32
      %scan3A_80 = arith.constant 2 : i32
      %scan3A_81:20 = scf.for %scan3A_105 = %scan3A_77 to %scan3A_79 step %scan3A_80 iter_args(%scan3A_106 = %broadcast_in_dim3A_76, %scan3A_107 = %broadcast_in_dim3A_76, %scan3A_108 = %broadcast_in_dim3A_76, %scan3A_109 = %broadcast_in_dim3A_76, %scan3A_110 = %broadcast_in_dim3A_76, %scan3A_111 = %broadcast_in_dim3A_76, %scan3A_112 = %broadcast_in_dim3A_76, %scan3A_113 = %broadcast_in_dim3A_76, %scan3A_114 = %broadcast_in_dim3A_76, %scan3A_115 = %broadcast_in_dim3A_76, %scan3A_116 = %broadcast_in_dim3A_76, %scan3A_117 = %broadcast_in_dim3A_76, %scan3A_118 = %broadcast_in_dim3A_76, %scan3A_119 = %broadcast_in_dim3A_76, %scan3A_120 = %broadcast_in_dim3A_76, %scan3A_121 = %broadcast_in_dim3A_76, %scan3A_122 = %broadcast_in_dim3A_76, %scan3A_123 = %broadcast_in_dim3A_76, %scan3A_124 = %broadcast_in_dim3A_76, %scan3A_125 = %broadcast_in_dim3A_76) -> (vector<16xf32>, vector<16xf32>, vector<16xf32>, vector<16xf32>, vector<16xf32>, vector<16xf32>, vector<16xf32>, vector<16xf32>, vector<16xf32>, vector<16xf32>, vector<16xf32>, vector<16xf32>, vector<16xf32>, vector<16xf32>, vector<16xf32>, vector<16xf32>, vector<16xf32>, vector<16xf32>, vector<16xf32>, vector<16xf32>)  : i32 {
        %mul3A_126 = arith.constant 1 : i32
        %mul3A_127 = arith.muli %scan3A_105, %mul3A_126 : i32
        %add3A_128 = arith.constant 0 : i32
        %add3A_129 = arith.addi %add3A_128, %mul3A_127 : i32
        %broadcast_in_dim3A_130 = arith.constant 0 : i32
        %broadcast_in_dim3A_131 = vector.broadcast %broadcast_in_dim3A_130 : i32 to vector<16xi32>
        %add3A_132 = vector.broadcast %add3A_129 : i32 to vector<16xi32>
        %add3A_133 = arith.addi %broadcast_in_dim3A_131, %add3A_132 : vector<16xi32>
        %gather3A = tpu.vector_load_idx %arg5[%iota3A, %add3A_133] : memref<16x200xf32, #tpu.memory_space<vmem>>[vector<16xi32>, vector<16xi32>], vector<16xf32>,
        %add3A_134 = arith.constant 100 : i32
        %add3A_135 = vector.broadcast %add3A_134 : i32 to vector<16xi32>
        %add3A_136 = arith.addi %add3A_133, %add3A_135 : vector<16xi32>
        %gather3A_137 = tpu.vector_load_idx %arg5[%iota3A, %add3A_136] : memref<16x200xf32, #tpu.memory_space<vmem>>[vector<16xi32>, vector<16xi32>], vector<16xf32>,
        %max3A_138 = arith.maximumf %scan3A_106, %gather3A : vector<16xf32>
        %min3A_139 = arith.minimumf %scan3A_106, %gather3A : vector<16xf32>
        %max3A_140 = arith.maximumf %scan3A_116, %gather3A_137 : vector<16xf32>
        %min3A_141 = arith.minimumf %scan3A_116, %gather3A_137 : vector<16xf32>
        %max3A_142 = arith.maximumf %scan3A_107, %min3A_139 : vector<16xf32>
        %min3A_143 = arith.minimumf %scan3A_107, %min3A_139 : vector<16xf32>
        %max3A_144 = arith.maximumf %scan3A_117, %min3A_141 : vector<16xf32>
        %min3A_145 = arith.minimumf %scan3A_117, %min3A_141 : vector<16xf32>
        %max3A_146 = arith.maximumf %scan3A_108, %min3A_143 : vector<16xf32>
        %min3A_147 = arith.minimumf %scan3A_108, %min3A_143 : vector<16xf32>
        %max3A_148 = arith.maximumf %scan3A_118, %min3A_145 : vector<16xf32>
        %min3A_149 = arith.minimumf %scan3A_118, %min3A_145 : vector<16xf32>
        %max3A_150 = arith.maximumf %scan3A_109, %min3A_147 : vector<16xf32>
        %min3A_151 = arith.minimumf %scan3A_109, %min3A_147 : vector<16xf32>
        %max3A_152 = arith.maximumf %scan3A_119, %min3A_149 : vector<16xf32>
        %min3A_153 = arith.minimumf %scan3A_119, %min3A_149 : vector<16xf32>
        %max3A_154 = arith.maximumf %scan3A_110, %min3A_151 : vector<16xf32>
        %min3A_155 = arith.minimumf %scan3A_110, %min3A_151 : vector<16xf32>
        %max3A_156 = arith.maximumf %scan3A_120, %min3A_153 : vector<16xf32>
        %min3A_157 = arith.minimumf %scan3A_120, %min3A_153 : vector<16xf32>
        %max3A_158 = arith.maximumf %scan3A_111, %min3A_155 : vector<16xf32>
        %min3A_159 = arith.minimumf %scan3A_111, %min3A_155 : vector<16xf32>
        %max3A_160 = arith.maximumf %scan3A_121, %min3A_157 : vector<16xf32>
        %min3A_161 = arith.minimumf %scan3A_121, %min3A_157 : vector<16xf32>
        %max3A_162 = arith.maximumf %scan3A_112, %min3A_159 : vector<16xf32>
        %min3A_163 = arith.minimumf %scan3A_112, %min3A_159 : vector<16xf32>
        %max3A_164 = arith.maximumf %scan3A_122, %min3A_161 : vector<16xf32>
        %min3A_165 = arith.minimumf %scan3A_122, %min3A_161 : vector<16xf32>
        %max3A_166 = arith.maximumf %scan3A_113, %min3A_163 : vector<16xf32>
        %min3A_167 = arith.minimumf %scan3A_113, %min3A_163 : vector<16xf32>
        %max3A_168 = arith.maximumf %scan3A_123, %min3A_165 : vector<16xf32>
        %min3A_169 = arith.minimumf %scan3A_123, %min3A_165 : vector<16xf32>
        %max3A_170 = arith.maximumf %scan3A_114, %min3A_167 : vector<16xf32>
        %min3A_171 = arith.minimumf %scan3A_114, %min3A_167 : vector<16xf32>
        %max3A_172 = arith.maximumf %scan3A_124, %min3A_169 : vector<16xf32>
        %min3A_173 = arith.minimumf %scan3A_124, %min3A_169 : vector<16xf32>
        %max3A_174 = arith.maximumf %scan3A_115, %min3A_171 : vector<16xf32>
        %min3A_175 = arith.minimumf %scan3A_115, %min3A_171 : vector<16xf32>
        %max3A_176 = arith.maximumf %scan3A_125, %min3A_173 : vector<16xf32>
        %min3A_177 = arith.minimumf %scan3A_125, %min3A_173 : vector<16xf32>
        %scan3A_178 = arith.constant 1 : i32
        %scan3A_179 = arith.addi %scan3A_105, %scan3A_178 : i32
        %mul3A_180 = arith.constant 1 : i32
        %mul3A_181 = arith.muli %scan3A_179, %mul3A_180 : i32
        %add3A_182 = arith.constant 0 : i32
        %add3A_183 = arith.addi %add3A_182, %mul3A_181 : i32
        %broadcast_in_dim3A_184 = arith.constant 0 : i32
        %broadcast_in_dim3A_185 = vector.broadcast %broadcast_in_dim3A_184 : i32 to vector<16xi32>
        %add3A_186 = vector.broadcast %add3A_183 : i32 to vector<16xi32>
        %add3A_187 = arith.addi %broadcast_in_dim3A_185, %add3A_186 : vector<16xi32>
        %gather3A_188 = tpu.vector_load_idx %arg5[%iota3A, %add3A_187] : memref<16x200xf32, #tpu.memory_space<vmem>>[vector<16xi32>, vector<16xi32>], vector<16xf32>,
        %add3A_189 = arith.constant 100 : i32
        %add3A_190 = vector.broadcast %add3A_189 : i32 to vector<16xi32>
        %add3A_191 = arith.addi %add3A_187, %add3A_190 : vector<16xi32>
        %gather3A_192 = tpu.vector_load_idx %arg5[%iota3A, %add3A_191] : memref<16x200xf32, #tpu.memory_space<vmem>>[vector<16xi32>, vector<16xi32>], vector<16xf32>,
        %max3A_193 = arith.maximumf %max3A_138, %gather3A_188 : vector<16xf32>
        %min3A_194 = arith.minimumf %max3A_138, %gather3A_188 : vector<16xf32>
        %max3A_195 = arith.maximumf %max3A_140, %gather3A_192 : vector<16xf32>
        %min3A_196 = arith.minimumf %max3A_140, %gather3A_192 : vector<16xf32>
        %max3A_197 = arith.maximumf %max3A_142, %min3A_194 : vector<16xf32>
        %min3A_198 = arith.minimumf %max3A_142, %min3A_194 : vector<16xf32>
        %max3A_199 = arith.maximumf %max3A_144, %min3A_196 : vector<16xf32>
        %min3A_200 = arith.minimumf %max3A_144, %min3A_196 : vector<16xf32>
        %max3A_201 = arith.maximumf %max3A_146, %min3A_198 : vector<16xf32>
        %min3A_202 = arith.minimumf %max3A_146, %min3A_198 : vector<16xf32>
        %max3A_203 = arith.maximumf %max3A_148, %min3A_200 : vector<16xf32>
        %min3A_204 = arith.minimumf %max3A_148, %min3A_200 : vector<16xf32>
        %max3A_205 = arith.maximumf %max3A_150, %min3A_202 : vector<16xf32>
        %min3A_206 = arith.minimumf %max3A_150, %min3A_202 : vector<16xf32>
        %max3A_207 = arith.maximumf %max3A_152, %min3A_204 : vector<16xf32>
        %min3A_208 = arith.minimumf %max3A_152, %min3A_204 : vector<16xf32>
        %max3A_209 = arith.maximumf %max3A_154, %min3A_206 : vector<16xf32>
        %min3A_210 = arith.minimumf %max3A_154, %min3A_206 : vector<16xf32>
        %max3A_211 = arith.maximumf %max3A_156, %min3A_208 : vector<16xf32>
        %min3A_212 = arith.minimumf %max3A_156, %min3A_208 : vector<16xf32>
        %max3A_213 = arith.maximumf %max3A_158, %min3A_210 : vector<16xf32>
        %min3A_214 = arith.minimumf %max3A_158, %min3A_210 : vector<16xf32>
        %max3A_215 = arith.maximumf %max3A_160, %min3A_212 : vector<16xf32>
        %min3A_216 = arith.minimumf %max3A_160, %min3A_212 : vector<16xf32>
        %max3A_217 = arith.maximumf %max3A_162, %min3A_214 : vector<16xf32>
        %min3A_218 = arith.minimumf %max3A_162, %min3A_214 : vector<16xf32>
        %max3A_219 = arith.maximumf %max3A_164, %min3A_216 : vector<16xf32>
        %min3A_220 = arith.minimumf %max3A_164, %min3A_216 : vector<16xf32>
        %max3A_221 = arith.maximumf %max3A_166, %min3A_218 : vector<16xf32>
        %min3A_222 = arith.minimumf %max3A_166, %min3A_218 : vector<16xf32>
        %max3A_223 = arith.maximumf %max3A_168, %min3A_220 : vector<16xf32>
        %min3A_224 = arith.minimumf %max3A_168, %min3A_220 : vector<16xf32>
        %max3A_225 = arith.maximumf %max3A_170, %min3A_222 : vector<16xf32>
        %min3A_226 = arith.minimumf %max3A_170, %min3A_222 : vector<16xf32>
        %max3A_227 = arith.maximumf %max3A_172, %min3A_224 : vector<16xf32>
        %min3A_228 = arith.minimumf %max3A_172, %min3A_224 : vector<16xf32>
        %max3A_229 = arith.maximumf %max3A_174, %min3A_226 : vector<16xf32>
        %min3A_230 = arith.minimumf %max3A_174, %min3A_226 : vector<16xf32>
        %max3A_231 = arith.maximumf %max3A_176, %min3A_228 : vector<16xf32>
        %min3A_232 = arith.minimumf %max3A_176, %min3A_228 : vector<16xf32>
        scf.yield %max3A_193, %max3A_197, %max3A_201, %max3A_205, %max3A_209, %max3A_213, %max3A_217, %max3A_221, %max3A_225, %max3A_229, %max3A_195, %max3A_199, %max3A_203, %max3A_207, %max3A_211, %max3A_215, %max3A_219, %max3A_223, %max3A_227, %max3A_231 : vector<16xf32>, vector<16xf32>, vector<16xf32>, vector<16xf32>, vector<16xf32>, vector<16xf32>, vector<16xf32>, vector<16xf32>, vector<16xf32>, vector<16xf32>, vector<16xf32>, vector<16xf32>, vector<16xf32>, vector<16xf32>, vector<16xf32>, vector<16xf32>, vector<16xf32>, vector<16xf32>, vector<16xf32>, vector<16xf32>
      }
      %scan3A_82 = arith.constant 100 : i32
      %max3A_83 = arith.maximumf %scan3A_81#0, %scan3A_81#19 : vector<16xf32>
      %max3A_84 = arith.maximumf %scan3A_81#1, %scan3A_81#18 : vector<16xf32>
      %max3A_85 = arith.maximumf %scan3A_81#2, %scan3A_81#17 : vector<16xf32>
      %max3A_86 = arith.maximumf %scan3A_81#3, %scan3A_81#16 : vector<16xf32>
      %max3A_87 = arith.maximumf %scan3A_81#4, %scan3A_81#15 : vector<16xf32>
      %max3A_88 = arith.maximumf %scan3A_81#5, %scan3A_81#14 : vector<16xf32>
      %max3A_89 = arith.maximumf %scan3A_81#6, %scan3A_81#13 : vector<16xf32>
      %max3A_90 = arith.maximumf %scan3A_81#7, %scan3A_81#12 : vector<16xf32>
      %max3A_91 = arith.maximumf %scan3A_81#8, %scan3A_81#11 : vector<16xf32>
      %max3A_92 = arith.maximumf %scan3A_81#9, %scan3A_81#10 : vector<16xf32>
      %min3A_93 = arith.minimumf %max3A_83, %max3A_84 : vector<16xf32>
      %min3A_94 = arith.minimumf %max3A_85, %max3A_86 : vector<16xf32>
      %min3A_95 = arith.minimumf %max3A_87, %max3A_88 : vector<16xf32>
      %min3A_96 = arith.minimumf %max3A_89, %max3A_90 : vector<16xf32>
      %min3A_97 = arith.minimumf %max3A_91, %max3A_92 : vector<16xf32>
      %min3A_98 = arith.minimumf %min3A_93, %min3A_94 : vector<16xf32>
      %min3A_99 = arith.minimumf %min3A_95, %min3A_96 : vector<16xf32>
      %min3A_100 = arith.minimumf %min3A_98, %min3A_99 : vector<16xf32>
      %min3A_101 = arith.minimumf %min3A_100, %min3A_97 : vector<16xf32>
      %swap3A_102 = arith.index_cast %add3A_74 : i32 to index
      %swap3A_103 = arith.constant 0 : index
      %swap3A_104 = tpu.vector_load %arg6[%swap3A_102, %swap3A_103] {strides = array<i32>} : memref<6x16xf32, #tpu.memory_space<vmem>>, vector<16xf32>,
      tpu.vector_store %arg6[%swap3A_102, %swap3A_103], %min3A_101 {strides = array<i32>} : memref<6x16xf32, #tpu.memory_space<vmem>>, vector<16xf32>,
    }
    %scan3A_13 = arith.constant 3 : i32
    "tpu.region"() ({
      %run_scoped3A = tpu.sem_alloc : memref<!tpu.dma_semaphore, #tpu.memory_space<semaphore_mem>>
      %dma_start3A_14 = arith.constant 0 : i32
      %dma_start3A_15 = arith.constant 0 : i32
      %dma_start3A_16 = tpu.memref_slice %arg3[%add3A, %dma_start3A_14, %dma_start3A_15] : memref<32x6x16xf32, #tpu.memory_space<hbm>> -> memref<1x6x16xf32, #tpu.memory_space<hbm>>
      %dma_start3A_17 = tpu.memref_squeeze %dma_start3A_16 : memref<1x6x16xf32, #tpu.memory_space<hbm>> -> memref<6x16xf32, #tpu.memory_space<hbm>>
      %dma_start3A_18 = arith.constant 0 : i32
      %dma_start3A_19 = arith.constant 0 : i32
      %dma_start3A_20 = tpu.memref_slice %arg3[%add3A, %dma_start3A_18, %dma_start3A_19] : memref<32x6x16xf32, #tpu.memory_space<hbm>> -> memref<1x6x16xf32, #tpu.memory_space<hbm>>
      %dma_start3A_21 = tpu.memref_squeeze %dma_start3A_20 : memref<1x6x16xf32, #tpu.memory_space<hbm>> -> memref<6x16xf32, #tpu.memory_space<hbm>>
      tpu.enqueue_dma source(%arg6 : memref<6x16xf32, #tpu.memory_space<vmem>>) target(%dma_start3A_21 : memref<6x16xf32, #tpu.memory_space<hbm>>) target_semaphore(%run_scoped3A : memref<!tpu.dma_semaphore, #tpu.memory_space<semaphore_mem>>)
      %dma_wait3A = arith.constant 0 : i32
      %dma_wait3A_22 = arith.constant 0 : i32
      %dma_wait3A_23 = tpu.memref_slice %arg3[%add3A, %dma_wait3A, %dma_wait3A_22] : memref<32x6x16xf32, #tpu.memory_space<hbm>> -> memref<1x6x16xf32, #tpu.memory_space<hbm>>
      %dma_wait3A_24 = tpu.memref_squeeze %dma_wait3A_23 : memref<1x6x16xf32, #tpu.memory_space<hbm>> -> memref<6x16xf32, #tpu.memory_space<hbm>>
      %dma_wait3A_25 = arith.constant 0 : i32
      %dma_wait3A_26 = arith.constant 0 : i32
      %dma_wait3A_27 = tpu.memref_slice %arg3[%add3A, %dma_wait3A_25, %dma_wait3A_26] : memref<32x6x16xf32, #tpu.memory_space<hbm>> -> memref<1x6x16xf32, #tpu.memory_space<hbm>>
      %dma_wait3A_28 = tpu.memref_squeeze %dma_wait3A_27 : memref<1x6x16xf32, #tpu.memory_space<hbm>> -> memref<6x16xf32, #tpu.memory_space<hbm>>
      tpu.wait_dma2 semaphore(%run_scoped3A : memref<!tpu.dma_semaphore, #tpu.memory_space<semaphore_mem>>) src(%arg6 : memref<6x16xf32, #tpu.memory_space<vmem>>) dst(%dma_wait3A_28 : memref<6x16xf32, #tpu.memory_space<hbm>>)
      tpu.yield
    }) : () -> ()
    return
  }
}

module attributes {stable_mosaic.version = 14 : i64} {
  func.func @body(%arg0: i32, %arg1: memref<512x200xf32, #tpu.memory_space<vmem>>, %arg2: memref<512x200xf32, #tpu.memory_space<vmem>>, %arg3: memref<1x1x512xf32, #tpu.memory_space<vmem>>, %arg4: memref<1x1xf32, #tpu.memory_space<smem>>, %arg5: memref<1x1xf32, #tpu.memory_space<smem>>, %arg6: memref<1xf32, #tpu.memory_space<smem>>) attributes {dimension_semantics = [#tpu.dimension_semantics<arbitrary>], iteration_bounds = array<i64: 16>, scalar_prefetch = 0 : i64, scratch_operands = 1 : i64, tpu.core_type = #tpu.core_type<tc>, window_params = [{transform_indices = @transform_0, window_bounds = array<i64: 512, 200>}, {transform_indices = @transform_1, window_bounds = array<i64: 512, 200>}, {transform_indices = @transform_2, window_bounds = array<i64: 1, 1, 512>}, {transform_indices = @transform_3, window_bounds = array<i64: 1, 1>}, {transform_indices = @transform_4, window_bounds = array<i64: 1, 1>}]} {
    %get3A = arith.constant 0 : index
    %get3A_0 = arith.constant 0 : index
    %get3A_1 = vector.load %arg1[%get3A, %get3A_0] : memref<512x200xf32, #tpu.memory_space<vmem>>, vector<512x200xf32>
    %get3A_2 = arith.constant 0 : index
    %get3A_3 = arith.constant 0 : index
    %get3A_4 = vector.load %arg2[%get3A_2, %get3A_3] : memref<512x200xf32, #tpu.memory_space<vmem>>, vector<512x200xf32>
    %get3A_5 = arith.constant 0 : index
    %get3A_6 = arith.constant 0 : index
    %get3A_7 = arith.constant 0 : index
    %get3A_8 = vector.load %arg3[%get3A_5, %get3A_6, %get3A_7] : memref<1x1x512xf32, #tpu.memory_space<vmem>>, vector<1x1x512xf32>
    %reshape3A = vector.shape_cast %get3A_8 : vector<1x1x512xf32> to vector<512x1xf32>
    %ge3A = vector.broadcast %reshape3A : vector<512x1xf32> to vector<512x200xf32>
    %ge3A_9 = arith.cmpf oge, %get3A_4, %ge3A : vector<512x200xf32>
    %jit3A = arith.constant 0.000000e+00 : f32
    %broadcast_in_dim3A = vector.broadcast %jit3A : f32 to vector<512x200xf32>
    %select_n3A = arith.select %ge3A_9, %get3A_1, %broadcast_in_dim3A : vector<512x200xi1>, vector<512x200xf32>
    %reduce_sum3A = arith.constant dense<0.000000e+00> : vector<512xf32>
    %reduce_sum3A_10 = vector.multi_reduction <add>, %select_n3A, %reduce_sum3A [1] : vector<512x200xf32> to vector<512xf32>
    %broadcast_in_dim3A_11 = vector.shape_cast %reduce_sum3A_10 : vector<512xf32> to vector<512x1xf32>
    %reduce_sum3A_12 = arith.constant dense<0.000000e+00> : vector<512xf32>
    %reduce_sum3A_13 = vector.multi_reduction <add>, %get3A_1, %reduce_sum3A_12 [1] : vector<512x200xf32> to vector<512xf32>
    %broadcast_in_dim3A_14 = vector.shape_cast %reduce_sum3A_13 : vector<512xf32> to vector<512x1xf32>
    %mul3A = arith.constant 1.000000e-01 : f32
    %mul3A_15 = vector.broadcast %mul3A : f32 to vector<512x1xf32>
    %mul3A_16 = arith.mulf %broadcast_in_dim3A_11, %mul3A_15 : vector<512x1xf32>
    %sub3A = arith.subf %broadcast_in_dim3A_14, %broadcast_in_dim3A_11 : vector<512x1xf32>
    %mul3A_17 = arith.constant 0.00526315812 : f32
    %mul3A_18 = vector.broadcast %mul3A_17 : f32 to vector<512x1xf32>
    %mul3A_19 = arith.mulf %sub3A, %mul3A_18 : vector<512x1xf32>
    %sub3A_20 = arith.subf %mul3A_16, %mul3A_19 : vector<512x1xf32>
    %neg3A = arith.constant 0.000000e+00 : f32
    %neg3A_21 = vector.broadcast %neg3A : f32 to vector<512x1xf32>
    %neg3A_22 = arith.subf %neg3A_21, %sub3A_20 : vector<512x1xf32>
    %exp3A = math.exp %neg3A_22 : vector<512x1xf32>
    %add3A = arith.constant 1.000000e+00 : f32
    %add3A_23 = vector.broadcast %add3A : f32 to vector<512x1xf32>
    %add3A_24 = arith.addf %add3A_23, %exp3A : vector<512x1xf32>
    %div3A = arith.constant 1.000000e+00 : f32
    %div3A_25 = vector.broadcast %div3A : f32 to vector<512x1xf32>
    %div3A_26 = arith.divf %div3A_25, %add3A_24 : vector<512x1xf32>
    %add3A_27 = arith.constant 1.000000e-10 : f32
    %add3A_28 = vector.broadcast %add3A_27 : f32 to vector<512x1xf32>
    %add3A_29 = arith.addf %add3A_28, %div3A_26 : vector<512x1xf32>
    %log3A = math.log %add3A_29 : vector<512x1xf32>
    %reduce_sum3A_30 = vector.shape_cast %log3A : vector<512x1xf32> to vector<1x512x1xf32>
    %reduce_sum3A_31 = arith.constant dense<0.000000e+00> : vector<1xf32>
    %reduce_sum3A_32 = vector.multi_reduction <add>, %reduce_sum3A_30, %reduce_sum3A_31 [1, 2] : vector<1x512x1xf32> to vector<1xf32>
    %reduce_sum3A_33 = vector.shape_cast %reduce_sum3A_32 : vector<1xf32> to vector<1x1x1xf32>
    %reduce_sum3A_34 = vector.extract %reduce_sum3A_33[0, 0, 0] : f32 from vector<1x1x1xf32>
    %eq3A = arith.constant 0 : i32
    %eq3A_35 = arith.cmpi eq, %arg0, %eq3A : i32
    %convert_element_type3A = arith.extui %eq3A_35 : i1 to i32
    %cond3A = arith.constant 0 : i32
    %cond3A_36 = arith.cmpi ne, %convert_element_type3A, %cond3A : i32
    scf.if %cond3A_36 {
      %get3A_46 = arith.constant 0 : index
      %get3A_47 = arith.constant 0 : index
      %get3A_48 = memref.load %arg4[%get3A_46, %get3A_47] : memref<1x1xf32, #tpu.memory_space<smem>>
      %swap3A_49 = arith.constant 0 : index
      %swap3A_50 = memref.load %arg6[%swap3A_49] : memref<1xf32, #tpu.memory_space<smem>>
      memref.store %get3A_48, %arg6[%swap3A_49] : memref<1xf32, #tpu.memory_space<smem>>
    } else {
    }
    %get3A_37 = arith.constant 0 : index
    %get3A_38 = memref.load %arg6[%get3A_37] : memref<1xf32, #tpu.memory_space<smem>>
    %add3A_39 = arith.addf %get3A_38, %reduce_sum3A_34 : f32
    %swap3A = arith.constant 0 : index
    %swap3A_40 = memref.load %arg6[%swap3A] : memref<1xf32, #tpu.memory_space<smem>>
    memref.store %add3A_39, %arg6[%swap3A] : memref<1xf32, #tpu.memory_space<smem>>
    %eq3A_41 = arith.constant 15 : i32
    %eq3A_42 = arith.cmpi eq, %arg0, %eq3A_41 : i32
    %convert_element_type3A_43 = arith.extui %eq3A_42 : i1 to i32
    %cond3A_44 = arith.constant 0 : i32
    %cond3A_45 = arith.cmpi ne, %convert_element_type3A_43, %cond3A_44 : i32
    scf.if %cond3A_45 {
      %get3A_46 = arith.constant 0 : index
      %get3A_47 = memref.load %arg6[%get3A_46] : memref<1xf32, #tpu.memory_space<smem>>
      %swap3A_48 = arith.constant 0 : index
      %swap3A_49 = arith.constant 0 : index
      %swap3A_50 = memref.load %arg5[%swap3A_48, %swap3A_49] : memref<1x1xf32, #tpu.memory_space<smem>>
      memref.store %get3A_47, %arg5[%swap3A_48, %swap3A_49] : memref<1x1xf32, #tpu.memory_space<smem>>
    } else {
    }
    return
  }
  func.func @transform_0(%arg0: i32) -> (i32, i32) {
    %add3A = arith.constant 0 : i32
    %add3A_0 = arith.addi %add3A, %arg0 : i32
    %c0_i32 = arith.constant 0 : i32
    %c0_i32_1 = arith.constant 0 : i32
    return %add3A_0, %c0_i32 : i32, i32
  }
  func.func @transform_1(%arg0: i32) -> (i32, i32) {
    %add3A = arith.constant 0 : i32
    %add3A_0 = arith.addi %add3A, %arg0 : i32
    %c0_i32 = arith.constant 0 : i32
    %c0_i32_1 = arith.constant 0 : i32
    return %add3A_0, %c0_i32 : i32, i32
  }
  func.func @transform_2(%arg0: i32) -> (i32, i32, i32) {
    %c0_i32 = arith.constant 0 : i32
    %c0_i32_0 = arith.constant 0 : i32
    %c0_i32_1 = arith.constant 0 : i32
    return %arg0, %c0_i32, %c0_i32_0 : i32, i32, i32
  }
  func.func @transform_3(%arg0: i32) -> (i32, i32) {
    %c0_i32 = arith.constant 0 : i32
    %c0_i32_0 = arith.constant 0 : i32
    %c0_i32_1 = arith.constant 0 : i32
    return %c0_i32, %c0_i32_0 : i32, i32
  }
  func.func @transform_4(%arg0: i32) -> (i32, i32) {
    %c0_i32 = arith.constant 0 : i32
    %c0_i32_0 = arith.constant 0 : i32
    %c0_i32_1 = arith.constant 0 : i32
    return %c0_i32, %c0_i32_0 : i32, i32
  }
}

module attributes {stable_mosaic.version = 14 : i64} {
  func.func @body(%arg0: i32, %arg1: memref<512x200xf32, #tpu.memory_space<vmem>>, %arg2: memref<512x200xf32, #tpu.memory_space<vmem>>, %arg3: memref<1x1x512xf32, #tpu.memory_space<vmem>>, %arg4: memref<1x1xf32, #tpu.memory_space<smem>>, %arg5: memref<1x1xf32, #tpu.memory_space<smem>>, %arg6: memref<1xf32, #tpu.memory_space<smem>>) attributes {dimension_semantics = [#tpu.dimension_semantics<arbitrary>], iteration_bounds = array<i64: 10>, scalar_prefetch = 0 : i64, scratch_operands = 1 : i64, tpu.core_type = #tpu.core_type<tc>, window_params = [{transform_indices = @transform_0, window_bounds = array<i64: 512, 200>}, {transform_indices = @transform_1, window_bounds = array<i64: 512, 200>}, {transform_indices = @transform_2, window_bounds = array<i64: 1, 1, 512>}, {transform_indices = @transform_3, window_bounds = array<i64: 1, 1>}, {transform_indices = @transform_4, window_bounds = array<i64: 1, 1>}]} {
    %get3A = arith.constant 0 : index
    %get3A_0 = arith.constant 0 : index
    %get3A_1 = vector.load %arg1[%get3A, %get3A_0] : memref<512x200xf32, #tpu.memory_space<vmem>>, vector<512x200xf32>
    %get3A_2 = arith.constant 0 : index
    %get3A_3 = arith.constant 0 : index
    %get3A_4 = vector.load %arg2[%get3A_2, %get3A_3] : memref<512x200xf32, #tpu.memory_space<vmem>>, vector<512x200xf32>
    %get3A_5 = arith.constant 0 : index
    %get3A_6 = arith.constant 0 : index
    %get3A_7 = arith.constant 0 : index
    %get3A_8 = vector.load %arg3[%get3A_5, %get3A_6, %get3A_7] : memref<1x1x512xf32, #tpu.memory_space<vmem>>, vector<1x1x512xf32>
    %reshape3A = vector.shape_cast %get3A_8 : vector<1x1x512xf32> to vector<512x1xf32>
    %ge3A = vector.broadcast %reshape3A : vector<512x1xf32> to vector<512x200xf32>
    %ge3A_9 = arith.cmpf oge, %get3A_4, %ge3A : vector<512x200xf32>
    %jit3A = arith.constant 0.000000e+00 : f32
    %broadcast_in_dim3A = vector.broadcast %jit3A : f32 to vector<512x200xf32>
    %select_n3A = arith.select %ge3A_9, %get3A_1, %broadcast_in_dim3A : vector<512x200xi1>, vector<512x200xf32>
    %reduce_sum3A = arith.constant dense<0.000000e+00> : vector<512xf32>
    %reduce_sum3A_10 = vector.multi_reduction <add>, %select_n3A, %reduce_sum3A [1] : vector<512x200xf32> to vector<512xf32>
    %broadcast_in_dim3A_11 = vector.shape_cast %reduce_sum3A_10 : vector<512xf32> to vector<512x1xf32>
    %reduce_sum3A_12 = arith.constant dense<0.000000e+00> : vector<512xf32>
    %reduce_sum3A_13 = vector.multi_reduction <add>, %get3A_1, %reduce_sum3A_12 [1] : vector<512x200xf32> to vector<512xf32>
    %broadcast_in_dim3A_14 = vector.shape_cast %reduce_sum3A_13 : vector<512xf32> to vector<512x1xf32>
    %mul3A = arith.constant 1.000000e-01 : f32
    %mul3A_15 = vector.broadcast %mul3A : f32 to vector<512x1xf32>
    %mul3A_16 = arith.mulf %broadcast_in_dim3A_11, %mul3A_15 : vector<512x1xf32>
    %sub3A = arith.subf %broadcast_in_dim3A_14, %broadcast_in_dim3A_11 : vector<512x1xf32>
    %mul3A_17 = arith.constant 0.00526315812 : f32
    %mul3A_18 = vector.broadcast %mul3A_17 : f32 to vector<512x1xf32>
    %mul3A_19 = arith.mulf %sub3A, %mul3A_18 : vector<512x1xf32>
    %sub3A_20 = arith.subf %mul3A_16, %mul3A_19 : vector<512x1xf32>
    %neg3A = arith.constant 0.000000e+00 : f32
    %neg3A_21 = vector.broadcast %neg3A : f32 to vector<512x1xf32>
    %neg3A_22 = arith.subf %neg3A_21, %sub3A_20 : vector<512x1xf32>
    %exp3A = math.exp %neg3A_22 : vector<512x1xf32>
    %add3A = arith.constant 1.000000e+00 : f32
    %add3A_23 = vector.broadcast %add3A : f32 to vector<512x1xf32>
    %add3A_24 = arith.addf %add3A_23, %exp3A : vector<512x1xf32>
    %div3A = arith.constant 1.000000e+00 : f32
    %div3A_25 = vector.broadcast %div3A : f32 to vector<512x1xf32>
    %div3A_26 = arith.divf %div3A_25, %add3A_24 : vector<512x1xf32>
    %add3A_27 = arith.constant 1.000000e-10 : f32
    %add3A_28 = vector.broadcast %add3A_27 : f32 to vector<512x1xf32>
    %add3A_29 = arith.addf %add3A_28, %div3A_26 : vector<512x1xf32>
    %log3A = math.log %add3A_29 : vector<512x1xf32>
    %reduce_sum3A_30 = vector.shape_cast %log3A : vector<512x1xf32> to vector<1x512x1xf32>
    %reduce_sum3A_31 = arith.constant dense<0.000000e+00> : vector<1xf32>
    %reduce_sum3A_32 = vector.multi_reduction <add>, %reduce_sum3A_30, %reduce_sum3A_31 [1, 2] : vector<1x512x1xf32> to vector<1xf32>
    %reduce_sum3A_33 = vector.shape_cast %reduce_sum3A_32 : vector<1xf32> to vector<1x1x1xf32>
    %reduce_sum3A_34 = vector.extract %reduce_sum3A_33[0, 0, 0] : f32 from vector<1x1x1xf32>
    %eq3A = arith.constant 0 : i32
    %eq3A_35 = arith.cmpi eq, %arg0, %eq3A : i32
    %convert_element_type3A = arith.extui %eq3A_35 : i1 to i32
    %cond3A = arith.constant 0 : i32
    %cond3A_36 = arith.cmpi ne, %convert_element_type3A, %cond3A : i32
    scf.if %cond3A_36 {
      %get3A_46 = arith.constant 0 : index
      %get3A_47 = arith.constant 0 : index
      %get3A_48 = memref.load %arg4[%get3A_46, %get3A_47] : memref<1x1xf32, #tpu.memory_space<smem>>
      %swap3A_49 = arith.constant 0 : index
      %swap3A_50 = memref.load %arg6[%swap3A_49] : memref<1xf32, #tpu.memory_space<smem>>
      memref.store %get3A_48, %arg6[%swap3A_49] : memref<1xf32, #tpu.memory_space<smem>>
    } else {
    }
    %get3A_37 = arith.constant 0 : index
    %get3A_38 = memref.load %arg6[%get3A_37] : memref<1xf32, #tpu.memory_space<smem>>
    %add3A_39 = arith.addf %get3A_38, %reduce_sum3A_34 : f32
    %swap3A = arith.constant 0 : index
    %swap3A_40 = memref.load %arg6[%swap3A] : memref<1xf32, #tpu.memory_space<smem>>
    memref.store %add3A_39, %arg6[%swap3A] : memref<1xf32, #tpu.memory_space<smem>>
    %eq3A_41 = arith.constant 9 : i32
    %eq3A_42 = arith.cmpi eq, %arg0, %eq3A_41 : i32
    %convert_element_type3A_43 = arith.extui %eq3A_42 : i1 to i32
    %cond3A_44 = arith.constant 0 : i32
    %cond3A_45 = arith.cmpi ne, %convert_element_type3A_43, %cond3A_44 : i32
    scf.if %cond3A_45 {
      %get3A_46 = arith.constant 0 : index
      %get3A_47 = memref.load %arg6[%get3A_46] : memref<1xf32, #tpu.memory_space<smem>>
      %swap3A_48 = arith.constant 0 : index
      %swap3A_49 = arith.constant 0 : index
      %swap3A_50 = memref.load %arg5[%swap3A_48, %swap3A_49] : memref<1x1xf32, #tpu.memory_space<smem>>
      memref.store %get3A_47, %arg5[%swap3A_48, %swap3A_49] : memref<1x1xf32, #tpu.memory_space<smem>>
    } else {
    }
    return
  }
  func.func @transform_0(%arg0: i32) -> (i32, i32) {
    %add3A = arith.constant 16 : i32
    %add3A_0 = arith.addi %add3A, %arg0 : i32
    %c0_i32 = arith.constant 0 : i32
    %c0_i32_1 = arith.constant 0 : i32
    return %add3A_0, %c0_i32 : i32, i32
  }
  func.func @transform_1(%arg0: i32) -> (i32, i32) {
    %add3A = arith.constant 16 : i32
    %add3A_0 = arith.addi %add3A, %arg0 : i32
    %c0_i32 = arith.constant 0 : i32
    %c0_i32_1 = arith.constant 0 : i32
    return %add3A_0, %c0_i32 : i32, i32
  }
  func.func @transform_2(%arg0: i32) -> (i32, i32, i32) {
    %c0_i32 = arith.constant 0 : i32
    %c0_i32_0 = arith.constant 0 : i32
    %c0_i32_1 = arith.constant 0 : i32
    return %arg0, %c0_i32, %c0_i32_0 : i32, i32, i32
  }
  func.func @transform_3(%arg0: i32) -> (i32, i32) {
    %c0_i32 = arith.constant 0 : i32
    %c0_i32_0 = arith.constant 0 : i32
    %c0_i32_1 = arith.constant 0 : i32
    return %c0_i32, %c0_i32_0 : i32, i32
  }
  func.func @transform_4(%arg0: i32) -> (i32, i32) {
    %c0_i32 = arith.constant 0 : i32
    %c0_i32_0 = arith.constant 0 : i32
    %c0_i32_1 = arith.constant 0 : i32
    return %c0_i32, %c0_i32_0 : i32, i32
  }
}

module attributes {stable_mosaic.version = 14 : i64} {
  func.func @body(%arg0: i32, %arg1: memref<512x200xf32, #tpu.memory_space<vmem>>, %arg2: memref<512x200xf32, #tpu.memory_space<vmem>>, %arg3: memref<1x1x512xf32, #tpu.memory_space<vmem>>, %arg4: memref<1x1xf32, #tpu.memory_space<smem>>, %arg5: memref<1x1xf32, #tpu.memory_space<smem>>, %arg6: memref<1xf32, #tpu.memory_space<smem>>) attributes {dimension_semantics = [#tpu.dimension_semantics<arbitrary>], iteration_bounds = array<i64: 6>, scalar_prefetch = 0 : i64, scratch_operands = 1 : i64, tpu.core_type = #tpu.core_type<tc>, window_params = [{transform_indices = @transform_0, window_bounds = array<i64: 512, 200>}, {transform_indices = @transform_1, window_bounds = array<i64: 512, 200>}, {transform_indices = @transform_2, window_bounds = array<i64: 1, 1, 512>}, {transform_indices = @transform_3, window_bounds = array<i64: 1, 1>}, {transform_indices = @transform_4, window_bounds = array<i64: 1, 1>}]} {
    %get3A = arith.constant 0 : index
    %get3A_0 = arith.constant 0 : index
    %get3A_1 = vector.load %arg1[%get3A, %get3A_0] : memref<512x200xf32, #tpu.memory_space<vmem>>, vector<512x200xf32>
    %get3A_2 = arith.constant 0 : index
    %get3A_3 = arith.constant 0 : index
    %get3A_4 = vector.load %arg2[%get3A_2, %get3A_3] : memref<512x200xf32, #tpu.memory_space<vmem>>, vector<512x200xf32>
    %get3A_5 = arith.constant 0 : index
    %get3A_6 = arith.constant 0 : index
    %get3A_7 = arith.constant 0 : index
    %get3A_8 = vector.load %arg3[%get3A_5, %get3A_6, %get3A_7] : memref<1x1x512xf32, #tpu.memory_space<vmem>>, vector<1x1x512xf32>
    %reshape3A = vector.shape_cast %get3A_8 : vector<1x1x512xf32> to vector<512x1xf32>
    %ge3A = vector.broadcast %reshape3A : vector<512x1xf32> to vector<512x200xf32>
    %ge3A_9 = arith.cmpf oge, %get3A_4, %ge3A : vector<512x200xf32>
    %jit3A = arith.constant 0.000000e+00 : f32
    %broadcast_in_dim3A = vector.broadcast %jit3A : f32 to vector<512x200xf32>
    %select_n3A = arith.select %ge3A_9, %get3A_1, %broadcast_in_dim3A : vector<512x200xi1>, vector<512x200xf32>
    %reduce_sum3A = arith.constant dense<0.000000e+00> : vector<512xf32>
    %reduce_sum3A_10 = vector.multi_reduction <add>, %select_n3A, %reduce_sum3A [1] : vector<512x200xf32> to vector<512xf32>
    %broadcast_in_dim3A_11 = vector.shape_cast %reduce_sum3A_10 : vector<512xf32> to vector<512x1xf32>
    %reduce_sum3A_12 = arith.constant dense<0.000000e+00> : vector<512xf32>
    %reduce_sum3A_13 = vector.multi_reduction <add>, %get3A_1, %reduce_sum3A_12 [1] : vector<512x200xf32> to vector<512xf32>
    %broadcast_in_dim3A_14 = vector.shape_cast %reduce_sum3A_13 : vector<512xf32> to vector<512x1xf32>
    %mul3A = arith.constant 1.000000e-01 : f32
    %mul3A_15 = vector.broadcast %mul3A : f32 to vector<512x1xf32>
    %mul3A_16 = arith.mulf %broadcast_in_dim3A_11, %mul3A_15 : vector<512x1xf32>
    %sub3A = arith.subf %broadcast_in_dim3A_14, %broadcast_in_dim3A_11 : vector<512x1xf32>
    %mul3A_17 = arith.constant 0.00526315812 : f32
    %mul3A_18 = vector.broadcast %mul3A_17 : f32 to vector<512x1xf32>
    %mul3A_19 = arith.mulf %sub3A, %mul3A_18 : vector<512x1xf32>
    %sub3A_20 = arith.subf %mul3A_16, %mul3A_19 : vector<512x1xf32>
    %neg3A = arith.constant 0.000000e+00 : f32
    %neg3A_21 = vector.broadcast %neg3A : f32 to vector<512x1xf32>
    %neg3A_22 = arith.subf %neg3A_21, %sub3A_20 : vector<512x1xf32>
    %exp3A = math.exp %neg3A_22 : vector<512x1xf32>
    %add3A = arith.constant 1.000000e+00 : f32
    %add3A_23 = vector.broadcast %add3A : f32 to vector<512x1xf32>
    %add3A_24 = arith.addf %add3A_23, %exp3A : vector<512x1xf32>
    %div3A = arith.constant 1.000000e+00 : f32
    %div3A_25 = vector.broadcast %div3A : f32 to vector<512x1xf32>
    %div3A_26 = arith.divf %div3A_25, %add3A_24 : vector<512x1xf32>
    %add3A_27 = arith.constant 1.000000e-10 : f32
    %add3A_28 = vector.broadcast %add3A_27 : f32 to vector<512x1xf32>
    %add3A_29 = arith.addf %add3A_28, %div3A_26 : vector<512x1xf32>
    %log3A = math.log %add3A_29 : vector<512x1xf32>
    %reduce_sum3A_30 = vector.shape_cast %log3A : vector<512x1xf32> to vector<1x512x1xf32>
    %reduce_sum3A_31 = arith.constant dense<0.000000e+00> : vector<1xf32>
    %reduce_sum3A_32 = vector.multi_reduction <add>, %reduce_sum3A_30, %reduce_sum3A_31 [1, 2] : vector<1x512x1xf32> to vector<1xf32>
    %reduce_sum3A_33 = vector.shape_cast %reduce_sum3A_32 : vector<1xf32> to vector<1x1x1xf32>
    %reduce_sum3A_34 = vector.extract %reduce_sum3A_33[0, 0, 0] : f32 from vector<1x1x1xf32>
    %eq3A = arith.constant 0 : i32
    %eq3A_35 = arith.cmpi eq, %arg0, %eq3A : i32
    %convert_element_type3A = arith.extui %eq3A_35 : i1 to i32
    %cond3A = arith.constant 0 : i32
    %cond3A_36 = arith.cmpi ne, %convert_element_type3A, %cond3A : i32
    scf.if %cond3A_36 {
      %get3A_46 = arith.constant 0 : index
      %get3A_47 = arith.constant 0 : index
      %get3A_48 = memref.load %arg4[%get3A_46, %get3A_47] : memref<1x1xf32, #tpu.memory_space<smem>>
      %swap3A_49 = arith.constant 0 : index
      %swap3A_50 = memref.load %arg6[%swap3A_49] : memref<1xf32, #tpu.memory_space<smem>>
      memref.store %get3A_48, %arg6[%swap3A_49] : memref<1xf32, #tpu.memory_space<smem>>
    } else {
    }
    %get3A_37 = arith.constant 0 : index
    %get3A_38 = memref.load %arg6[%get3A_37] : memref<1xf32, #tpu.memory_space<smem>>
    %add3A_39 = arith.addf %get3A_38, %reduce_sum3A_34 : f32
    %swap3A = arith.constant 0 : index
    %swap3A_40 = memref.load %arg6[%swap3A] : memref<1xf32, #tpu.memory_space<smem>>
    memref.store %add3A_39, %arg6[%swap3A] : memref<1xf32, #tpu.memory_space<smem>>
    %eq3A_41 = arith.constant 5 : i32
    %eq3A_42 = arith.cmpi eq, %arg0, %eq3A_41 : i32
    %convert_element_type3A_43 = arith.extui %eq3A_42 : i1 to i32
    %cond3A_44 = arith.constant 0 : i32
    %cond3A_45 = arith.cmpi ne, %convert_element_type3A_43, %cond3A_44 : i32
    scf.if %cond3A_45 {
      %get3A_46 = arith.constant 0 : index
      %get3A_47 = memref.load %arg6[%get3A_46] : memref<1xf32, #tpu.memory_space<smem>>
      %neg3A_48 = arith.constant 0.000000e+00 : f32
      %neg3A_49 = arith.subf %neg3A_48, %get3A_47 : f32
      %div3A_50 = arith.constant 1.638400e+04 : f32
      %div3A_51 = arith.divf %neg3A_49, %div3A_50 : f32
      %swap3A_52 = arith.constant 0 : index
      %swap3A_53 = arith.constant 0 : index
      %swap3A_54 = memref.load %arg5[%swap3A_52, %swap3A_53] : memref<1x1xf32, #tpu.memory_space<smem>>
      memref.store %div3A_51, %arg5[%swap3A_52, %swap3A_53] : memref<1x1xf32, #tpu.memory_space<smem>>
    } else {
    }
    return
  }
  func.func @transform_0(%arg0: i32) -> (i32, i32) {
    %add3A = arith.constant 26 : i32
    %add3A_0 = arith.addi %add3A, %arg0 : i32
    %c0_i32 = arith.constant 0 : i32
    %c0_i32_1 = arith.constant 0 : i32
    return %add3A_0, %c0_i32 : i32, i32
  }
  func.func @transform_1(%arg0: i32) -> (i32, i32) {
    %add3A = arith.constant 26 : i32
    %add3A_0 = arith.addi %add3A, %arg0 : i32
    %c0_i32 = arith.constant 0 : i32
    %c0_i32_1 = arith.constant 0 : i32
    return %add3A_0, %c0_i32 : i32, i32
  }
  func.func @transform_2(%arg0: i32) -> (i32, i32, i32) {
    %c0_i32 = arith.constant 0 : i32
    %c0_i32_0 = arith.constant 0 : i32
    %c0_i32_1 = arith.constant 0 : i32
    return %arg0, %c0_i32, %c0_i32_0 : i32, i32, i32
  }
  func.func @transform_3(%arg0: i32) -> (i32, i32) {
    %c0_i32 = arith.constant 0 : i32
    %c0_i32_0 = arith.constant 0 : i32
    %c0_i32_1 = arith.constant 0 : i32
    return %c0_i32, %c0_i32_0 : i32, i32
  }
  func.func @transform_4(%arg0: i32) -> (i32, i32) {
    %c0_i32 = arith.constant 0 : i32
    %c0_i32_0 = arith.constant 0 : i32
    %c0_i32_1 = arith.constant 0 : i32
    return %c0_i32, %c0_i32_0 : i32, i32
  }
}

</mosaic_0001>

<sc_bundles>
// kernel: kernel.11.cloned.1.call-start
scs
__scs_entry_jumppad:
0x0: {  	(pc) =	sbr.rel $0x88, $3  }
0x1: {  	(tag) =	ssettag $0x0;
	lr =	simm.s32 $0x1  }
0x2: {  	[smem:$0x3F9F] =	sst lr;
	_ =	strace $0xD0000000  }
0x3: {  	_ = 	snop  }
0x4: {  	_ = 	snop  }
0x5: {  	_ = 	snop  }
0x6: {  	_ = 	snop  }
0x7: {  	_ = 	snop  }
__scs_overlays_trampoline_lowered:
0x8: {  	[smem:$0x3FAE] =	sst s0  }
0x9: {  	[smem:$0x3FAF] =	sst s1  }
0xa: {  	[smem:$0x3FB0] =	sst s2  }
0xb: {  	[smem:$0x3FB1] =	sst s3  }
0xc: {  	[smem:$0x3FB2] =	sst s4  }
0xd: {  	[smem:$0x3FB3] =	sst s5  }
0xe: {  	[smem:$0x3FB4] =	sst s6  }
0xf: {  	[smem:$0x3FB5] =	sst s7  }
0x10: {  	[smem:$0x3FB6] =	sst s8  }
0x11: {  	[smem:$0x3FB7] =	sst s9;
	s0 =	simm.s32 @!p0 $0x0  }
0x12: {  	s1 =	sld [smem:$0x3F9D];
	s0 =	simm.s32 @p0 $0x1  }
0x13: {  	[smem:$0x3FB8] =	sst s0;
	s0 =	simm.s32 @!p1 $0x0  }
0x14: {  	s2 =	sld [smem:$0x3F9C];
	s0 =	simm.s32 @p1 $0x1  }
0x15: {  	[smem:$0x3FB9] =	sst s0;
	s0 =	simm.s32 @!p2 $0x0  }
0x16: {  	s3 =	sld [smem:$0x3FDB];
	s0 =	simm.s32 @p2 $0x1  }
0x17: {  	s4 =	simm.s32 $0x1BF5;
	[smem:$0x3FBB] =	sst s0  }
0x18: {  	s0 =	sld [smem:$0x3F9E];
	_ =	swait.ge [sflag:s4], $0x0  }
0x19: {  	s7 =	sld [smem:$0x3F9F]  }
0x1a: {  	s8 =	sadd.s32 $0xFFFFE003, lr  }
0x1b: {  	s9 =	sadd.s32 $0xFFFFFEF7, lr;
	s5 =	simm.s32 $0xFFFFFFFF;
	p2 =	slt.u32 s8, $0xFFFFF086  }
0x1c: {  	p1 =	slt.u32 s9, $0xF7A;
	s5 =	simm.s32 @!p2 $0x0  }
0x1d: {  	s5 =	simm.s32 @p1 $0x1;
	p0 =	seq.s32 s7, s2  }
0x1e: {  	s7 =	smul.u32 @!p0 $0xF7A, s2;
	p2 =	seq.s32 @!p0 s5, $0x0  }
0x1f: {  	s9 =	smul.u32 $0xF7A, s1;
	s8 =	simm.s32 @!p0 $0x1BF5;
	p2 =	por !p2, p0  }
0x20: {  	[sflag:s8] =	ssyncset.s32 @!p0 $0xFFFFF086;
	s6 =	sadd.s32 @!p0 s3, s7;
	s7 =	simm.s32 @!p0 $0x108  }
0x21: {  	s3 =	sadd.s32 s3, s9;
	s6 =	sadd.s32 @!p0 $0x88, s6;
	s7 =	simm.s32 @p2 $0x1082  }
0x22: {  	[simem:s7], [sflag:s8] =	dma.local @!p0 [hbm:s6], $0xF7A  }
0x23: {  	s9 =	sor.u32 $0xD0000000, s2;
	s6 =	simm.s32 $0x108;
	_ =	swait.ge @!p0 [sflag:s8], $0x0  }
0x24: {  	s3 =	sadd.s32 $0x88, s3;
	s6 =	simm.s32 @!p1 $0x1082;
	[sflag:s4] =	ssyncset.s32 $0xFFFFF086  }
0x25: {  	[simem:s6], [sflag:s4] =	dma.local [hbm:s3], $0xF7A  }
0x26: {  	[smem:$0x3F9F] =	sst s1;
	(tag) =	ssettag s2;
	_ =	strace s9  }
0x27: {  	s1 =	sld [smem:$0x3FAF]  }
0x28: {  	s2 =	sld [smem:$0x3FB0]  }
0x29: {  	s4 =	sld [smem:$0x3FB2]  }
0x2a: {  	p0 =	seq.s32 s5, $0x0;
	s5 =	sld [smem:$0x3FB3]  }
0x2b: {  	s6 =	sld [smem:$0x3FB4]  }
0x2c: {  	s7 =	sld [smem:$0x3FB5]  }
0x2d: {  	s3 =	simm.s32 $0x108;
	s8 =	sld [smem:$0x3FB6]  }
0x2e: {  	s3 =	simm.s32 @!p0 $0x1082;
	s9 =	sld [smem:$0x3FB7]  }
0x2f: {  	lr =	sadd.s32 s0, s3;
	s0 =	sld [smem:$0x3FAE]  }
0x30: {  	s3 =	sld [smem:$0x3FB1]  }
0x31: {  	[smem:$0x3FBA] =	sst s10  }
0x32: {  	s10 =	sld [smem:$0x3FB8];
	_ =	sdelay $0x3  }
0x33: {  	p0 =	seq.s32 s10, $0x1;
	s10 =	sld [smem:$0x3FBA];
	_ =	sdelay $0x3  }
0x34: {  	[smem:$0x3FBA] =	sst s10  }
0x35: {  	s10 =	sld [smem:$0x3FB9];
	_ =	sdelay $0x3  }
0x36: {  	p1 =	seq.s32 s10, $0x1;
	s10 =	sld [smem:$0x3FBA];
	_ =	sdelay $0x3  }
0x37: {  	[smem:$0x3FBA] =	sst s10  }
0x38: {  	s10 =	sld [smem:$0x3FBB]  }
0x39: {  	_ = 	snop;
	(pc) =	sbr.ind lr, $3  }
0x3a: {  	_ = 	snop  }
0x3b: {  	_ = 	snop  }
0x3c: {  	p2 =	seq.s32 s10, $0x1;
	s10 =	sld [smem:$0x3FBA]  }
0x3d: {  	_ =	shalt  }
0x3e: {  	_ =	shalt  }
0x3f: {  	_ =	shalt  }
0x40: {  	_ =	shalt  }
0x41: {  	_ =	shalt  }
0x42: {  	_ =	shalt  }
0x43: {  	_ =	shalt  }
0x44: {  	_ =	shalt  }
0x45: {  	_ =	shalt  }
0x46: {  	_ =	shalt  }
0x47: {  	_ =	shalt  }
0x48: {  	_ =	shalt  }
0x49: {  	_ =	shalt  }
0x4a: {  	_ =	shalt  }
0x4b: {  	_ =	shalt  }
0x4c: {  	_ =	shalt  }
0x4d: {  	_ =	shalt  }
0x4e: {  	_ =	shalt  }
0x4f: {  	_ =	shalt  }
0x50: {  	_ =	shalt  }
0x51: {  	_ =	shalt  }
0x52: {  	_ =	shalt  }
0x53: {  	_ =	shalt  }
0x54: {  	_ =	shalt  }
0x55: {  	_ =	shalt  }
0x56: {  	_ =	shalt  }
0x57: {  	_ =	shalt  }
0x58: {  	_ =	shalt  }
0x59: {  	_ =	shalt  }
0x5a: {  	_ =	shalt  }
0x5b: {  	_ =	shalt  }
0x5c: {  	_ =	shalt  }
0x5d: {  	_ =	shalt  }
0x5e: {  	_ =	shalt  }
0x5f: {  	_ =	shalt  }
0x60: {  	_ =	shalt  }
0x61: {  	_ =	shalt  }
0x62: {  	_ =	shalt  }
0x63: {  	_ =	shalt  }
0x64: {  	_ =	shalt  }
0x65: {  	_ =	shalt  }
0x66: {  	_ =	shalt  }
0x67: {  	_ =	shalt  }
0x68: {  	_ =	shalt  }
0x69: {  	_ =	shalt  }
0x6a: {  	_ =	shalt  }
0x6b: {  	_ =	shalt  }
0x6c: {  	_ =	shalt  }
0x6d: {  	_ =	shalt  }
0x6e: {  	_ =	shalt  }
0x6f: {  	_ =	shalt  }
0x70: {  	_ =	shalt  }
0x71: {  	_ =	shalt  }
0x72: {  	_ =	shalt  }
0x73: {  	_ =	shalt  }
0x74: {  	_ =	shalt  }
0x75: {  	_ =	shalt  }
0x76: {  	_ =	shalt  }
0x77: {  	_ =	shalt  }
0x78: {  	_ =	shalt  }
0x79: {  	_ =	shalt  }
0x7a: {  	_ =	shalt  }
0x7b: {  	_ =	shalt  }
0x7c: {  	_ =	shalt  }
0x7d: {  	_ =	shalt  }
0x7e: {  	_ =	shalt  }
0x7f: {  	_ =	shalt  }
0x80: {  	_ =	shalt  }
0x81: {  	_ =	shalt  }
0x82: {  	_ =	shalt  }
0x83: {  	_ =	shalt  }
0x84: {  	_ =	shalt  }
0x85: {  	_ =	shalt  }
0x86: {  	_ =	shalt  }
0x87: {  	_ =	shalt  }
.Lfunc_end0:
.L_simem_size_0:
called_computation.1_lowered:
.L_overlay_start_0:
0x88: {  	s2 =	sld [smem:$0x3FD9]  }
0x89: {  	s3 =	sld [smem:$0x3FFE];
	_ =	sdelay $0x1  }
0x8a: {  	s1 =	srdreg.scid  }
0x8b: {  	s0 =	sand.u32 $0x1, s1  }
0x8c: {  	s17 =	sshll.u32 s0, $0xA;
	s2 =	sadd.s32 s3, s2  }
0x8d: {  	s2 =	sadd.s32 s2, s17  }
0x8e: {  	[smem:$0x3FC6] =	sst s2  }
0x8f: {  	_ = 	snop  }
0x90: {  	(tm) =	ssettm $0x1  }
0x91: {  	s18 =	sld [smem:$0x3FFB];
	_ =	sdelay $0x3  }
0x92: {  	_ =	strace s18  }
0x93: {  	s2 =	sld [smem:$0x3FFC];
	_ =	sdelay $0x3  }
0x94: {  	_ =	strace s2  }
0x95: {  	s2 =	sld [smem:$0x3FFD];
	_ =	sdelay $0x3  }
0x96: {  	_ =	strace s2  }
0x97: {  	_ =	strace $0x8FFFFFFF  }
0x98: {  	s19 =	sld [smem:$0x3FDB];
	_ =	sdelay $0x1  }
0x99: {  	s20 =	simm.s32 $_scs_section_size  }
0x9a: {  	s4 =	simm.s32 $_size__tile_overlayer_lowered;
	s5 =	simm.s32 $_tile_overlayer_lowered  }
0x9b: {  	s6 =	simm.s32 $0x1BFF;
	s21 =	sshll.u32 s5, $0x1;
	s3 =	sadd.s32 s20, s19  }
0x9c: {  	s22 =	simm.s32 $0x0;
	s4 =	sshll.u32 s4, $0x1;
	s5 =	sadd.s32 s21, s3  }
0x9d: {  	[timem:s22], [sflag:s6] =	dma.local [hbm:s5], s4  }
0x9e: {  	_ =	swait.ge [sflag:s6], s4  }
0x9f: {  	s4 =	ssub.s32 $0x0, s4;
	[sflag:s6] =	ssyncset.done $0x0  }
0xa0: {  	[sflag:s6] =	ssyncadd.s32 s4;
	_ =	sdelay $0x1  }
0xa1: {  	s23 =	simm.s32 $0x1B8B  }
0xa2: {  	_ =	swait.ge [sflag:s23], $0x1  }
0xa3: {  	[sflag:s23] =	ssyncset.done $0x0  }
0xa4: {  	[sflag:s23] =	ssyncadd.s32 $0xFFFFFFFF  }
0xa5: {  	s4 =	sld [smem:$0x0]  }
0xa6: {  	s5 =	sand.u32 $0xFFFFFFFE, s1  }
0xa7: {  	p0 =	sne.s32 s1, s5  }
0xa8: {  	s5 =	sshll.u32 @p0 s5, $0xE  }
0xa9: {  	s5 =	sadd.s32 @p0 $0x11B8D, s5;
	s6 =	sshll.u32 @p0 s4, $0x11  }
0xaa: {  	s5 =	sor.u32 @p0 s6, s5  }
0xab: {  	[sflag:s5] =	ssyncadd.remote.s32 @p0 $0x1;
	_ =	sdelay $0x1  }
0xac: {  	s5 =	simm.s32 @p0 $0x1B8D  }
0xad: {  	_ =	swait.eq @p0 [sflag:s5], $0x1  }
0xae: {  	[sflag:s5] =	ssyncadd.s32 @p0 $0xFFFFFFFF  }
0xaf: {  	s6 =	sshll.u32 @!p0 s1, $0xE  }
0xb0: {  	s6 =	sor.u32 @!p0 $0x4000, s6;
	s5 =	simm.s32 @!p0 $0x1B8D  }
0xb1: {  	s4 =	sshll.u32 @!p0 s4, $0x11;
	s6 =	sadd.s32 @!p0 $0x11B8D, s6;
	_ =	swait.eq @!p0 [sflag:s5], $0x1  }
0xb2: {  	s4 =	sor.u32 @!p0 s4, s6;
	[sflag:s5] =	ssyncadd.s32 @!p0 $0xFFFFFFFF  }
0xb3: {  	s25 =	simm.s32 $0x1B8E;
	s24 =	sld [smem:$0x3FFE];
	[sflag:s4] =	ssyncadd.remote.s32 @!p0 $0x1  }
0xb4: {  	s26 =	simm.s32 $execute0_lowered;
	[smem:$0x3FD2] =	sst s25  }
0xb5: {  	s5 =	sshll.u32 s26, $0x1;
	_ =	strace $0x80000049;
	[dreg:$0x1] =	wrdreg $0xFFFFFFFF  }
0xb6: {  	s28 =	simm.s32 $_size_execute0_lowered;
	s3 =	sadd.s32 s3, s5;
	[dreg:$0x0] =	wrdreg $0x0  }
0xb7: {  	s5 =	sshll.u32 s28, $0x1;
	[dreg:$0x2] =	wrdreg s3  }
0xb8: {  	[dreg:$0x3] =	wrdreg s5  }
0xb9: {  	[dreg:$0x4] =	wrdreg $0xC0  }
0xba: {  	_ =	task [dreg:s22], $0x5FFFF  }
0xbb: {  	[dreg:$0x1] =	wrdreg $0xFFFFFFFF  }
0xbc: {  	[dreg:$0x0] =	wrdreg $0x60  }
0xbd: {  	[dreg:$0x2] =	wrdreg s24  }
0xbe: {  	[dreg:$0x3] =	wrdreg $0xA  }
0xbf: {  	_ =	task.clear_ibuf [dreg:s22], $0x4FFFF;
	_ =	strace $0x90000049  }
0xc0: {  	s29 =	simm.s32 $0xA;
	_ =	strace $0x8000004B  }
0xc1: {  	_ =	swait.ge [sflag:s29], $0x1  }
0xc2: {  	[sflag:s29] =	ssyncadd.s32 $0xFFFFFFFF  }
0xc3: {  	_ =	strace $0x9000004B  }
0xc4: {  	_ =	sfence  }
0xc5: {  	s30 =	sld [smem:$0x0];
	_ =	sdelay $0x2  }
0xc6: {  	s31 =	sshll.u32 s1, $0xD;
	s1 =	sshrl.u32 s1, $0x2  }
0xc7: {  	s4 =	sand.u32 $0x4000, s31;
	s1 =	sadd.s32 s1, s30  }
0xc8: {  	s0 =	sor.u32 s4, s0;
	s1 =	sshll.u32 s1, $0x11  }
0xc9: {  	s0 =	sor.u32 s1, s0  }
0xca: {  	s0 =	sadd.s32 $0x8F2B, s0  }
0xcb: {  	[sflag:s0] =	ssyncadd.remote.s32 $0x1  }
0xcc: {  	_ =	sfence.sel $0xFFFF  }
0xcd: {  	[dreg:$0x0] =	wrdreg $0xFFFFFFFF;
	(pc) =	sbr.abs _section_cstart, $3  }
0xce: {  	[dreg:$0x1] =	wrdreg $0xFFFFFFFF  }
0xcf: {  	_ =	task.clear_ibuf [dreg:s22], $0x2FFFF;
	_ =	strace $0x9FFFFFFF  }
0xd0: {  	(tm) =	ssettm $0x7FFFFFFF  }
0xd1: {  	_ =	shalt  }
tec
execute0_lowered:
.L_overlay_start_1:
0x0: {  	(tag) =	ssettag $0x1  }
0x1: {  	v0 =	vimm.s32 $0xB80;
	vm0 =	vcmask $0x300  }
0x2: {  	vm14 =	vcmask $0x704;
	v0 =	vsel vm0, $0x0, v0  }
0x3: {  	vm15 =	vcmask $0xB08;
	v0 =	vsel vm14, $0x80, v0  }
0x4: {  	vm4 =	vcmask $0xF0C;
	v0 =	vsel vm15, $0x100, v0  }
0x5: {  	vm5 =	vcmask $0x1310;
	v0 =	vsel vm4, $0x180, v0  }
0x6: {  	vm6 =	vcmask $0x1714;
	v0 =	vsel vm5, $0x200, v0  }
0x7: {  	s1 =	srdreg.scid;
	vm7 =	vcmask $0x1B18;
	v0 =	vsel vm6, $0x280, v0  }
0x8: {  	s0 =	stileid.u32;
	s3 =	rddreg [dreg:$0x0];
	vm8 =	vcmask $0x1F1C;
	v0 =	vsel vm7, $0x300, v0  }
0x9: {  	s2 =	simm.s32 $0x0;
	vm9 =	vcmask $0x2320;
	s8 =	simm.s32 $0x1;
	s9 =	simm.s32 $0x2;
	v0 =	vsel vm8, $0x380, v0  }
0xa: {  	vm10 =	vcmask $0x2724;
	s10 =	simm.s32 $0x2000;
	s11 =	simm.s32 $0x3;
	s12 =	simm.s32 $0x0;
	v0 =	vsel vm9, $0x800, v0  }
0xb: {  	vm11 =	vcmask $0x2B28;
	s4 =	sand.u32 $0x1, s1;
	s5 =	sshll.u32 s0, $0x1;
	s1 =	rddreg [dreg:$0x1];
	v0 =	vsel vm10, $0x880, v0  }
0xc: {  	vm12 =	vcmask $0x2F2C;
	[smem:$0x7FF] =	sst s2;
	s5 =	sor.u32 s4, s5;
	s4 =	ssub.s32 $0x2, s4;
	v0 =	vsel vm11, $0x900, v0  }
0xd: {  	vm13 =	vcmask $0x3330;
	s6 =	smul.u32 $0x1400, s5;
	s5 =	sshll.u32 s5, $0x8;
	s7 =	sshrl.u32 s4, $0x1;
	v0 =	vsel vm12, $0x980, v0  }
0xe: {  	_ =	strace $0x8000004A;
	vm14 =	vcmask $0x3734;
	s5 =	sadd.s32 s5, s3;
	s7 =	ssub.s32 s4, s7;
	v0 =	vsel vm13, $0xA00, v0  }
0xf: {  	vm15 =	vcmask $0x3B38;
	s6 =	sadd.s32 s6, s3;
	s4 =	sadd.s32 $0x83C00, s5;
	s5 =	smax.u32 s7, $0x1;
	v0 =	vsel vm14, $0xA80, v0  }
0x10: {  	s7 =	simm.s32 $0x1000;
	s3 =	sadd.s32 $0x41C00, s6;
	s6 =	sadd.s32 $0x42000, s6;
	v0 =	vsel vm15, $0xB00, v0  }
.LBB2_1:
0x11: {  	[tilespmem:s2], [sflag:$0x1] =	stream.linear.gather [hbm4b:s3+s2], $0x1000, $0x38;
	[tilespmem:$0x2800] =	vst v63  }
0x12: {  	s13 =	simm.s32 $0x0  }
.LBB2_2:
0x13: {  	s16 =	simm.s32 $0x0  }
0x14: {  	v1 =	vmov s16  }
0x15: {  	s15 =	sshll.u32 s13, $0xA;
	v1 =	vadd.s32 $0x64, v1  }
0x16: {  	s14 =	sor.u32 $0x200, s15;
	v2 =	vshll.u32 v1, $0x3  }
0x17: {  	s17 =	simm.s32 $0x1;
	v3 =	vor.u32 s16, v0;
	s18 =	sadd.s32 s14, s3;
	v1 =	vand.u32 $0x7E, v1;
	v2 =	vand.u32 $0x400, v2  }
0x18: {  	v5 =	vor.u32 s17, v0;
	[tilespmem:s7], [sflag:$0x2] =	stream.linear.gather [hbm4b:s18+s16], $0x1000, $0x38;
	v1 =	vor.u32 v2, v1;
	v2 =	vmov s17;
	[tilespmem:$0x2800] =	vst v63  }
0x19: {  	_ =	swait.ge [sflag:s8], $0x1000;
	v1 =	vor.u32 v0, v1;
	v2 =	vadd.s32 $0x64, v2  }
0x1a: {  	[sflag:s8] =	ssyncset.done $0x0;
	v4 =	vshll.u32 v2, $0x3  }
0x1b: {  	[sflag:s8] =	ssyncadd.s32 $0xFFFFF000;
	v2 =	vand.u32 $0x7F, v2;
	v4 =	vand.u32 $0x400, v4  }
0x1c: {  	v3 =	vld.idx.msk [tilespmem:v3+s2+$0x0], $0xffff;
	v2 =	vor.u32 v4, v2  }
0x1d: {  	v7 =	vld.idx.msk [tilespmem:v5+s2+$0x0], $0xffff;
	v2 =	vor.u32 v0, v2  }
0x1e: {  	v1 =	vld.idx.msk [tilespmem:v1+s2+$0x0], $0xffff;
	_ =	sdelay $0x1  }
0x1f: {  	v6 =	vimm.f32 $-Inf;
	v21 =	vimm.f32 $-Inf  }
0x20: {  	v19 =	vimm.f32 $-Inf;
	v8 =	vmax.f32 v6, v3;
	v11 =	vmin.f32 v6, v3  }
0x21: {  	v15 =	vimm.f32 $-Inf;
	v23 =	vmin.f32 v6, v11;
	v25 =	vmin.f32 v8, v7;
	v20 =	vld.idx.msk [tilespmem:v2+s2+$0x0], $0xffff  }
0x22: {  	v26 =	vmax.f32 v6, v11;
	v11 =	vimm.f32 $-Inf;
	v2 =	vmin.f32 v6, v1  }
0x23: {  	v24 =	vmax.f32 v6, v23;
	v22 =	vmax.f32 v6, v1;
	v1 =	vmin.f32 v6, v2  }
0x24: {  	v9 =	vmax.f32 v6, v2;
	v4 =	vmax.f32 v6, v1;
	v2 =	vmin.f32 v6, v1  }
0x25: {  	v1 =	vmax.f32 v8, v7;
	v7 =	vimm.f32 $-Inf;
	v12 =	vmin.f32 v6, v2  }
0x26: {  	v3 =	vmax.f32 v6, v2;
	v2 =	vmin.f32 v6, v12;
	v10 =	vmin.f32 v22, v20  }
0x27: {  	v16 =	vmax.f32 v6, v12;
	v12 =	vimm.f32 $-Inf;
	v5 =	vmax.f32 v6, v2  }
0x28: {  	v14 =	vmin.f32 v6, v2;
	v2 =	vmax.f32 v9, v10;
	v10 =	vmin.f32 v9, v10  }
0x29: {  	v13 =	vmax.f32 v6, v14;
	v14 =	vmin.f32 v6, v14;
	v8 =	vmin.f32 v4, v10  }
0x2a: {  	v18 =	vmax.f32 v6, v14;
	v9 =	vmin.f32 v6, v14;
	v14 =	vimm.f32 $-Inf  }
0x2b: {  	s16 =	simm.s32 $0x2;
	v17 =	vmax.f32 v6, v9;
	v27 =	vmin.f32 v6, v9;
	v9 =	vimm.f32 $-Inf  }
.LBB2_3:
0x2c: {  	s17 =	sadd.s32 $0x1, s16  }
0x2d: {  	p0 =	slt.u32 s16, $0x62;
	v23 =	vmin.f32 v6, v23;
	v21 =	vmax.f32 v21, v27;
	v27 =	vmax.f32 v22, v20;
	v28 =	vmovc v1;
	s18 =	smov.u32 s16;
	s16 =	sadd.s32 $0x2, s16  }
0x2e: {  	v29 =	vmax.f32 v26, v25;
	v6 =	vmov s17;
	v20 =	vor.u32 s17, v0  }
0x2f: {  	v25 =	vmin.f32 v26, v25;
	v30 =	vmax.f32 v12, v23;
	v22 =	vadd.s32 $0x64, v6  }
0x30: {  	v31 =	vmin.f32 v3, v8;
	v6 =	vmax.f32 v24, v25;
	v26 =	vshll.u32 v22, $0x3  }
0x31: {  	v32 =	vmin.f32 v16, v31;
	v22 =	vand.u32 $0x7F, v22;
	v26 =	vand.u32 $0x400, v26  }
0x32: {  	v33 =	vmov s18;
	v24 =	vmin.f32 v24, v25;
	v22 =	vor.u32 v26, v22  }
0x33: {  	v25 =	vadd.s32 $0x64, v33;
	v26 =	vmin.f32 v30, v24;
	v22 =	vor.u32 v0, v22  }
0x34: {  	v23 =	vmin.f32 v12, v23;
	v34 =	vmin.f32 v5, v32;
	v33 =	vshll.u32 v25, $0x3  }
0x35: {  	v12 =	vand.u32 $0x7E, v25;
	v25 =	vand.u32 $0x400, v33;
	v33 =	vmin.f32 v13, v34  }
0x36: {  	v35 =	vmax.f32 v7, v23;
	v25 =	vor.u32 v25, v12;
	v12 =	vmax.f32 v30, v24  }
0x37: {  	v24 =	vor.u32 s18, v0;
	v30 =	vmin.f32 v18, v33;
	v25 =	vor.u32 v0, v25  }
0x38: {  	v23 =	vmin.f32 v7, v23;
	v7 =	vmax.f32 v35, v26;
	v36 =	vmin.f32 v17, v30  }
0x39: {  	v37 =	vmax.f32 v19, v23;
	v19 =	vmin.f32 v19, v23;
	v23 =	vmin.f32 v35, v26  }
0x3a: {  	v26 =	vmax.f32 v15, v19;
	v15 =	vmin.f32 v15, v19;
	v19 =	vmin.f32 v37, v23  }
0x3b: {  	v35 =	vmax.f32 v11, v15;
	v11 =	vmin.f32 v11, v15;
	v21 =	vmax.f32 v21, v36  }
0x3c: {  	v33 =	vmax.f32 v18, v33;
	v36 =	vmax.f32 v14, v11;
	v11 =	vmin.f32 v14, v11;
	v25 =	vld.idx.msk [tilespmem:v25+s2+$0x0], $0xffff  }
0x3d: {  	v30 =	vmax.f32 v17, v30;
	v9 =	vmax.f32 v9, v11;
	v18 =	vld.idx.msk [tilespmem:v24+s2+$0x0], $0xffff;
	v24 =	vmax.f32 v13, v34  }
0x3e: {  	v10 =	vmax.f32 v4, v10;
	v4 =	vmin.f32 v26, v19;
	v13 =	vmax.f32 v5, v32;
	v17 =	vld.idx.msk [tilespmem:v20+s2+$0x0], $0xffff  }
0x3f: {  	v15 =	vmax.f32 v26, v19;
	v11 =	vmax.f32 v35, v4;
	v4 =	vmin.f32 v35, v4  }
0x40: {  	v16 =	vmax.f32 v16, v31;
	v19 =	vmax.f32 v37, v23;
	v5 =	vmin.f32 v36, v4;
	v20 =	vld.idx.msk [tilespmem:v22+s2+$0x0], $0xffff  }
0x41: {  	v8 =	vmax.f32 v3, v8;
	v14 =	vmax.f32 v36, v4;
	v9 =	vmax.f32 v9, v5  }
0x42: {  	v22 =	vmax.f32 v27, v25;
	v3 =	vmin.f32 v27, v25  }
0x43: {  	v25 =	vmax.f32 v1, v18;
	v26 =	vmax.f32 v2, v3;
	v1 =	vmin.f32 v2, v3  }
0x44: {  	v4 =	vmax.f32 v10, v1;
	v2 =	vmin.f32 v10, v1;
	v1 =	vmax.f32 v25, v17  }
0x45: {  	v28 =	vmin.f32 v28, v18;
	v3 =	vmax.f32 v8, v2;
	v31 =	vmin.f32 v8, v2  }
0x46: {  	v23 =	vmin.f32 v29, v28;
	v2 =	vmin.f32 v16, v31;
	v8 =	vmin.f32 v22, v20  }
.Ltmp0:
0x47: {  	v5 =	vmax.f32 v13, v2;
	v10 =	vmin.f32 v13, v2;
	v2 =	vmax.f32 v26, v8;
	(pc) =	sbr.rel @p0 .LBB2_3-.Ltmp0, $4  }
0x48: {  	v13 =	vmax.f32 v24, v10;
	v24 =	vmin.f32 v24, v10;
	v10 =	vmin.f32 v26, v8  }
0x49: {  	v25 =	vmin.f32 v25, v17;
	v18 =	vmax.f32 v33, v24;
	v8 =	vmin.f32 v33, v24  }
0x4a: {  	v17 =	vmax.f32 v30, v8;
	v27 =	vmin.f32 v30, v8;
	v8 =	vmin.f32 v4, v10  }
0x4b: {  	v16 =	vmax.f32 v16, v31;
	v26 =	vmax.f32 v29, v28;
	v24 =	vmax.f32 v6, v23  }
0x4c: {  	v6 =	vmin.f32 v6, v23;
	v21 =	vmax.f32 v21, v27  }
0x4d: {  	v20 =	vmax.f32 v22, v20;
	v22 =	vmax.f32 v26, v25;
	v25 =	vmin.f32 v26, v25  }
0x4e: {  	v26 =	vmin.f32 v3, v8;
	v4 =	vmax.f32 v4, v10;
	v3 =	vmax.f32 v3, v8  }
0x4f: {  	v23 =	vmax.f32 v12, v6;
	v27 =	vmax.f32 v24, v25;
	v28 =	vmin.f32 v16, v26  }
0x50: {  	v24 =	vmin.f32 v24, v25;
	v6 =	vmin.f32 v12, v6;
	v16 =	vmax.f32 v16, v26  }
0x51: {  	v25 =	vmin.f32 v23, v24;
	v12 =	vmin.f32 v5, v28;
	v30 =	vmax.f32 v7, v6  }
0x52: {  	v23 =	vmax.f32 v23, v24;
	v6 =	vmin.f32 v7, v6;
	v5 =	vmax.f32 v5, v28  }
0x53: {  	v29 =	vmin.f32 v13, v12;
	v7 =	vmax.f32 v30, v25;
	v32 =	vmax.f32 v19, v6  }
0x54: {  	v6 =	vmin.f32 v19, v6;
	v19 =	vmin.f32 v30, v25;
	v24 =	vmin.f32 v18, v29  }
0x55: {  	v25 =	vmax.f32 v15, v6;
	v6 =	vmin.f32 v15, v6;
	v15 =	vmin.f32 v32, v19  }
0x56: {  	v5 =	vmax.f32 v7, v5;
	v31 =	vmin.f32 v17, v24;
	v63 =	vmax.f32 v11, v6  }
0x57: {  	v6 =	vmin.f32 v11, v6;
	v10 =	vmin.f32 v25, v15;
	v11 =	vmax.f32 v21, v31  }
0x58: {  	v21 =	vmax.f32 v14, v6;
	v6 =	vmin.f32 v14, v6;
	v14 =	vmax.f32 v18, v29  }
0x59: {  	v6 =	vmax.f32 v9, v6;
	v9 =	vmax.f32 v13, v12;
	v12 =	vmax.f32 v17, v24  }
0x5a: {  	v13 =	vmax.f32 v25, v15;
	v15 =	vmax.f32 v63, v10;
	v10 =	vmin.f32 v63, v10  }
0x5b: {  	v17 =	vmax.f32 v32, v19;
	v1 =	vmax.f32 v1, v11;
	v11 =	vmax.f32 v27, v14  }
0x5c: {  	v18 =	vmin.f32 v21, v10;
	v8 =	vmax.f32 v21, v10;
	v10 =	vmax.f32 v22, v12  }
0x5d: {  	v9 =	vmax.f32 v23, v9;
	v7 =	vmax.f32 v17, v16;
	v3 =	vmax.f32 v13, v3  }
0x5e: {  	v4 =	vmax.f32 v15, v4;
	v6 =	vmax.f32 v6, v18;
	v2 =	vmax.f32 v8, v2  }
0x5f: {  	s16 =	simm.s32 $0x0;
	v1 =	vmin.f32 v1, v10;
	v8 =	vmin.f32 v11, v9;
	v5 =	vmin.f32 v5, v7  }
0x60: {  	v7 =	vmov s16;
	v3 =	vmin.f32 v3, v4;
	v6 =	vmax.f32 v6, v20  }
0x61: {  	v4 =	vadd.s32 $0x64, v7;
	v1 =	vmin.f32 v1, v8;
	v3 =	vmin.f32 v5, v3  }
0x62: {  	v2 =	vmin.f32 v2, v6;
	v5 =	vshll.u32 v4, $0x3;
	v1 =	vmin.f32 v1, v3  }
0x63: {  	s17 =	sshra.s32 s15, $0x2;
	p0 =	seq.s32 s13, $0x4;
	v3 =	vand.u32 $0x7E, v4;
	v4 =	vand.u32 $0x400, v5;
	v1 =	vmin.f32 v1, v2  }
0x64: {  	s18 =	simm.s32 $0x1;
	s15 =	sadd.s32 @!p0 s6, s15;
	v2 =	vor.u32 v4, v3;
	[tilespmem:s17+$0x2000] =	vst v1;
	s17 =	simm.s32 @!p0 $0x0;
	v3 =	vor.u32 s16, v0  }
0x65: {  	v1 =	vmov s18;
	v2 =	vor.u32 v0, v2;
	[tilespmem:s17], [sflag:$0x1] =	stream.linear.gather @!p0 [hbm4b:s15+s17], $0x1000, $0x38;
	[tilespmem:$0x2800] =	vst v63  }
0x66: {  	v5 =	vor.u32 s18, v0;
	v1 =	vadd.s32 $0x64, v1;
	_ =	swait.ge [sflag:s9], $0x1000  }
0x67: {  	v4 =	vshll.u32 v1, $0x3;
	[sflag:s9] =	ssyncset.done $0x0  }
0x68: {  	v1 =	vand.u32 $0x7F, v1;
	v4 =	vand.u32 $0x400, v4;
	[sflag:s9] =	ssyncadd.s32 $0xFFFFF000  }
0x69: {  	v1 =	vor.u32 v4, v1;
	v3 =	vld.idx.msk [tilespmem:v3+s7+$0x0], $0xffff  }
0x6a: {  	v1 =	vor.u32 v0, v1;
	v2 =	vld.idx.msk [tilespmem:v2+s7+$0x0], $0xffff  }
0x6b: {  	v7 =	vld.idx.msk [tilespmem:v5+s7+$0x0], $0xffff;
	_ =	sdelay $0x1  }
0x6c: {  	v19 =	vimm.f32 $-Inf;
	v6 =	vimm.f32 $-Inf  }
0x6d: {  	v21 =	vimm.f32 $-Inf;
	v15 =	vimm.f32 $-Inf;
	v8 =	vmax.f32 v6, v3  }
0x6e: {  	v20 =	vld.idx.msk [tilespmem:v1+s7+$0x0], $0xffff;
	v11 =	vmin.f32 v6, v3;
	v1 =	vmin.f32 v6, v2;
	v22 =	vmax.f32 v6, v2  }
0x6f: {  	v23 =	vmin.f32 v6, v11;
	v25 =	vmin.f32 v8, v7;
	v26 =	vmax.f32 v6, v11  }
0x70: {  	v11 =	vimm.f32 $-Inf;
	v2 =	vmin.f32 v6, v1;
	v9 =	vmax.f32 v6, v1  }
0x71: {  	v1 =	vmax.f32 v8, v7;
	v4 =	vmax.f32 v6, v2;
	v2 =	vmin.f32 v6, v2  }
0x72: {  	v24 =	vmax.f32 v6, v23;
	v7 =	vimm.f32 $-Inf;
	v13 =	vmin.f32 v6, v2  }
0x73: {  	v3 =	vmax.f32 v6, v2;
	v2 =	vmin.f32 v6, v13;
	v10 =	vmin.f32 v22, v20  }
0x74: {  	v16 =	vmax.f32 v6, v13;
	v13 =	vimm.f32 $-Inf;
	v5 =	vmax.f32 v6, v2  }
0x75: {  	v14 =	vmin.f32 v6, v2;
	v2 =	vmax.f32 v9, v10;
	v10 =	vmin.f32 v9, v10  }
0x76: {  	v12 =	vmax.f32 v6, v14;
	v14 =	vmin.f32 v6, v14;
	v8 =	vmin.f32 v4, v10  }
0x77: {  	v18 =	vmax.f32 v6, v14;
	v9 =	vmin.f32 v6, v14;
	v14 =	vimm.f32 $-Inf  }
0x78: {  	s15 =	simm.s32 $0x2;
	v17 =	vmax.f32 v6, v9;
	v27 =	vmin.f32 v6, v9;
	v9 =	vimm.f32 $-Inf  }
.LBB2_5:
0x79: {  	s16 =	sadd.s32 $0x1, s15  }
0x7a: {  	p0 =	slt.u32 s15, $0x62;
	v23 =	vmin.f32 v6, v23;
	v21 =	vmax.f32 v21, v27;
	v27 =	vmax.f32 v22, v20;
	v28 =	vmovc v1;
	s17 =	smov.u32 s15;
	s15 =	sadd.s32 $0x2, s15  }
0x7b: {  	v29 =	vmax.f32 v26, v25;
	v6 =	vmov s16;
	v20 =	vor.u32 s16, v0  }
0x7c: {  	v25 =	vmin.f32 v26, v25;
	v30 =	vmax.f32 v13, v23;
	v22 =	vadd.s32 $0x64, v6  }
0x7d: {  	v31 =	vmin.f32 v3, v8;
	v6 =	vmax.f32 v24, v25;
	v26 =	vshll.u32 v22, $0x3  }
0x7e: {  	v32 =	vmin.f32 v16, v31;
	v22 =	vand.u32 $0x7F, v22;
	v26 =	vand.u32 $0x400, v26  }
0x7f: {  	v33 =	vmov s17;
	v24 =	vmin.f32 v24, v25;
	v22 =	vor.u32 v26, v22  }
0x80: {  	v25 =	vadd.s32 $0x64, v33;
	v26 =	vmin.f32 v30, v24;
	v22 =	vor.u32 v0, v22  }
0x81: {  	v23 =	vmin.f32 v13, v23;
	v34 =	vmin.f32 v5, v32;
	v33 =	vshll.u32 v25, $0x3  }
0x82: {  	v13 =	vand.u32 $0x7E, v25;
	v25 =	vand.u32 $0x400, v33;
	v33 =	vmin.f32 v12, v34  }
0x83: {  	v35 =	vmax.f32 v7, v23;
	v25 =	vor.u32 v25, v13;
	v13 =	vmax.f32 v30, v24  }
0x84: {  	v24 =	vor.u32 s17, v0;
	v30 =	vmin.f32 v18, v33;
	v25 =	vor.u32 v0, v25  }
0x85: {  	v23 =	vmin.f32 v7, v23;
	v7 =	vmax.f32 v35, v26;
	v36 =	vmin.f32 v17, v30  }
0x86: {  	v37 =	vmax.f32 v19, v23;
	v19 =	vmin.f32 v19, v23;
	v23 =	vmin.f32 v35, v26  }
0x87: {  	v26 =	vmax.f32 v15, v19;
	v15 =	vmin.f32 v15, v19;
	v19 =	vmin.f32 v37, v23  }
0x88: {  	v35 =	vmax.f32 v11, v15;
	v11 =	vmin.f32 v11, v15;
	v21 =	vmax.f32 v21, v36  }
0x89: {  	v33 =	vmax.f32 v18, v33;
	v36 =	vmax.f32 v14, v11;
	v11 =	vmin.f32 v14, v11;
	v25 =	vld.idx.msk [tilespmem:v25+s7+$0x0], $0xffff  }
0x8a: {  	v30 =	vmax.f32 v17, v30;
	v9 =	vmax.f32 v9, v11;
	v18 =	vld.idx.msk [tilespmem:v24+s7+$0x0], $0xffff;
	v24 =	vmax.f32 v12, v34  }
0x8b: {  	v10 =	vmax.f32 v4, v10;
	v4 =	vmin.f32 v26, v19;
	v12 =	vmax.f32 v5, v32;
	v17 =	vld.idx.msk [tilespmem:v20+s7+$0x0], $0xffff  }
0x8c: {  	v15 =	vmax.f32 v26, v19;
	v11 =	vmax.f32 v35, v4;
	v4 =	vmin.f32 v35, v4  }
0x8d: {  	v16 =	vmax.f32 v16, v31;
	v19 =	vmax.f32 v37, v23;
	v5 =	vmin.f32 v36, v4;
	v20 =	vld.idx.msk [tilespmem:v22+s7+$0x0], $0xffff  }
0x8e: {  	v8 =	vmax.f32 v3, v8;
	v14 =	vmax.f32 v36, v4;
	v9 =	vmax.f32 v9, v5  }
0x8f: {  	v22 =	vmax.f32 v27, v25;
	v3 =	vmin.f32 v27, v25  }
0x90: {  	v25 =	vmax.f32 v1, v18;
	v26 =	vmax.f32 v2, v3;
	v1 =	vmin.f32 v2, v3  }
0x91: {  	v4 =	vmax.f32 v10, v1;
	v2 =	vmin.f32 v10, v1;
	v1 =	vmax.f32 v25, v17  }
0x92: {  	v28 =	vmin.f32 v28, v18;
	v3 =	vmax.f32 v8, v2;
	v31 =	vmin.f32 v8, v2  }
0x93: {  	v23 =	vmin.f32 v29, v28;
	v2 =	vmin.f32 v16, v31;
	v8 =	vmin.f32 v22, v20  }
.Ltmp1:
0x94: {  	v5 =	vmax.f32 v12, v2;
	v10 =	vmin.f32 v12, v2;
	v2 =	vmax.f32 v26, v8;
	(pc) =	sbr.rel @p0 .LBB2_5-.Ltmp1, $4  }
0x95: {  	v12 =	vmax.f32 v24, v10;
	v24 =	vmin.f32 v24, v10;
	v10 =	vmin.f32 v26, v8  }
0x96: {  	v25 =	vmin.f32 v25, v17;
	v18 =	vmax.f32 v33, v24;
	v8 =	vmin.f32 v33, v24  }
0x97: {  	v17 =	vmax.f32 v30, v8;
	v27 =	vmin.f32 v30, v8;
	v8 =	vmin.f32 v4, v10  }
0x98: {  	v16 =	vmax.f32 v16, v31;
	v26 =	vmax.f32 v29, v28;
	v24 =	vmax.f32 v6, v23  }
0x99: {  	v6 =	vmin.f32 v6, v23;
	v21 =	vmax.f32 v21, v27;
	v20 =	vmax.f32 v22, v20  }
0x9a: {  	v36 =	vmax.f32 v26, v25;
	v37 =	vmin.f32 v26, v25;
	v38 =	vmin.f32 v3, v8  }
0x9b: {  	v4 =	vmax.f32 v4, v10;
	v3 =	vmax.f32 v3, v8;
	v39 =	vmax.f32 v13, v6  }
0x9c: {  	v40 =	vmax.f32 v24, v37;
	v28 =	vmin.f32 v16, v38;
	v23 =	vmin.f32 v24, v37  }
0x9d: {  	v6 =	vmin.f32 v13, v6;
	v57 =	vmax.f32 v16, v38;
	v41 =	vmin.f32 v5, v28  }
0x9e: {  	v24 =	vmin.f32 v39, v23;
	v30 =	vmax.f32 v7, v6;
	v23 =	vmax.f32 v39, v23  }
0x9f: {  	v6 =	vmin.f32 v7, v6;
	v54 =	vmax.f32 v5, v28;
	v29 =	vmin.f32 v12, v41  }
0xa0: {  	v43 =	vmax.f32 v30, v24;
	v32 =	vmin.f32 v19, v6;
	v6 =	vmax.f32 v19, v6  }
0xa1: {  	v44 =	vmin.f32 v30, v24;
	v52 =	vmax.f32 v12, v41;
	v42 =	vmin.f32 v18, v29  }
0xa2: {  	v45 =	vmin.f32 v15, v32;
	v46 =	vmax.f32 v15, v32;
	v30 =	vmin.f32 v6, v44  }
0xa3: {  	v51 =	vmax.f32 v18, v29;
	v6 =	vmax.f32 v6, v44;
	v12 =	vmax.f32 v23, v52  }
0xa4: {  	v5 =	vmax.f32 v43, v54;
	v31 =	vmin.f32 v17, v42;
	v47 =	vmin.f32 v11, v45  }
0xa5: {  	v48 =	vmax.f32 v11, v45;
	v53 =	vmax.f32 v17, v42;
	v55 =	vmin.f32 v46, v30  }
0xa6: {  	v15 =	vmax.f32 v46, v30;
	v61 =	vmax.f32 v40, v51;
	v6 =	vmax.f32 v6, v57  }
0xa7: {  	v21 =	vmax.f32 v21, v31;
	v49 =	vmin.f32 v14, v47;
	v50 =	vmax.f32 v14, v47  }
0xa8: {  	v56 =	vmax.f32 v48, v55;
	v10 =	vmin.f32 v48, v55;
	v60 =	vmax.f32 v36, v53  }
0xa9: {  	v3 =	vmax.f32 v15, v3;
	v62 =	vmin.f32 v61, v12;
	v5 =	vmin.f32 v5, v6  }
0xaa: {  	s13 =	sadd.s32 $0x1, s13;
	v9 =	vmax.f32 v9, v49;
	v58 =	vmin.f32 v50, v10;
	v59 =	vmax.f32 v50, v10  }
0xab: {  	p0 =	sne.s32 s13, $0x5;
	v1 =	vmax.f32 v1, v21;
	v4 =	vmax.f32 v56, v4;
	v9 =	vmax.f32 v9, v58  }
.Ltmp2:
0xac: {  	v2 =	vmax.f32 v59, v2;
	v1 =	vmin.f32 v1, v60;
	v3 =	vmin.f32 v3, v4;
	(pc) =	sbr.rel @p0 .LBB2_2-.Ltmp2, $4  }
0xad: {  	v63 =	vmax.f32 v9, v20;
	v1 =	vmin.f32 v1, v62;
	v3 =	vmin.f32 v5, v3  }
0xae: {  	v2 =	vmin.f32 v2, v63;
	v1 =	vmin.f32 v1, v3  }
0xaf: {  	s14 =	sshra.s32 s14, $0x2;
	v1 =	vmin.f32 v1, v2  }
0xb0: {  	[tilespmem:s14+$0x2000] =	vst v1  }
0xb1: {  	s12 =	sadd.s32 $0x1, s12  }
0xb2: {  	p0 =	sne.s32 s12, s5  }
.Ltmp3:
0xb3: {  	_ = 	snop;
	(pc) =	sbr.rel @p0 .LBB2_1-.Ltmp3, $4  }
0xb4: {  	[hbm4b:s4+s2] =	stream.linear.scatter [tilespmem:s10], [sflag:$0x3], $0x500, $0x38;
	[tilespmem:$0x2800] =	vst v63  }
0xb5: {  	_ =	swait.ge [sflag:s11], $0x500  }
0xb6: {  	[sflag:s11] =	ssyncset.done $0x0  }
0xb7: {  	[sflag:s11] =	ssyncadd.s32 $0xFFFFFB00  }
0xb8: {  	_ =	sfence.sel $0x180000  }
0xb9: {  	[bflag:$0x0] =	sbarrier.arrive $0xFFFF  }
0xba: {  	p0 =	sne.s32 s0, $0x0;
	_ =	strace $0x9000004A  }
0xbb: {  	s0 =	sadd.s32 @!p0 $0x100000, s1;
	[bflag:$0x2] =	sbarrier.arrive $0xFFFF  }
0xbc: {  	[sflag:s0] =	ssyncadd.tile.s32 @!p0 $0x1;
	_ =	shalt  }
.Lfunc_end2:
_tile_overlayer_lowered:
.L_overlay_start_2:
0xbd: {  	(tag) =	ssettag $0x2  }
0xbe: {  	s0 =	rddreg [dreg:$0x0];
	s2 =	stileid.u32  }
0xbf: {  	s1 =	rddreg [dreg:$0x1];
	p0 =	sne.s32 s2, $0x0  }
0xc0: {  	s3 =	rddreg [dreg:$0x2];
	[bflag:$0x3] =	sbarrier.arrive $0xFFFF;
	s2 =	simm.s32 @!p0 $0x1C03  }
0xc1: {  	[timem:s3], [sflag:s2] =	dma.local @!p0 [hbm:s0], s1  }
0xc2: {  	s0 =	simm.s32 @!p0 $0x3  }
0xc3: {  	_ =	swait.ge @!p0 [sflag:s0], s1  }
0xc4: {  	s1 =	ssub.s32 @!p0 $0x0, s1;
	[sflag:s0] =	ssyncset.done @!p0 $0x0  }
0xc5: {  	[sflag:s0] =	ssyncadd.s32 @!p0 s1  }
0xc6: {  	[bflag:$0x3] =	sbarrier.arrive $0xFFFF  }
0xc7: {  	_ =	shalt  }

// kernel: kernel.14.cloned.1.call-start
scs
__scs_entry_jumppad:
0x0: {  	(pc) =	sbr.rel $0x88, $3  }
0x1: {  	(tag) =	ssettag $0x0;
	lr =	simm.s32 $0x1  }
0x2: {  	[smem:$0x3F9F] =	sst lr;
	_ =	strace $0xD0000000  }
0x3: {  	_ = 	snop  }
0x4: {  	_ = 	snop  }
0x5: {  	_ = 	snop  }
0x6: {  	_ = 	snop  }
0x7: {  	_ = 	snop  }
__scs_overlays_trampoline_lowered:
0x8: {  	[smem:$0x3FAE] =	sst s0  }
0x9: {  	[smem:$0x3FAF] =	sst s1  }
0xa: {  	[smem:$0x3FB0] =	sst s2  }
0xb: {  	[smem:$0x3FB1] =	sst s3  }
0xc: {  	[smem:$0x3FB2] =	sst s4  }
0xd: {  	[smem:$0x3FB3] =	sst s5  }
0xe: {  	[smem:$0x3FB4] =	sst s6  }
0xf: {  	[smem:$0x3FB5] =	sst s7  }
0x10: {  	[smem:$0x3FB6] =	sst s8  }
0x11: {  	[smem:$0x3FB7] =	sst s9;
	s0 =	simm.s32 @!p0 $0x0  }
0x12: {  	s1 =	sld [smem:$0x3F9D];
	s0 =	simm.s32 @p0 $0x1  }
0x13: {  	[smem:$0x3FB8] =	sst s0;
	s0 =	simm.s32 @!p1 $0x0  }
0x14: {  	s2 =	sld [smem:$0x3F9C];
	s0 =	simm.s32 @p1 $0x1  }
0x15: {  	[smem:$0x3FB9] =	sst s0;
	s0 =	simm.s32 @!p2 $0x0  }
0x16: {  	s3 =	sld [smem:$0x3FDB];
	s0 =	simm.s32 @p2 $0x1  }
0x17: {  	s4 =	simm.s32 $0x1BF5;
	[smem:$0x3FBB] =	sst s0  }
0x18: {  	s0 =	sld [smem:$0x3F9E];
	_ =	swait.ge [sflag:s4], $0x0  }
0x19: {  	s7 =	sld [smem:$0x3F9F]  }
0x1a: {  	s8 =	sadd.s32 $0xFFFFE003, lr  }
0x1b: {  	s9 =	sadd.s32 $0xFFFFFEF7, lr;
	s5 =	simm.s32 $0xFFFFFFFF;
	p2 =	slt.u32 s8, $0xFFFFF086  }
0x1c: {  	p1 =	slt.u32 s9, $0xF7A;
	s5 =	simm.s32 @!p2 $0x0  }
0x1d: {  	s5 =	simm.s32 @p1 $0x1;
	p0 =	seq.s32 s7, s2  }
0x1e: {  	s7 =	smul.u32 @!p0 $0xF7A, s2;
	p2 =	seq.s32 @!p0 s5, $0x0  }
0x1f: {  	s9 =	smul.u32 $0xF7A, s1;
	s8 =	simm.s32 @!p0 $0x1BF5;
	p2 =	por !p2, p0  }
0x20: {  	[sflag:s8] =	ssyncset.s32 @!p0 $0xFFFFF086;
	s6 =	sadd.s32 @!p0 s3, s7;
	s7 =	simm.s32 @!p0 $0x108  }
0x21: {  	s3 =	sadd.s32 s3, s9;
	s6 =	sadd.s32 @!p0 $0x88, s6;
	s7 =	simm.s32 @p2 $0x1082  }
0x22: {  	[simem:s7], [sflag:s8] =	dma.local @!p0 [hbm:s6], $0xF7A  }
0x23: {  	s9 =	sor.u32 $0xD0000000, s2;
	s6 =	simm.s32 $0x108;
	_ =	swait.ge @!p0 [sflag:s8], $0x0  }
0x24: {  	s3 =	sadd.s32 $0x88, s3;
	s6 =	simm.s32 @!p1 $0x1082;
	[sflag:s4] =	ssyncset.s32 $0xFFFFF086  }
0x25: {  	[simem:s6], [sflag:s4] =	dma.local [hbm:s3], $0xF7A  }
0x26: {  	[smem:$0x3F9F] =	sst s1;
	(tag) =	ssettag s2;
	_ =	strace s9  }
0x27: {  	s1 =	sld [smem:$0x3FAF]  }
0x28: {  	s2 =	sld [smem:$0x3FB0]  }
0x29: {  	s4 =	sld [smem:$0x3FB2]  }
0x2a: {  	p0 =	seq.s32 s5, $0x0;
	s5 =	sld [smem:$0x3FB3]  }
0x2b: {  	s6 =	sld [smem:$0x3FB4]  }
0x2c: {  	s7 =	sld [smem:$0x3FB5]  }
0x2d: {  	s3 =	simm.s32 $0x108;
	s8 =	sld [smem:$0x3FB6]  }
0x2e: {  	s3 =	simm.s32 @!p0 $0x1082;
	s9 =	sld [smem:$0x3FB7]  }
0x2f: {  	lr =	sadd.s32 s0, s3;
	s0 =	sld [smem:$0x3FAE]  }
0x30: {  	s3 =	sld [smem:$0x3FB1]  }
0x31: {  	[smem:$0x3FBA] =	sst s10  }
0x32: {  	s10 =	sld [smem:$0x3FB8];
	_ =	sdelay $0x3  }
0x33: {  	p0 =	seq.s32 s10, $0x1;
	s10 =	sld [smem:$0x3FBA];
	_ =	sdelay $0x3  }
0x34: {  	[smem:$0x3FBA] =	sst s10  }
0x35: {  	s10 =	sld [smem:$0x3FB9];
	_ =	sdelay $0x3  }
0x36: {  	p1 =	seq.s32 s10, $0x1;
	s10 =	sld [smem:$0x3FBA];
	_ =	sdelay $0x3  }
0x37: {  	[smem:$0x3FBA] =	sst s10  }
0x38: {  	s10 =	sld [smem:$0x3FBB]  }
0x39: {  	_ = 	snop;
	(pc) =	sbr.ind lr, $3  }
0x3a: {  	_ = 	snop  }
0x3b: {  	_ = 	snop  }
0x3c: {  	p2 =	seq.s32 s10, $0x1;
	s10 =	sld [smem:$0x3FBA]  }
0x3d: {  	_ =	shalt  }
0x3e: {  	_ =	shalt  }
0x3f: {  	_ =	shalt  }
0x40: {  	_ =	shalt  }
0x41: {  	_ =	shalt  }
0x42: {  	_ =	shalt  }
0x43: {  	_ =	shalt  }
0x44: {  	_ =	shalt  }
0x45: {  	_ =	shalt  }
0x46: {  	_ =	shalt  }
0x47: {  	_ =	shalt  }
0x48: {  	_ =	shalt  }
0x49: {  	_ =	shalt  }
0x4a: {  	_ =	shalt  }
0x4b: {  	_ =	shalt  }
0x4c: {  	_ =	shalt  }
0x4d: {  	_ =	shalt  }
0x4e: {  	_ =	shalt  }
0x4f: {  	_ =	shalt  }
0x50: {  	_ =	shalt  }
0x51: {  	_ =	shalt  }
0x52: {  	_ =	shalt  }
0x53: {  	_ =	shalt  }
0x54: {  	_ =	shalt  }
0x55: {  	_ =	shalt  }
0x56: {  	_ =	shalt  }
0x57: {  	_ =	shalt  }
0x58: {  	_ =	shalt  }
0x59: {  	_ =	shalt  }
0x5a: {  	_ =	shalt  }
0x5b: {  	_ =	shalt  }
0x5c: {  	_ =	shalt  }
0x5d: {  	_ =	shalt  }
0x5e: {  	_ =	shalt  }
0x5f: {  	_ =	shalt  }
0x60: {  	_ =	shalt  }
0x61: {  	_ =	shalt  }
0x62: {  	_ =	shalt  }
0x63: {  	_ =	shalt  }
0x64: {  	_ =	shalt  }
0x65: {  	_ =	shalt  }
0x66: {  	_ =	shalt  }
0x67: {  	_ =	shalt  }
0x68: {  	_ =	shalt  }
0x69: {  	_ =	shalt  }
0x6a: {  	_ =	shalt  }
0x6b: {  	_ =	shalt  }
0x6c: {  	_ =	shalt  }
0x6d: {  	_ =	shalt  }
0x6e: {  	_ =	shalt  }
0x6f: {  	_ =	shalt  }
0x70: {  	_ =	shalt  }
0x71: {  	_ =	shalt  }
0x72: {  	_ =	shalt  }
0x73: {  	_ =	shalt  }
0x74: {  	_ =	shalt  }
0x75: {  	_ =	shalt  }
0x76: {  	_ =	shalt  }
0x77: {  	_ =	shalt  }
0x78: {  	_ =	shalt  }
0x79: {  	_ =	shalt  }
0x7a: {  	_ =	shalt  }
0x7b: {  	_ =	shalt  }
0x7c: {  	_ =	shalt  }
0x7d: {  	_ =	shalt  }
0x7e: {  	_ =	shalt  }
0x7f: {  	_ =	shalt  }
0x80: {  	_ =	shalt  }
0x81: {  	_ =	shalt  }
0x82: {  	_ =	shalt  }
0x83: {  	_ =	shalt  }
0x84: {  	_ =	shalt  }
0x85: {  	_ =	shalt  }
0x86: {  	_ =	shalt  }
0x87: {  	_ =	shalt  }
.Lfunc_end0:
.L_simem_size_0:
called_computation.2_lowered:
.L_overlay_start_0:
0x88: {  	s2 =	sld [smem:$0x3FD9]  }
0x89: {  	s3 =	sld [smem:$0x3FFE];
	_ =	sdelay $0x1  }
0x8a: {  	s1 =	srdreg.scid  }
0x8b: {  	s0 =	sand.u32 $0x1, s1  }
0x8c: {  	s17 =	sshll.u32 s0, $0xA;
	s2 =	sadd.s32 s3, s2  }
0x8d: {  	s2 =	sadd.s32 s2, s17  }
0x8e: {  	[smem:$0x3FC6] =	sst s2  }
0x8f: {  	_ = 	snop  }
0x90: {  	(tm) =	ssettm $0x1  }
0x91: {  	s18 =	sld [smem:$0x3FFB];
	_ =	sdelay $0x3  }
0x92: {  	_ =	strace s18  }
0x93: {  	s2 =	sld [smem:$0x3FFC];
	_ =	sdelay $0x3  }
0x94: {  	_ =	strace s2  }
0x95: {  	s2 =	sld [smem:$0x3FFD];
	_ =	sdelay $0x3  }
0x96: {  	_ =	strace s2  }
0x97: {  	_ =	strace $0x8FFFFFFF  }
0x98: {  	s19 =	sld [smem:$0x3FDB];
	_ =	sdelay $0x1  }
0x99: {  	s20 =	simm.s32 $_scs_section_size  }
0x9a: {  	s4 =	simm.s32 $_size__tile_overlayer_lowered;
	s5 =	simm.s32 $_tile_overlayer_lowered  }
0x9b: {  	s6 =	simm.s32 $0x1BFF;
	s21 =	sshll.u32 s5, $0x1;
	s3 =	sadd.s32 s20, s19  }
0x9c: {  	s22 =	simm.s32 $0x0;
	s4 =	sshll.u32 s4, $0x1;
	s5 =	sadd.s32 s21, s3  }
0x9d: {  	[timem:s22], [sflag:s6] =	dma.local [hbm:s5], s4  }
0x9e: {  	_ =	swait.ge [sflag:s6], s4  }
0x9f: {  	s4 =	ssub.s32 $0x0, s4;
	[sflag:s6] =	ssyncset.done $0x0  }
0xa0: {  	[sflag:s6] =	ssyncadd.s32 s4;
	_ =	sdelay $0x1  }
0xa1: {  	s23 =	simm.s32 $0x1B8B  }
0xa2: {  	_ =	swait.ge [sflag:s23], $0x1  }
0xa3: {  	[sflag:s23] =	ssyncset.done $0x0  }
0xa4: {  	[sflag:s23] =	ssyncadd.s32 $0xFFFFFFFF  }
0xa5: {  	s4 =	sld [smem:$0x0]  }
0xa6: {  	s5 =	sand.u32 $0xFFFFFFFE, s1  }
0xa7: {  	p0 =	sne.s32 s1, s5  }
0xa8: {  	s5 =	sshll.u32 @p0 s5, $0xE  }
0xa9: {  	s5 =	sadd.s32 @p0 $0x11B8D, s5;
	s6 =	sshll.u32 @p0 s4, $0x11  }
0xaa: {  	s5 =	sor.u32 @p0 s6, s5  }
0xab: {  	[sflag:s5] =	ssyncadd.remote.s32 @p0 $0x1;
	_ =	sdelay $0x1  }
0xac: {  	s5 =	simm.s32 @p0 $0x1B8D  }
0xad: {  	_ =	swait.eq @p0 [sflag:s5], $0x1  }
0xae: {  	[sflag:s5] =	ssyncadd.s32 @p0 $0xFFFFFFFF  }
0xaf: {  	s6 =	sshll.u32 @!p0 s1, $0xE  }
0xb0: {  	s6 =	sor.u32 @!p0 $0x4000, s6;
	s5 =	simm.s32 @!p0 $0x1B8D  }
0xb1: {  	s4 =	sshll.u32 @!p0 s4, $0x11;
	s6 =	sadd.s32 @!p0 $0x11B8D, s6;
	_ =	swait.eq @!p0 [sflag:s5], $0x1  }
0xb2: {  	s4 =	sor.u32 @!p0 s4, s6;
	[sflag:s5] =	ssyncadd.s32 @!p0 $0xFFFFFFFF  }
0xb3: {  	s25 =	simm.s32 $0x1B8E;
	s24 =	sld [smem:$0x3FFE];
	[sflag:s4] =	ssyncadd.remote.s32 @!p0 $0x1  }
0xb4: {  	s26 =	simm.s32 $execute0_lowered;
	[smem:$0x3FD2] =	sst s25  }
0xb5: {  	s5 =	sshll.u32 s26, $0x1;
	_ =	strace $0x8000004C;
	[dreg:$0x1] =	wrdreg $0xFFFFFFFF  }
0xb6: {  	s28 =	simm.s32 $_size_execute0_lowered;
	s3 =	sadd.s32 s3, s5;
	[dreg:$0x0] =	wrdreg $0x0  }
0xb7: {  	s5 =	sshll.u32 s28, $0x1;
	[dreg:$0x2] =	wrdreg s3  }
0xb8: {  	[dreg:$0x3] =	wrdreg s5  }
0xb9: {  	[dreg:$0x4] =	wrdreg $0xC0  }
0xba: {  	_ =	task [dreg:s22], $0x5FFFF  }
0xbb: {  	[dreg:$0x1] =	wrdreg $0xFFFFFFFF  }
0xbc: {  	[dreg:$0x0] =	wrdreg $0x60  }
0xbd: {  	[dreg:$0x2] =	wrdreg s24  }
0xbe: {  	[dreg:$0x3] =	wrdreg $0xB  }
0xbf: {  	_ =	task.clear_ibuf [dreg:s22], $0x4FFFF;
	_ =	strace $0x9000004C  }
0xc0: {  	s29 =	simm.s32 $0xB;
	_ =	strace $0x8000004E  }
0xc1: {  	_ =	swait.ge [sflag:s29], $0x1  }
0xc2: {  	[sflag:s29] =	ssyncadd.s32 $0xFFFFFFFF  }
0xc3: {  	_ =	strace $0x9000004E  }
0xc4: {  	_ =	sfence  }
0xc5: {  	s30 =	sld [smem:$0x0];
	_ =	sdelay $0x2  }
0xc6: {  	s31 =	sshll.u32 s1, $0xD;
	s1 =	sshrl.u32 s1, $0x2  }
0xc7: {  	s4 =	sand.u32 $0x4000, s31;
	s1 =	sadd.s32 s1, s30  }
0xc8: {  	s0 =	sor.u32 s4, s0;
	s1 =	sshll.u32 s1, $0x11  }
0xc9: {  	s0 =	sor.u32 s1, s0  }
0xca: {  	s0 =	sadd.s32 $0x8F2B, s0  }
0xcb: {  	[sflag:s0] =	ssyncadd.remote.s32 $0x1  }
0xcc: {  	_ =	sfence.sel $0xFFFF  }
0xcd: {  	[dreg:$0x0] =	wrdreg $0xFFFFFFFF;
	(pc) =	sbr.abs _section_cstart, $3  }
0xce: {  	[dreg:$0x1] =	wrdreg $0xFFFFFFFF  }
0xcf: {  	_ =	task.clear_ibuf [dreg:s22], $0x2FFFF;
	_ =	strace $0x9FFFFFFF  }
0xd0: {  	(tm) =	ssettm $0x7FFFFFFF  }
0xd1: {  	_ =	shalt  }
tec
execute0_lowered:
.L_overlay_start_1:
0x0: {  	(tag) =	ssettag $0x1  }
0x1: {  	v0 =	vimm.s32 $0xB80;
	vm0 =	vcmask $0x300  }
0x2: {  	vm14 =	vcmask $0x704;
	v0 =	vsel vm0, $0x0, v0  }
0x3: {  	vm15 =	vcmask $0xB08;
	v0 =	vsel vm14, $0x80, v0  }
0x4: {  	vm4 =	vcmask $0xF0C;
	v0 =	vsel vm15, $0x100, v0  }
0x5: {  	vm5 =	vcmask $0x1310;
	v0 =	vsel vm4, $0x180, v0  }
0x6: {  	vm6 =	vcmask $0x1714;
	v0 =	vsel vm5, $0x200, v0  }
0x7: {  	s1 =	srdreg.scid;
	vm7 =	vcmask $0x1B18;
	v0 =	vsel vm6, $0x280, v0  }
0x8: {  	s0 =	stileid.u32;
	s3 =	rddreg [dreg:$0x0];
	vm8 =	vcmask $0x1F1C;
	v0 =	vsel vm7, $0x300, v0  }
0x9: {  	s2 =	simm.s32 $0x0;
	vm9 =	vcmask $0x2320;
	s8 =	simm.s32 $0x1;
	s9 =	simm.s32 $0x2;
	v0 =	vsel vm8, $0x380, v0  }
0xa: {  	vm10 =	vcmask $0x2724;
	s10 =	simm.s32 $0x2000;
	s11 =	simm.s32 $0x3;
	s12 =	simm.s32 $0x0;
	v0 =	vsel vm9, $0x800, v0  }
0xb: {  	vm11 =	vcmask $0x2B28;
	s4 =	sand.u32 $0x1, s1;
	s5 =	sshll.u32 s0, $0x1;
	s1 =	rddreg [dreg:$0x1];
	v0 =	vsel vm10, $0x880, v0  }
0xc: {  	vm12 =	vcmask $0x2F2C;
	[smem:$0x7FF] =	sst s2;
	s5 =	sor.u32 s4, s5;
	s4 =	ssub.s32 $0x2, s4;
	v0 =	vsel vm11, $0x900, v0  }
0xd: {  	vm13 =	vcmask $0x3330;
	s6 =	smul.u32 $0xC00, s5;
	s5 =	sshll.u32 s5, $0x7;
	s7 =	sshrl.u32 s4, $0x1;
	v0 =	vsel vm12, $0x980, v0  }
0xe: {  	_ =	strace $0x8000004D;
	vm14 =	vcmask $0x3734;
	s5 =	sadd.s32 s5, s3;
	s7 =	ssub.s32 s4, s7;
	v0 =	vsel vm13, $0xA00, v0  }
0xf: {  	vm15 =	vcmask $0x3B38;
	s6 =	sadd.s32 s6, s3;
	s4 =	sadd.s32 $0x85C00, s5;
	s5 =	smax.u32 s7, $0x1;
	v0 =	vsel vm14, $0xA80, v0  }
0x10: {  	s7 =	simm.s32 $0x1000;
	s3 =	sadd.s32 $0x69C00, s6;
	s6 =	sadd.s32 $0x6A000, s6;
	v0 =	vsel vm15, $0xB00, v0  }
.LBB2_1:
0x11: {  	[tilespmem:s2], [sflag:$0x1] =	stream.linear.gather [hbm4b:s3+s2], $0x1000, $0x38;
	[tilespmem:$0x2400] =	vst v63  }
0x12: {  	s13 =	simm.s32 $0x0  }
.LBB2_2:
0x13: {  	s16 =	simm.s32 $0x0  }
0x14: {  	v1 =	vmov s16  }
0x15: {  	s15 =	sshll.u32 s13, $0xA;
	v1 =	vadd.s32 $0x64, v1  }
0x16: {  	s14 =	sor.u32 $0x200, s15;
	v2 =	vshll.u32 v1, $0x3  }
0x17: {  	s17 =	simm.s32 $0x1;
	v3 =	vor.u32 s16, v0;
	s18 =	sadd.s32 s14, s3;
	v1 =	vand.u32 $0x7E, v1;
	v2 =	vand.u32 $0x400, v2  }
0x18: {  	v5 =	vor.u32 s17, v0;
	[tilespmem:s7], [sflag:$0x2] =	stream.linear.gather [hbm4b:s18+s16], $0x1000, $0x38;
	v1 =	vor.u32 v2, v1;
	v2 =	vmov s17;
	[tilespmem:$0x2400] =	vst v63  }
0x19: {  	_ =	swait.ge [sflag:s8], $0x1000;
	v1 =	vor.u32 v0, v1;
	v2 =	vadd.s32 $0x64, v2  }
0x1a: {  	[sflag:s8] =	ssyncset.done $0x0;
	v4 =	vshll.u32 v2, $0x3  }
0x1b: {  	[sflag:s8] =	ssyncadd.s32 $0xFFFFF000;
	v2 =	vand.u32 $0x7F, v2;
	v4 =	vand.u32 $0x400, v4  }
0x1c: {  	v3 =	vld.idx.msk [tilespmem:v3+s2+$0x0], $0xffff;
	v2 =	vor.u32 v4, v2  }
0x1d: {  	v7 =	vld.idx.msk [tilespmem:v5+s2+$0x0], $0xffff;
	v2 =	vor.u32 v0, v2  }
0x1e: {  	v1 =	vld.idx.msk [tilespmem:v1+s2+$0x0], $0xffff;
	_ =	sdelay $0x1  }
0x1f: {  	v6 =	vimm.f32 $-Inf;
	v21 =	vimm.f32 $-Inf  }
0x20: {  	v19 =	vimm.f32 $-Inf;
	v8 =	vmax.f32 v6, v3;
	v11 =	vmin.f32 v6, v3  }
0x21: {  	v15 =	vimm.f32 $-Inf;
	v23 =	vmin.f32 v6, v11;
	v25 =	vmin.f32 v8, v7;
	v20 =	vld.idx.msk [tilespmem:v2+s2+$0x0], $0xffff  }
0x22: {  	v26 =	vmax.f32 v6, v11;
	v11 =	vimm.f32 $-Inf;
	v2 =	vmin.f32 v6, v1  }
0x23: {  	v24 =	vmax.f32 v6, v23;
	v22 =	vmax.f32 v6, v1;
	v1 =	vmin.f32 v6, v2  }
0x24: {  	v9 =	vmax.f32 v6, v2;
	v4 =	vmax.f32 v6, v1;
	v2 =	vmin.f32 v6, v1  }
0x25: {  	v1 =	vmax.f32 v8, v7;
	v7 =	vimm.f32 $-Inf;
	v12 =	vmin.f32 v6, v2  }
0x26: {  	v3 =	vmax.f32 v6, v2;
	v2 =	vmin.f32 v6, v12;
	v10 =	vmin.f32 v22, v20  }
0x27: {  	v16 =	vmax.f32 v6, v12;
	v12 =	vimm.f32 $-Inf;
	v5 =	vmax.f32 v6, v2  }
0x28: {  	v14 =	vmin.f32 v6, v2;
	v2 =	vmax.f32 v9, v10;
	v10 =	vmin.f32 v9, v10  }
0x29: {  	v13 =	vmax.f32 v6, v14;
	v14 =	vmin.f32 v6, v14;
	v8 =	vmin.f32 v4, v10  }
0x2a: {  	v18 =	vmax.f32 v6, v14;
	v9 =	vmin.f32 v6, v14;
	v14 =	vimm.f32 $-Inf  }
0x2b: {  	s16 =	simm.s32 $0x2;
	v17 =	vmax.f32 v6, v9;
	v27 =	vmin.f32 v6, v9;
	v9 =	vimm.f32 $-Inf  }
.LBB2_3:
0x2c: {  	s17 =	sadd.s32 $0x1, s16  }
0x2d: {  	p0 =	slt.u32 s16, $0x62;
	v23 =	vmin.f32 v6, v23;
	v21 =	vmax.f32 v21, v27;
	v27 =	vmax.f32 v22, v20;
	v28 =	vmovc v1;
	s18 =	smov.u32 s16;
	s16 =	sadd.s32 $0x2, s16  }
0x2e: {  	v29 =	vmax.f32 v26, v25;
	v6 =	vmov s17;
	v20 =	vor.u32 s17, v0  }
0x2f: {  	v25 =	vmin.f32 v26, v25;
	v30 =	vmax.f32 v12, v23;
	v22 =	vadd.s32 $0x64, v6  }
0x30: {  	v31 =	vmin.f32 v3, v8;
	v6 =	vmax.f32 v24, v25;
	v26 =	vshll.u32 v22, $0x3  }
0x31: {  	v32 =	vmin.f32 v16, v31;
	v22 =	vand.u32 $0x7F, v22;
	v26 =	vand.u32 $0x400, v26  }
0x32: {  	v33 =	vmov s18;
	v24 =	vmin.f32 v24, v25;
	v22 =	vor.u32 v26, v22  }
0x33: {  	v25 =	vadd.s32 $0x64, v33;
	v26 =	vmin.f32 v30, v24;
	v22 =	vor.u32 v0, v22  }
0x34: {  	v23 =	vmin.f32 v12, v23;
	v34 =	vmin.f32 v5, v32;
	v33 =	vshll.u32 v25, $0x3  }
0x35: {  	v12 =	vand.u32 $0x7E, v25;
	v25 =	vand.u32 $0x400, v33;
	v33 =	vmin.f32 v13, v34  }
0x36: {  	v35 =	vmax.f32 v7, v23;
	v25 =	vor.u32 v25, v12;
	v12 =	vmax.f32 v30, v24  }
0x37: {  	v24 =	vor.u32 s18, v0;
	v30 =	vmin.f32 v18, v33;
	v25 =	vor.u32 v0, v25  }
0x38: {  	v23 =	vmin.f32 v7, v23;
	v7 =	vmax.f32 v35, v26;
	v36 =	vmin.f32 v17, v30  }
0x39: {  	v37 =	vmax.f32 v19, v23;
	v19 =	vmin.f32 v19, v23;
	v23 =	vmin.f32 v35, v26  }
0x3a: {  	v26 =	vmax.f32 v15, v19;
	v15 =	vmin.f32 v15, v19;
	v19 =	vmin.f32 v37, v23  }
0x3b: {  	v35 =	vmax.f32 v11, v15;
	v11 =	vmin.f32 v11, v15;
	v21 =	vmax.f32 v21, v36  }
0x3c: {  	v33 =	vmax.f32 v18, v33;
	v36 =	vmax.f32 v14, v11;
	v11 =	vmin.f32 v14, v11;
	v25 =	vld.idx.msk [tilespmem:v25+s2+$0x0], $0xffff  }
0x3d: {  	v30 =	vmax.f32 v17, v30;
	v9 =	vmax.f32 v9, v11;
	v18 =	vld.idx.msk [tilespmem:v24+s2+$0x0], $0xffff;
	v24 =	vmax.f32 v13, v34  }
0x3e: {  	v10 =	vmax.f32 v4, v10;
	v4 =	vmin.f32 v26, v19;
	v13 =	vmax.f32 v5, v32;
	v17 =	vld.idx.msk [tilespmem:v20+s2+$0x0], $0xffff  }
0x3f: {  	v15 =	vmax.f32 v26, v19;
	v11 =	vmax.f32 v35, v4;
	v4 =	vmin.f32 v35, v4  }
0x40: {  	v16 =	vmax.f32 v16, v31;
	v19 =	vmax.f32 v37, v23;
	v5 =	vmin.f32 v36, v4;
	v20 =	vld.idx.msk [tilespmem:v22+s2+$0x0], $0xffff  }
0x41: {  	v8 =	vmax.f32 v3, v8;
	v14 =	vmax.f32 v36, v4;
	v9 =	vmax.f32 v9, v5  }
0x42: {  	v22 =	vmax.f32 v27, v25;
	v3 =	vmin.f32 v27, v25  }
0x43: {  	v25 =	vmax.f32 v1, v18;
	v26 =	vmax.f32 v2, v3;
	v1 =	vmin.f32 v2, v3  }
0x44: {  	v4 =	vmax.f32 v10, v1;
	v2 =	vmin.f32 v10, v1;
	v1 =	vmax.f32 v25, v17  }
0x45: {  	v28 =	vmin.f32 v28, v18;
	v3 =	vmax.f32 v8, v2;
	v31 =	vmin.f32 v8, v2  }
0x46: {  	v23 =	vmin.f32 v29, v28;
	v2 =	vmin.f32 v16, v31;
	v8 =	vmin.f32 v22, v20  }
.Ltmp0:
0x47: {  	v5 =	vmax.f32 v13, v2;
	v10 =	vmin.f32 v13, v2;
	v2 =	vmax.f32 v26, v8;
	(pc) =	sbr.rel @p0 .LBB2_3-.Ltmp0, $4  }
0x48: {  	v13 =	vmax.f32 v24, v10;
	v24 =	vmin.f32 v24, v10;
	v10 =	vmin.f32 v26, v8  }
0x49: {  	v25 =	vmin.f32 v25, v17;
	v18 =	vmax.f32 v33, v24;
	v8 =	vmin.f32 v33, v24  }
0x4a: {  	v17 =	vmax.f32 v30, v8;
	v27 =	vmin.f32 v30, v8;
	v8 =	vmin.f32 v4, v10  }
0x4b: {  	v16 =	vmax.f32 v16, v31;
	v26 =	vmax.f32 v29, v28;
	v24 =	vmax.f32 v6, v23  }
0x4c: {  	v6 =	vmin.f32 v6, v23;
	v21 =	vmax.f32 v21, v27  }
0x4d: {  	v20 =	vmax.f32 v22, v20;
	v22 =	vmax.f32 v26, v25;
	v25 =	vmin.f32 v26, v25  }
0x4e: {  	v26 =	vmin.f32 v3, v8;
	v4 =	vmax.f32 v4, v10;
	v3 =	vmax.f32 v3, v8  }
0x4f: {  	v23 =	vmax.f32 v12, v6;
	v27 =	vmax.f32 v24, v25;
	v28 =	vmin.f32 v16, v26  }
0x50: {  	v24 =	vmin.f32 v24, v25;
	v6 =	vmin.f32 v12, v6;
	v16 =	vmax.f32 v16, v26  }
0x51: {  	v25 =	vmin.f32 v23, v24;
	v12 =	vmin.f32 v5, v28;
	v30 =	vmax.f32 v7, v6  }
0x52: {  	v23 =	vmax.f32 v23, v24;
	v6 =	vmin.f32 v7, v6;
	v5 =	vmax.f32 v5, v28  }
0x53: {  	v29 =	vmin.f32 v13, v12;
	v7 =	vmax.f32 v30, v25;
	v32 =	vmax.f32 v19, v6  }
0x54: {  	v6 =	vmin.f32 v19, v6;
	v19 =	vmin.f32 v30, v25;
	v24 =	vmin.f32 v18, v29  }
0x55: {  	v25 =	vmax.f32 v15, v6;
	v6 =	vmin.f32 v15, v6;
	v15 =	vmin.f32 v32, v19  }
0x56: {  	v5 =	vmax.f32 v7, v5;
	v31 =	vmin.f32 v17, v24;
	v63 =	vmax.f32 v11, v6  }
0x57: {  	v6 =	vmin.f32 v11, v6;
	v10 =	vmin.f32 v25, v15;
	v11 =	vmax.f32 v21, v31  }
0x58: {  	v21 =	vmax.f32 v14, v6;
	v6 =	vmin.f32 v14, v6;
	v14 =	vmax.f32 v18, v29  }
0x59: {  	v6 =	vmax.f32 v9, v6;
	v9 =	vmax.f32 v13, v12;
	v12 =	vmax.f32 v17, v24  }
0x5a: {  	v13 =	vmax.f32 v25, v15;
	v15 =	vmax.f32 v63, v10;
	v10 =	vmin.f32 v63, v10  }
0x5b: {  	v17 =	vmax.f32 v32, v19;
	v1 =	vmax.f32 v1, v11;
	v11 =	vmax.f32 v27, v14  }
0x5c: {  	v18 =	vmin.f32 v21, v10;
	v8 =	vmax.f32 v21, v10;
	v10 =	vmax.f32 v22, v12  }
0x5d: {  	v9 =	vmax.f32 v23, v9;
	v7 =	vmax.f32 v17, v16;
	v3 =	vmax.f32 v13, v3  }
0x5e: {  	v4 =	vmax.f32 v15, v4;
	v6 =	vmax.f32 v6, v18;
	v2 =	vmax.f32 v8, v2  }
0x5f: {  	s16 =	simm.s32 $0x0;
	v1 =	vmin.f32 v1, v10;
	v8 =	vmin.f32 v11, v9;
	v5 =	vmin.f32 v5, v7  }
0x60: {  	v7 =	vmov s16;
	v3 =	vmin.f32 v3, v4;
	v6 =	vmax.f32 v6, v20  }
0x61: {  	v4 =	vadd.s32 $0x64, v7;
	v1 =	vmin.f32 v1, v8;
	v3 =	vmin.f32 v5, v3  }
0x62: {  	v2 =	vmin.f32 v2, v6;
	v5 =	vshll.u32 v4, $0x3;
	v1 =	vmin.f32 v1, v3  }
0x63: {  	s17 =	sshrl.u32 s15, $0x2;
	p0 =	seq.s32 s13, $0x2;
	v3 =	vand.u32 $0x7E, v4;
	v4 =	vand.u32 $0x400, v5;
	v1 =	vmin.f32 v1, v2  }
0x64: {  	s18 =	simm.s32 $0x1;
	s15 =	sadd.s32 @!p0 s6, s15;
	v2 =	vor.u32 v4, v3;
	[tilespmem:s17+$0x2000] =	vst v1;
	s17 =	simm.s32 @!p0 $0x0;
	v3 =	vor.u32 s16, v0  }
0x65: {  	v1 =	vmov s18;
	v2 =	vor.u32 v0, v2;
	[tilespmem:s17], [sflag:$0x1] =	stream.linear.gather @!p0 [hbm4b:s15+s17], $0x1000, $0x38;
	[tilespmem:$0x2400] =	vst v63  }
0x66: {  	v5 =	vor.u32 s18, v0;
	v1 =	vadd.s32 $0x64, v1;
	_ =	swait.ge [sflag:s9], $0x1000  }
0x67: {  	v4 =	vshll.u32 v1, $0x3;
	[sflag:s9] =	ssyncset.done $0x0  }
0x68: {  	v1 =	vand.u32 $0x7F, v1;
	v4 =	vand.u32 $0x400, v4;
	[sflag:s9] =	ssyncadd.s32 $0xFFFFF000  }
0x69: {  	v1 =	vor.u32 v4, v1;
	v3 =	vld.idx.msk [tilespmem:v3+s7+$0x0], $0xffff  }
0x6a: {  	v1 =	vor.u32 v0, v1;
	v2 =	vld.idx.msk [tilespmem:v2+s7+$0x0], $0xffff  }
0x6b: {  	v7 =	vld.idx.msk [tilespmem:v5+s7+$0x0], $0xffff;
	_ =	sdelay $0x1  }
0x6c: {  	v19 =	vimm.f32 $-Inf;
	v6 =	vimm.f32 $-Inf  }
0x6d: {  	v21 =	vimm.f32 $-Inf;
	v15 =	vimm.f32 $-Inf;
	v8 =	vmax.f32 v6, v3  }
0x6e: {  	v20 =	vld.idx.msk [tilespmem:v1+s7+$0x0], $0xffff;
	v11 =	vmin.f32 v6, v3;
	v1 =	vmin.f32 v6, v2;
	v22 =	vmax.f32 v6, v2  }
0x6f: {  	v23 =	vmin.f32 v6, v11;
	v25 =	vmin.f32 v8, v7;
	v26 =	vmax.f32 v6, v11  }
0x70: {  	v11 =	vimm.f32 $-Inf;
	v2 =	vmin.f32 v6, v1;
	v9 =	vmax.f32 v6, v1  }
0x71: {  	v1 =	vmax.f32 v8, v7;
	v4 =	vmax.f32 v6, v2;
	v2 =	vmin.f32 v6, v2  }
0x72: {  	v24 =	vmax.f32 v6, v23;
	v7 =	vimm.f32 $-Inf;
	v13 =	vmin.f32 v6, v2  }
0x73: {  	v3 =	vmax.f32 v6, v2;
	v2 =	vmin.f32 v6, v13;
	v10 =	vmin.f32 v22, v20  }
0x74: {  	v16 =	vmax.f32 v6, v13;
	v13 =	vimm.f32 $-Inf;
	v5 =	vmax.f32 v6, v2  }
0x75: {  	v14 =	vmin.f32 v6, v2;
	v2 =	vmax.f32 v9, v10;
	v10 =	vmin.f32 v9, v10  }
0x76: {  	v12 =	vmax.f32 v6, v14;
	v14 =	vmin.f32 v6, v14;
	v8 =	vmin.f32 v4, v10  }
0x77: {  	v18 =	vmax.f32 v6, v14;
	v9 =	vmin.f32 v6, v14;
	v14 =	vimm.f32 $-Inf  }
0x78: {  	s15 =	simm.s32 $0x2;
	v17 =	vmax.f32 v6, v9;
	v27 =	vmin.f32 v6, v9;
	v9 =	vimm.f32 $-Inf  }
.LBB2_5:
0x79: {  	s16 =	sadd.s32 $0x1, s15  }
0x7a: {  	p0 =	slt.u32 s15, $0x62;
	v23 =	vmin.f32 v6, v23;
	v21 =	vmax.f32 v21, v27;
	v27 =	vmax.f32 v22, v20;
	v28 =	vmovc v1;
	s17 =	smov.u32 s15;
	s15 =	sadd.s32 $0x2, s15  }
0x7b: {  	v29 =	vmax.f32 v26, v25;
	v6 =	vmov s16;
	v20 =	vor.u32 s16, v0  }
0x7c: {  	v25 =	vmin.f32 v26, v25;
	v30 =	vmax.f32 v13, v23;
	v22 =	vadd.s32 $0x64, v6  }
0x7d: {  	v31 =	vmin.f32 v3, v8;
	v6 =	vmax.f32 v24, v25;
	v26 =	vshll.u32 v22, $0x3  }
0x7e: {  	v32 =	vmin.f32 v16, v31;
	v22 =	vand.u32 $0x7F, v22;
	v26 =	vand.u32 $0x400, v26  }
0x7f: {  	v33 =	vmov s17;
	v24 =	vmin.f32 v24, v25;
	v22 =	vor.u32 v26, v22  }
0x80: {  	v25 =	vadd.s32 $0x64, v33;
	v26 =	vmin.f32 v30, v24;
	v22 =	vor.u32 v0, v22  }
0x81: {  	v23 =	vmin.f32 v13, v23;
	v34 =	vmin.f32 v5, v32;
	v33 =	vshll.u32 v25, $0x3  }
0x82: {  	v13 =	vand.u32 $0x7E, v25;
	v25 =	vand.u32 $0x400, v33;
	v33 =	vmin.f32 v12, v34  }
0x83: {  	v35 =	vmax.f32 v7, v23;
	v25 =	vor.u32 v25, v13;
	v13 =	vmax.f32 v30, v24  }
0x84: {  	v24 =	vor.u32 s17, v0;
	v30 =	vmin.f32 v18, v33;
	v25 =	vor.u32 v0, v25  }
0x85: {  	v23 =	vmin.f32 v7, v23;
	v7 =	vmax.f32 v35, v26;
	v36 =	vmin.f32 v17, v30  }
0x86: {  	v37 =	vmax.f32 v19, v23;
	v19 =	vmin.f32 v19, v23;
	v23 =	vmin.f32 v35, v26  }
0x87: {  	v26 =	vmax.f32 v15, v19;
	v15 =	vmin.f32 v15, v19;
	v19 =	vmin.f32 v37, v23  }
0x88: {  	v35 =	vmax.f32 v11, v15;
	v11 =	vmin.f32 v11, v15;
	v21 =	vmax.f32 v21, v36  }
0x89: {  	v33 =	vmax.f32 v18, v33;
	v36 =	vmax.f32 v14, v11;
	v11 =	vmin.f32 v14, v11;
	v25 =	vld.idx.msk [tilespmem:v25+s7+$0x0], $0xffff  }
0x8a: {  	v30 =	vmax.f32 v17, v30;
	v9 =	vmax.f32 v9, v11;
	v18 =	vld.idx.msk [tilespmem:v24+s7+$0x0], $0xffff;
	v24 =	vmax.f32 v12, v34  }
0x8b: {  	v10 =	vmax.f32 v4, v10;
	v4 =	vmin.f32 v26, v19;
	v12 =	vmax.f32 v5, v32;
	v17 =	vld.idx.msk [tilespmem:v20+s7+$0x0], $0xffff  }
0x8c: {  	v15 =	vmax.f32 v26, v19;
	v11 =	vmax.f32 v35, v4;
	v4 =	vmin.f32 v35, v4  }
0x8d: {  	v16 =	vmax.f32 v16, v31;
	v19 =	vmax.f32 v37, v23;
	v5 =	vmin.f32 v36, v4;
	v20 =	vld.idx.msk [tilespmem:v22+s7+$0x0], $0xffff  }
0x8e: {  	v8 =	vmax.f32 v3, v8;
	v14 =	vmax.f32 v36, v4;
	v9 =	vmax.f32 v9, v5  }
0x8f: {  	v22 =	vmax.f32 v27, v25;
	v3 =	vmin.f32 v27, v25  }
0x90: {  	v25 =	vmax.f32 v1, v18;
	v26 =	vmax.f32 v2, v3;
	v1 =	vmin.f32 v2, v3  }
0x91: {  	v4 =	vmax.f32 v10, v1;
	v2 =	vmin.f32 v10, v1;
	v1 =	vmax.f32 v25, v17  }
0x92: {  	v28 =	vmin.f32 v28, v18;
	v3 =	vmax.f32 v8, v2;
	v31 =	vmin.f32 v8, v2  }
0x93: {  	v23 =	vmin.f32 v29, v28;
	v2 =	vmin.f32 v16, v31;
	v8 =	vmin.f32 v22, v20  }
.Ltmp1:
0x94: {  	v5 =	vmax.f32 v12, v2;
	v10 =	vmin.f32 v12, v2;
	v2 =	vmax.f32 v26, v8;
	(pc) =	sbr.rel @p0 .LBB2_5-.Ltmp1, $4  }
0x95: {  	v12 =	vmax.f32 v24, v10;
	v24 =	vmin.f32 v24, v10;
	v10 =	vmin.f32 v26, v8  }
0x96: {  	v25 =	vmin.f32 v25, v17;
	v18 =	vmax.f32 v33, v24;
	v8 =	vmin.f32 v33, v24  }
0x97: {  	v17 =	vmax.f32 v30, v8;
	v27 =	vmin.f32 v30, v8;
	v8 =	vmin.f32 v4, v10  }
0x98: {  	v16 =	vmax.f32 v16, v31;
	v26 =	vmax.f32 v29, v28;
	v24 =	vmax.f32 v6, v23  }
0x99: {  	v6 =	vmin.f32 v6, v23;
	v21 =	vmax.f32 v21, v27;
	v20 =	vmax.f32 v22, v20  }
0x9a: {  	v36 =	vmax.f32 v26, v25;
	v37 =	vmin.f32 v26, v25;
	v38 =	vmin.f32 v3, v8  }
0x9b: {  	v4 =	vmax.f32 v4, v10;
	v3 =	vmax.f32 v3, v8;
	v39 =	vmax.f32 v13, v6  }
0x9c: {  	v40 =	vmax.f32 v24, v37;
	v28 =	vmin.f32 v16, v38;
	v23 =	vmin.f32 v24, v37  }
0x9d: {  	v6 =	vmin.f32 v13, v6;
	v57 =	vmax.f32 v16, v38;
	v41 =	vmin.f32 v5, v28  }
0x9e: {  	v24 =	vmin.f32 v39, v23;
	v30 =	vmax.f32 v7, v6;
	v23 =	vmax.f32 v39, v23  }
0x9f: {  	v6 =	vmin.f32 v7, v6;
	v54 =	vmax.f32 v5, v28;
	v29 =	vmin.f32 v12, v41  }
0xa0: {  	v43 =	vmax.f32 v30, v24;
	v32 =	vmin.f32 v19, v6;
	v6 =	vmax.f32 v19, v6  }
0xa1: {  	v44 =	vmin.f32 v30, v24;
	v52 =	vmax.f32 v12, v41;
	v42 =	vmin.f32 v18, v29  }
0xa2: {  	v45 =	vmin.f32 v15, v32;
	v46 =	vmax.f32 v15, v32;
	v30 =	vmin.f32 v6, v44  }
0xa3: {  	v51 =	vmax.f32 v18, v29;
	v6 =	vmax.f32 v6, v44;
	v12 =	vmax.f32 v23, v52  }
0xa4: {  	v5 =	vmax.f32 v43, v54;
	v31 =	vmin.f32 v17, v42;
	v47 =	vmin.f32 v11, v45  }
0xa5: {  	v48 =	vmax.f32 v11, v45;
	v53 =	vmax.f32 v17, v42;
	v55 =	vmin.f32 v46, v30  }
0xa6: {  	v15 =	vmax.f32 v46, v30;
	v61 =	vmax.f32 v40, v51;
	v6 =	vmax.f32 v6, v57  }
0xa7: {  	v21 =	vmax.f32 v21, v31;
	v49 =	vmin.f32 v14, v47;
	v50 =	vmax.f32 v14, v47  }
0xa8: {  	v56 =	vmax.f32 v48, v55;
	v10 =	vmin.f32 v48, v55;
	v60 =	vmax.f32 v36, v53  }
0xa9: {  	v3 =	vmax.f32 v15, v3;
	v62 =	vmin.f32 v61, v12;
	v5 =	vmin.f32 v5, v6  }
0xaa: {  	s13 =	sadd.s32 $0x1, s13;
	v9 =	vmax.f32 v9, v49;
	v58 =	vmin.f32 v50, v10;
	v59 =	vmax.f32 v50, v10  }
0xab: {  	p0 =	sne.s32 s13, $0x3;
	v1 =	vmax.f32 v1, v21;
	v4 =	vmax.f32 v56, v4;
	v9 =	vmax.f32 v9, v58  }
.Ltmp2:
0xac: {  	v2 =	vmax.f32 v59, v2;
	v1 =	vmin.f32 v1, v60;
	v3 =	vmin.f32 v3, v4;
	(pc) =	sbr.rel @p0 .LBB2_2-.Ltmp2, $4  }
0xad: {  	v63 =	vmax.f32 v9, v20;
	v1 =	vmin.f32 v1, v62;
	v3 =	vmin.f32 v5, v3  }
0xae: {  	v2 =	vmin.f32 v2, v63;
	v1 =	vmin.f32 v1, v3  }
0xaf: {  	s14 =	sshrl.u32 s14, $0x2;
	v1 =	vmin.f32 v1, v2  }
0xb0: {  	[tilespmem:s14+$0x2000] =	vst v1  }
0xb1: {  	s12 =	sadd.s32 $0x1, s12  }
0xb2: {  	p0 =	sne.s32 s12, s5  }
.Ltmp3:
0xb3: {  	_ = 	snop;
	(pc) =	sbr.rel @p0 .LBB2_1-.Ltmp3, $4  }
0xb4: {  	[hbm4b:s4+s2] =	stream.linear.scatter [tilespmem:s10], [sflag:$0x3], $0x300, $0x38;
	[tilespmem:$0x2400] =	vst v63  }
0xb5: {  	_ =	swait.ge [sflag:s11], $0x300  }
0xb6: {  	[sflag:s11] =	ssyncset.done $0x0  }
0xb7: {  	[sflag:s11] =	ssyncadd.s32 $0xFFFFFD00  }
0xb8: {  	_ =	sfence.sel $0x180000  }
0xb9: {  	[bflag:$0x0] =	sbarrier.arrive $0xFFFF  }
0xba: {  	p0 =	sne.s32 s0, $0x0;
	_ =	strace $0x9000004D  }
0xbb: {  	s0 =	sadd.s32 @!p0 $0x100000, s1;
	[bflag:$0x2] =	sbarrier.arrive $0xFFFF  }
0xbc: {  	[sflag:s0] =	ssyncadd.tile.s32 @!p0 $0x1;
	_ =	shalt  }
.Lfunc_end2:
_tile_overlayer_lowered:
.L_overlay_start_2:
0xbd: {  	(tag) =	ssettag $0x2  }
0xbe: {  	s0 =	rddreg [dreg:$0x0];
	s2 =	stileid.u32  }
0xbf: {  	s1 =	rddreg [dreg:$0x1];
	p0 =	sne.s32 s2, $0x0  }
0xc0: {  	s3 =	rddreg [dreg:$0x2];
	[bflag:$0x3] =	sbarrier.arrive $0xFFFF;
	s2 =	simm.s32 @!p0 $0x1C03  }
0xc1: {  	[timem:s3], [sflag:s2] =	dma.local @!p0 [hbm:s0], s1  }
0xc2: {  	s0 =	simm.s32 @!p0 $0x3  }
0xc3: {  	_ =	swait.ge @!p0 [sflag:s0], s1  }
0xc4: {  	s1 =	ssub.s32 @!p0 $0x0, s1;
	[sflag:s0] =	ssyncset.done @!p0 $0x0  }
0xc5: {  	[sflag:s0] =	ssyncadd.s32 @!p0 s1  }
0xc6: {  	[bflag:$0x3] =	sbarrier.arrive $0xFFFF  }
0xc7: {  	_ =	shalt  }

// kernel: kernel.8.cloned.1.call-start
scs
__scs_entry_jumppad:
0x0: {  	(pc) =	sbr.rel $0x88, $3  }
0x1: {  	(tag) =	ssettag $0x0;
	lr =	simm.s32 $0x1  }
0x2: {  	[smem:$0x3F9F] =	sst lr;
	_ =	strace $0xD0000000  }
0x3: {  	_ = 	snop  }
0x4: {  	_ = 	snop  }
0x5: {  	_ = 	snop  }
0x6: {  	_ = 	snop  }
0x7: {  	_ = 	snop  }
__scs_overlays_trampoline_lowered:
0x8: {  	[smem:$0x3FAE] =	sst s0  }
0x9: {  	[smem:$0x3FAF] =	sst s1  }
0xa: {  	[smem:$0x3FB0] =	sst s2  }
0xb: {  	[smem:$0x3FB1] =	sst s3  }
0xc: {  	[smem:$0x3FB2] =	sst s4  }
0xd: {  	[smem:$0x3FB3] =	sst s5  }
0xe: {  	[smem:$0x3FB4] =	sst s6  }
0xf: {  	[smem:$0x3FB5] =	sst s7  }
0x10: {  	[smem:$0x3FB6] =	sst s8  }
0x11: {  	[smem:$0x3FB7] =	sst s9;
	s0 =	simm.s32 @!p0 $0x0  }
0x12: {  	s1 =	sld [smem:$0x3F9D];
	s0 =	simm.s32 @p0 $0x1  }
0x13: {  	[smem:$0x3FB8] =	sst s0;
	s0 =	simm.s32 @!p1 $0x0  }
0x14: {  	s2 =	sld [smem:$0x3F9C];
	s0 =	simm.s32 @p1 $0x1  }
0x15: {  	[smem:$0x3FB9] =	sst s0;
	s0 =	simm.s32 @!p2 $0x0  }
0x16: {  	s3 =	sld [smem:$0x3FDB];
	s0 =	simm.s32 @p2 $0x1  }
0x17: {  	s4 =	simm.s32 $0x1BF5;
	[smem:$0x3FBB] =	sst s0  }
0x18: {  	s0 =	sld [smem:$0x3F9E];
	_ =	swait.ge [sflag:s4], $0x0  }
0x19: {  	s7 =	sld [smem:$0x3F9F]  }
0x1a: {  	s8 =	sadd.s32 $0xFFFFE003, lr  }
0x1b: {  	s9 =	sadd.s32 $0xFFFFFEF7, lr;
	s5 =	simm.s32 $0xFFFFFFFF;
	p2 =	slt.u32 s8, $0xFFFFF086  }
0x1c: {  	p1 =	slt.u32 s9, $0xF7A;
	s5 =	simm.s32 @!p2 $0x0  }
0x1d: {  	s5 =	simm.s32 @p1 $0x1;
	p0 =	seq.s32 s7, s2  }
0x1e: {  	s7 =	smul.u32 @!p0 $0xF7A, s2;
	p2 =	seq.s32 @!p0 s5, $0x0  }
0x1f: {  	s9 =	smul.u32 $0xF7A, s1;
	s8 =	simm.s32 @!p0 $0x1BF5;
	p2 =	por !p2, p0  }
0x20: {  	[sflag:s8] =	ssyncset.s32 @!p0 $0xFFFFF086;
	s6 =	sadd.s32 @!p0 s3, s7;
	s7 =	simm.s32 @!p0 $0x108  }
0x21: {  	s3 =	sadd.s32 s3, s9;
	s6 =	sadd.s32 @!p0 $0x88, s6;
	s7 =	simm.s32 @p2 $0x1082  }
0x22: {  	[simem:s7], [sflag:s8] =	dma.local @!p0 [hbm:s6], $0xF7A  }
0x23: {  	s9 =	sor.u32 $0xD0000000, s2;
	s6 =	simm.s32 $0x108;
	_ =	swait.ge @!p0 [sflag:s8], $0x0  }
0x24: {  	s3 =	sadd.s32 $0x88, s3;
	s6 =	simm.s32 @!p1 $0x1082;
	[sflag:s4] =	ssyncset.s32 $0xFFFFF086  }
0x25: {  	[simem:s6], [sflag:s4] =	dma.local [hbm:s3], $0xF7A  }
0x26: {  	[smem:$0x3F9F] =	sst s1;
	(tag) =	ssettag s2;
	_ =	strace s9  }
0x27: {  	s1 =	sld [smem:$0x3FAF]  }
0x28: {  	s2 =	sld [smem:$0x3FB0]  }
0x29: {  	s4 =	sld [smem:$0x3FB2]  }
0x2a: {  	p0 =	seq.s32 s5, $0x0;
	s5 =	sld [smem:$0x3FB3]  }
0x2b: {  	s6 =	sld [smem:$0x3FB4]  }
0x2c: {  	s7 =	sld [smem:$0x3FB5]  }
0x2d: {  	s3 =	simm.s32 $0x108;
	s8 =	sld [smem:$0x3FB6]  }
0x2e: {  	s3 =	simm.s32 @!p0 $0x1082;
	s9 =	sld [smem:$0x3FB7]  }
0x2f: {  	lr =	sadd.s32 s0, s3;
	s0 =	sld [smem:$0x3FAE]  }
0x30: {  	s3 =	sld [smem:$0x3FB1]  }
0x31: {  	[smem:$0x3FBA] =	sst s10  }
0x32: {  	s10 =	sld [smem:$0x3FB8];
	_ =	sdelay $0x3  }
0x33: {  	p0 =	seq.s32 s10, $0x1;
	s10 =	sld [smem:$0x3FBA];
	_ =	sdelay $0x3  }
0x34: {  	[smem:$0x3FBA] =	sst s10  }
0x35: {  	s10 =	sld [smem:$0x3FB9];
	_ =	sdelay $0x3  }
0x36: {  	p1 =	seq.s32 s10, $0x1;
	s10 =	sld [smem:$0x3FBA];
	_ =	sdelay $0x3  }
0x37: {  	[smem:$0x3FBA] =	sst s10  }
0x38: {  	s10 =	sld [smem:$0x3FBB]  }
0x39: {  	_ = 	snop;
	(pc) =	sbr.ind lr, $3  }
0x3a: {  	_ = 	snop  }
0x3b: {  	_ = 	snop  }
0x3c: {  	p2 =	seq.s32 s10, $0x1;
	s10 =	sld [smem:$0x3FBA]  }
0x3d: {  	_ =	shalt  }
0x3e: {  	_ =	shalt  }
0x3f: {  	_ =	shalt  }
0x40: {  	_ =	shalt  }
0x41: {  	_ =	shalt  }
0x42: {  	_ =	shalt  }
0x43: {  	_ =	shalt  }
0x44: {  	_ =	shalt  }
0x45: {  	_ =	shalt  }
0x46: {  	_ =	shalt  }
0x47: {  	_ =	shalt  }
0x48: {  	_ =	shalt  }
0x49: {  	_ =	shalt  }
0x4a: {  	_ =	shalt  }
0x4b: {  	_ =	shalt  }
0x4c: {  	_ =	shalt  }
0x4d: {  	_ =	shalt  }
0x4e: {  	_ =	shalt  }
0x4f: {  	_ =	shalt  }
0x50: {  	_ =	shalt  }
0x51: {  	_ =	shalt  }
0x52: {  	_ =	shalt  }
0x53: {  	_ =	shalt  }
0x54: {  	_ =	shalt  }
0x55: {  	_ =	shalt  }
0x56: {  	_ =	shalt  }
0x57: {  	_ =	shalt  }
0x58: {  	_ =	shalt  }
0x59: {  	_ =	shalt  }
0x5a: {  	_ =	shalt  }
0x5b: {  	_ =	shalt  }
0x5c: {  	_ =	shalt  }
0x5d: {  	_ =	shalt  }
0x5e: {  	_ =	shalt  }
0x5f: {  	_ =	shalt  }
0x60: {  	_ =	shalt  }
0x61: {  	_ =	shalt  }
0x62: {  	_ =	shalt  }
0x63: {  	_ =	shalt  }
0x64: {  	_ =	shalt  }
0x65: {  	_ =	shalt  }
0x66: {  	_ =	shalt  }
0x67: {  	_ =	shalt  }
0x68: {  	_ =	shalt  }
0x69: {  	_ =	shalt  }
0x6a: {  	_ =	shalt  }
0x6b: {  	_ =	shalt  }
0x6c: {  	_ =	shalt  }
0x6d: {  	_ =	shalt  }
0x6e: {  	_ =	shalt  }
0x6f: {  	_ =	shalt  }
0x70: {  	_ =	shalt  }
0x71: {  	_ =	shalt  }
0x72: {  	_ =	shalt  }
0x73: {  	_ =	shalt  }
0x74: {  	_ =	shalt  }
0x75: {  	_ =	shalt  }
0x76: {  	_ =	shalt  }
0x77: {  	_ =	shalt  }
0x78: {  	_ =	shalt  }
0x79: {  	_ =	shalt  }
0x7a: {  	_ =	shalt  }
0x7b: {  	_ =	shalt  }
0x7c: {  	_ =	shalt  }
0x7d: {  	_ =	shalt  }
0x7e: {  	_ =	shalt  }
0x7f: {  	_ =	shalt  }
0x80: {  	_ =	shalt  }
0x81: {  	_ =	shalt  }
0x82: {  	_ =	shalt  }
0x83: {  	_ =	shalt  }
0x84: {  	_ =	shalt  }
0x85: {  	_ =	shalt  }
0x86: {  	_ =	shalt  }
0x87: {  	_ =	shalt  }
.Lfunc_end0:
.L_simem_size_0:
called_computation_lowered:
.L_overlay_start_0:
0x88: {  	s2 =	sld [smem:$0x3FD9]  }
0x89: {  	s3 =	sld [smem:$0x3FFE];
	_ =	sdelay $0x1  }
0x8a: {  	s1 =	srdreg.scid  }
0x8b: {  	s0 =	sand.u32 $0x1, s1  }
0x8c: {  	s16 =	sshll.u32 s0, $0xA;
	s2 =	sadd.s32 s3, s2  }
0x8d: {  	s2 =	sadd.s32 s2, s16  }
0x8e: {  	[smem:$0x3FC6] =	sst s2  }
0x8f: {  	_ = 	snop  }
0x90: {  	(tm) =	ssettm $0x1  }
0x91: {  	s17 =	sld [smem:$0x3FFB];
	_ =	sdelay $0x3  }
0x92: {  	_ =	strace s17  }
0x93: {  	s2 =	sld [smem:$0x3FFC];
	_ =	sdelay $0x3  }
0x94: {  	_ =	strace s2  }
0x95: {  	s2 =	sld [smem:$0x3FFD];
	_ =	sdelay $0x3  }
0x96: {  	_ =	strace s2  }
0x97: {  	_ =	strace $0x8FFFFFFF  }
0x98: {  	s18 =	sld [smem:$0x3FDB];
	_ =	sdelay $0x1  }
0x99: {  	s19 =	simm.s32 $_scs_section_size  }
0x9a: {  	s4 =	simm.s32 $_size__tile_overlayer_lowered;
	s5 =	simm.s32 $_tile_overlayer_lowered  }
0x9b: {  	s22 =	simm.s32 $0x1BFF;
	s21 =	sshll.u32 s5, $0x1;
	s2 =	sadd.s32 s19, s18  }
0x9c: {  	s6 =	simm.s32 $0x0;
	s20 =	sshll.u32 s4, $0x1;
	s4 =	sadd.s32 s21, s2  }
0x9d: {  	[timem:s6], [sflag:s22] =	dma.local [hbm:s4], s20  }
0x9e: {  	_ =	swait.ge [sflag:s22], s20  }
0x9f: {  	s3 =	ssub.s32 $0x0, s20;
	[sflag:s22] =	ssyncset.done $0x0  }
0xa0: {  	[sflag:s22] =	ssyncadd.s32 s3;
	_ =	sdelay $0x1  }
0xa1: {  	s23 =	simm.s32 $0x1B8B  }
0xa2: {  	_ =	swait.ge [sflag:s23], $0x1  }
0xa3: {  	[sflag:s23] =	ssyncset.done $0x0  }
0xa4: {  	s25 =	simm.s32 $0x1B8E;
	s24 =	sld [smem:$0x3FFE];
	[sflag:s23] =	ssyncadd.s32 $0xFFFFFFFF  }
0xa5: {  	s26 =	simm.s32 $execute0_lowered;
	[smem:$0x3FD2] =	sst s25  }
0xa6: {  	s4 =	sshll.u32 s26, $0x1;
	_ =	strace $0x80000046;
	[dreg:$0x1] =	wrdreg $0xFFFFFFFF  }
0xa7: {  	s28 =	simm.s32 $_size_execute0_lowered;
	s2 =	sadd.s32 s2, s4;
	[dreg:$0x0] =	wrdreg $0x0  }
0xa8: {  	s4 =	sshll.u32 s28, $0x1;
	[dreg:$0x2] =	wrdreg s2  }
0xa9: {  	[dreg:$0x3] =	wrdreg s4  }
0xaa: {  	[dreg:$0x4] =	wrdreg $0xC0  }
0xab: {  	_ =	task [dreg:s6], $0x5FFFF  }
0xac: {  	[dreg:$0x1] =	wrdreg $0xFFFFFFFF  }
0xad: {  	[dreg:$0x0] =	wrdreg $0x60  }
0xae: {  	[dreg:$0x2] =	wrdreg s24  }
0xaf: {  	[dreg:$0x3] =	wrdreg $0x9  }
0xb0: {  	_ =	task.clear_ibuf [dreg:s6], $0x4FFFF;
	_ =	strace $0x90000046  }
0xb1: {  	s29 =	simm.s32 $0x9;
	_ =	strace $0x80000048  }
0xb2: {  	_ =	swait.ge [sflag:s29], $0x1  }
0xb3: {  	[sflag:s29] =	ssyncadd.s32 $0xFFFFFFFF  }
0xb4: {  	_ =	strace $0x90000048  }
0xb5: {  	_ =	sfence  }
0xb6: {  	s30 =	sld [smem:$0x0];
	_ =	sdelay $0x2  }
0xb7: {  	s31 =	sshll.u32 s1, $0xD;
	s1 =	sshrl.u32 s1, $0x2  }
0xb8: {  	s3 =	sand.u32 $0x4000, s31;
	s1 =	sadd.s32 s1, s30  }
0xb9: {  	s0 =	sor.u32 s3, s0;
	s1 =	sshll.u32 s1, $0x11  }
0xba: {  	s0 =	sor.u32 s1, s0  }
0xbb: {  	s0 =	sadd.s32 $0x8F2B, s0  }
0xbc: {  	[sflag:s0] =	ssyncadd.remote.s32 $0x1  }
0xbd: {  	_ =	sfence.sel $0xFFFF  }
0xbe: {  	[dreg:$0x0] =	wrdreg $0xFFFFFFFF;
	(pc) =	sbr.abs _section_cstart, $3  }
0xbf: {  	[dreg:$0x1] =	wrdreg $0xFFFFFFFF  }
0xc0: {  	_ =	task.clear_ibuf [dreg:s6], $0x2FFFF;
	_ =	strace $0x9FFFFFFF  }
0xc1: {  	(tm) =	ssettm $0x7FFFFFFF  }
tec
execute0_lowered:
.L_overlay_start_1:
0x0: {  	(tag) =	ssettag $0x1  }
0x1: {  	v0 =	vimm.s32 $0xB80;
	vm0 =	vcmask $0x300  }
0x2: {  	vm14 =	vcmask $0x704;
	v0 =	vsel vm0, $0x0, v0  }
0x3: {  	vm15 =	vcmask $0xB08;
	v0 =	vsel vm14, $0x80, v0  }
0x4: {  	vm4 =	vcmask $0xF0C;
	v0 =	vsel vm15, $0x100, v0  }
0x5: {  	vm5 =	vcmask $0x1310;
	v0 =	vsel vm4, $0x180, v0  }
0x6: {  	vm6 =	vcmask $0x1714;
	v0 =	vsel vm5, $0x200, v0  }
0x7: {  	s3 =	rddreg [dreg:$0x0];
	vm7 =	vcmask $0x1B18;
	v0 =	vsel vm6, $0x280, v0  }
0x8: {  	s0 =	rddreg [dreg:$0x1];
	s4 =	srdreg.scid;
	vm8 =	vcmask $0x1F1C;
	v0 =	vsel vm7, $0x300, v0  }
0x9: {  	s1 =	stileid.u32;
	s2 =	simm.s32 $0x0;
	vm9 =	vcmask $0x2320;
	s8 =	simm.s32 $0x1;
	v0 =	vsel vm8, $0x380, v0  }
0xa: {  	vm10 =	vcmask $0x2724;
	s9 =	simm.s32 $0x2;
	s10 =	simm.s32 $0x2000;
	s11 =	simm.s32 $0x3;
	v0 =	vsel vm9, $0x800, v0  }
0xb: {  	vm11 =	vcmask $0x2B28;
	s4 =	sand.u32 $0x1, s4;
	s5 =	sshll.u32 s1, $0x1;
	[smem:$0x7FF] =	sst s2;
	v0 =	vsel vm10, $0x880, v0  }
0xc: {  	vm12 =	vcmask $0x2F2C;
	s12 =	simm.s32 $0x0;
	s5 =	sor.u32 s4, s5;
	_ =	strace $0x80000047;
	v0 =	vsel vm11, $0x900, v0  }
0xd: {  	vm13 =	vcmask $0x3330;
	s4 =	ssub.s32 $0x2, s4;
	s6 =	sshll.u32 s5, $0xD;
	s5 =	sshll.u32 s5, $0x8;
	v0 =	vsel vm12, $0x980, v0  }
0xe: {  	vm14 =	vcmask $0x3734;
	s7 =	sshrl.u32 s4, $0x1;
	s6 =	sadd.s32 s6, s3;
	s5 =	sadd.s32 s5, s3;
	v0 =	vsel vm13, $0xA00, v0  }
0xf: {  	vm15 =	vcmask $0x3B38;
	s7 =	ssub.s32 s4, s7;
	s3 =	sadd.s32 $0x1C00, s6;
	s4 =	sadd.s32 $0x2000, s6;
	v0 =	vsel vm14, $0xA80, v0  }
0x10: {  	s5 =	sadd.s32 $0x81C00, s5;
	s6 =	smax.u32 s7, $0x1;
	s7 =	simm.s32 $0x1000;
	v0 =	vsel vm15, $0xB00, v0  }
.LBB2_1:
0x11: {  	[tilespmem:s2], [sflag:$0x1] =	stream.linear.gather [hbm4b:s3+s2], $0x1000, $0x38;
	[tilespmem:$0x2800] =	vst v63  }
0x12: {  	s13 =	simm.s32 $0x0  }
.LBB2_2:
0x13: {  	s16 =	simm.s32 $0x0  }
0x14: {  	v1 =	vmov s16  }
0x15: {  	s15 =	sshll.u32 s13, $0xA;
	v1 =	vadd.s32 $0x64, v1  }
0x16: {  	s14 =	sor.u32 $0x200, s15;
	v2 =	vshll.u32 v1, $0x3  }
0x17: {  	s17 =	simm.s32 $0x1;
	v3 =	vor.u32 s16, v0;
	s18 =	sadd.s32 s14, s3;
	v1 =	vand.u32 $0x7E, v1;
	v2 =	vand.u32 $0x400, v2  }
0x18: {  	v5 =	vor.u32 s17, v0;
	[tilespmem:s7], [sflag:$0x2] =	stream.linear.gather [hbm4b:s18+s16], $0x1000, $0x38;
	v1 =	vor.u32 v2, v1;
	v2 =	vmov s17;
	[tilespmem:$0x2800] =	vst v63  }
0x19: {  	_ =	swait.ge [sflag:s8], $0x1000;
	v1 =	vor.u32 v0, v1;
	v2 =	vadd.s32 $0x64, v2  }
0x1a: {  	[sflag:s8] =	ssyncset.done $0x0;
	v4 =	vshll.u32 v2, $0x3  }
0x1b: {  	[sflag:s8] =	ssyncadd.s32 $0xFFFFF000;
	v2 =	vand.u32 $0x7F, v2;
	v4 =	vand.u32 $0x400, v4  }
0x1c: {  	v3 =	vld.idx.msk [tilespmem:v3+s2+$0x0], $0xffff;
	v2 =	vor.u32 v4, v2  }
0x1d: {  	v7 =	vld.idx.msk [tilespmem:v5+s2+$0x0], $0xffff;
	v2 =	vor.u32 v0, v2  }
0x1e: {  	v1 =	vld.idx.msk [tilespmem:v1+s2+$0x0], $0xffff;
	_ =	sdelay $0x1  }
0x1f: {  	v6 =	vimm.f32 $-Inf;
	v21 =	vimm.f32 $-Inf  }
0x20: {  	v19 =	vimm.f32 $-Inf;
	v8 =	vmax.f32 v6, v3;
	v11 =	vmin.f32 v6, v3  }
0x21: {  	v15 =	vimm.f32 $-Inf;
	v23 =	vmin.f32 v6, v11;
	v25 =	vmin.f32 v8, v7;
	v20 =	vld.idx.msk [tilespmem:v2+s2+$0x0], $0xffff  }
0x22: {  	v26 =	vmax.f32 v6, v11;
	v11 =	vimm.f32 $-Inf;
	v2 =	vmin.f32 v6, v1  }
0x23: {  	v24 =	vmax.f32 v6, v23;
	v22 =	vmax.f32 v6, v1;
	v1 =	vmin.f32 v6, v2  }
0x24: {  	v9 =	vmax.f32 v6, v2;
	v4 =	vmax.f32 v6, v1;
	v2 =	vmin.f32 v6, v1  }
0x25: {  	v1 =	vmax.f32 v8, v7;
	v7 =	vimm.f32 $-Inf;
	v12 =	vmin.f32 v6, v2  }
0x26: {  	v3 =	vmax.f32 v6, v2;
	v2 =	vmin.f32 v6, v12;
	v10 =	vmin.f32 v22, v20  }
0x27: {  	v16 =	vmax.f32 v6, v12;
	v12 =	vimm.f32 $-Inf;
	v5 =	vmax.f32 v6, v2  }
0x28: {  	v14 =	vmin.f32 v6, v2;
	v2 =	vmax.f32 v9, v10;
	v10 =	vmin.f32 v9, v10  }
0x29: {  	v13 =	vmax.f32 v6, v14;
	v14 =	vmin.f32 v6, v14;
	v8 =	vmin.f32 v4, v10  }
0x2a: {  	v18 =	vmax.f32 v6, v14;
	v9 =	vmin.f32 v6, v14;
	v14 =	vimm.f32 $-Inf  }
0x2b: {  	s16 =	simm.s32 $0x2;
	v17 =	vmax.f32 v6, v9;
	v27 =	vmin.f32 v6, v9;
	v9 =	vimm.f32 $-Inf  }
.LBB2_3:
0x2c: {  	s17 =	sadd.s32 $0x1, s16  }
0x2d: {  	p0 =	slt.u32 s16, $0x62;
	v23 =	vmin.f32 v6, v23;
	v21 =	vmax.f32 v21, v27;
	v27 =	vmax.f32 v22, v20;
	v28 =	vmovc v1;
	s18 =	smov.u32 s16;
	s16 =	sadd.s32 $0x2, s16  }
0x2e: {  	v29 =	vmax.f32 v26, v25;
	v6 =	vmov s17;
	v20 =	vor.u32 s17, v0  }
0x2f: {  	v25 =	vmin.f32 v26, v25;
	v30 =	vmax.f32 v12, v23;
	v22 =	vadd.s32 $0x64, v6  }
0x30: {  	v31 =	vmin.f32 v3, v8;
	v6 =	vmax.f32 v24, v25;
	v26 =	vshll.u32 v22, $0x3  }
0x31: {  	v32 =	vmin.f32 v16, v31;
	v22 =	vand.u32 $0x7F, v22;
	v26 =	vand.u32 $0x400, v26  }
0x32: {  	v33 =	vmov s18;
	v24 =	vmin.f32 v24, v25;
	v22 =	vor.u32 v26, v22  }
0x33: {  	v25 =	vadd.s32 $0x64, v33;
	v26 =	vmin.f32 v30, v24;
	v22 =	vor.u32 v0, v22  }
0x34: {  	v23 =	vmin.f32 v12, v23;
	v34 =	vmin.f32 v5, v32;
	v33 =	vshll.u32 v25, $0x3  }
0x35: {  	v12 =	vand.u32 $0x7E, v25;
	v25 =	vand.u32 $0x400, v33;
	v33 =	vmin.f32 v13, v34  }
0x36: {  	v35 =	vmax.f32 v7, v23;
	v25 =	vor.u32 v25, v12;
	v12 =	vmax.f32 v30, v24  }
0x37: {  	v24 =	vor.u32 s18, v0;
	v30 =	vmin.f32 v18, v33;
	v25 =	vor.u32 v0, v25  }
0x38: {  	v23 =	vmin.f32 v7, v23;
	v7 =	vmax.f32 v35, v26;
	v36 =	vmin.f32 v17, v30  }
0x39: {  	v37 =	vmax.f32 v19, v23;
	v19 =	vmin.f32 v19, v23;
	v23 =	vmin.f32 v35, v26  }
0x3a: {  	v26 =	vmax.f32 v15, v19;
	v15 =	vmin.f32 v15, v19;
	v19 =	vmin.f32 v37, v23  }
0x3b: {  	v35 =	vmax.f32 v11, v15;
	v11 =	vmin.f32 v11, v15;
	v21 =	vmax.f32 v21, v36  }
0x3c: {  	v33 =	vmax.f32 v18, v33;
	v36 =	vmax.f32 v14, v11;
	v11 =	vmin.f32 v14, v11;
	v25 =	vld.idx.msk [tilespmem:v25+s2+$0x0], $0xffff  }
0x3d: {  	v30 =	vmax.f32 v17, v30;
	v9 =	vmax.f32 v9, v11;
	v18 =	vld.idx.msk [tilespmem:v24+s2+$0x0], $0xffff;
	v24 =	vmax.f32 v13, v34  }
0x3e: {  	v10 =	vmax.f32 v4, v10;
	v4 =	vmin.f32 v26, v19;
	v13 =	vmax.f32 v5, v32;
	v17 =	vld.idx.msk [tilespmem:v20+s2+$0x0], $0xffff  }
0x3f: {  	v15 =	vmax.f32 v26, v19;
	v11 =	vmax.f32 v35, v4;
	v4 =	vmin.f32 v35, v4  }
0x40: {  	v16 =	vmax.f32 v16, v31;
	v19 =	vmax.f32 v37, v23;
	v5 =	vmin.f32 v36, v4;
	v20 =	vld.idx.msk [tilespmem:v22+s2+$0x0], $0xffff  }
0x41: {  	v8 =	vmax.f32 v3, v8;
	v14 =	vmax.f32 v36, v4;
	v9 =	vmax.f32 v9, v5  }
0x42: {  	v22 =	vmax.f32 v27, v25;
	v3 =	vmin.f32 v27, v25  }
0x43: {  	v25 =	vmax.f32 v1, v18;
	v26 =	vmax.f32 v2, v3;
	v1 =	vmin.f32 v2, v3  }
0x44: {  	v4 =	vmax.f32 v10, v1;
	v2 =	vmin.f32 v10, v1;
	v1 =	vmax.f32 v25, v17  }
0x45: {  	v28 =	vmin.f32 v28, v18;
	v3 =	vmax.f32 v8, v2;
	v31 =	vmin.f32 v8, v2  }
0x46: {  	v23 =	vmin.f32 v29, v28;
	v2 =	vmin.f32 v16, v31;
	v8 =	vmin.f32 v22, v20  }
.Ltmp0:
0x47: {  	v5 =	vmax.f32 v13, v2;
	v10 =	vmin.f32 v13, v2;
	v2 =	vmax.f32 v26, v8;
	(pc) =	sbr.rel @p0 .LBB2_3-.Ltmp0, $4  }
0x48: {  	v13 =	vmax.f32 v24, v10;
	v24 =	vmin.f32 v24, v10;
	v10 =	vmin.f32 v26, v8  }
0x49: {  	v25 =	vmin.f32 v25, v17;
	v18 =	vmax.f32 v33, v24;
	v8 =	vmin.f32 v33, v24  }
0x4a: {  	v17 =	vmax.f32 v30, v8;
	v27 =	vmin.f32 v30, v8;
	v8 =	vmin.f32 v4, v10  }
0x4b: {  	v16 =	vmax.f32 v16, v31;
	v26 =	vmax.f32 v29, v28;
	v24 =	vmax.f32 v6, v23  }
0x4c: {  	v6 =	vmin.f32 v6, v23;
	v21 =	vmax.f32 v21, v27  }
0x4d: {  	v20 =	vmax.f32 v22, v20;
	v22 =	vmax.f32 v26, v25;
	v25 =	vmin.f32 v26, v25  }
0x4e: {  	v26 =	vmin.f32 v3, v8;
	v4 =	vmax.f32 v4, v10;
	v3 =	vmax.f32 v3, v8  }
0x4f: {  	v23 =	vmax.f32 v12, v6;
	v27 =	vmax.f32 v24, v25;
	v28 =	vmin.f32 v16, v26  }
0x50: {  	v24 =	vmin.f32 v24, v25;
	v6 =	vmin.f32 v12, v6;
	v16 =	vmax.f32 v16, v26  }
0x51: {  	v25 =	vmin.f32 v23, v24;
	v12 =	vmin.f32 v5, v28;
	v30 =	vmax.f32 v7, v6  }
0x52: {  	v23 =	vmax.f32 v23, v24;
	v6 =	vmin.f32 v7, v6;
	v5 =	vmax.f32 v5, v28  }
0x53: {  	v29 =	vmin.f32 v13, v12;
	v7 =	vmax.f32 v30, v25;
	v32 =	vmax.f32 v19, v6  }
0x54: {  	v6 =	vmin.f32 v19, v6;
	v19 =	vmin.f32 v30, v25;
	v24 =	vmin.f32 v18, v29  }
0x55: {  	v25 =	vmax.f32 v15, v6;
	v6 =	vmin.f32 v15, v6;
	v15 =	vmin.f32 v32, v19  }
0x56: {  	v5 =	vmax.f32 v7, v5;
	v31 =	vmin.f32 v17, v24;
	v63 =	vmax.f32 v11, v6  }
0x57: {  	v6 =	vmin.f32 v11, v6;
	v10 =	vmin.f32 v25, v15;
	v11 =	vmax.f32 v21, v31  }
0x58: {  	v21 =	vmax.f32 v14, v6;
	v6 =	vmin.f32 v14, v6;
	v14 =	vmax.f32 v18, v29  }
0x59: {  	v6 =	vmax.f32 v9, v6;
	v9 =	vmax.f32 v13, v12;
	v12 =	vmax.f32 v17, v24  }
0x5a: {  	v13 =	vmax.f32 v25, v15;
	v15 =	vmax.f32 v63, v10;
	v10 =	vmin.f32 v63, v10  }
0x5b: {  	v17 =	vmax.f32 v32, v19;
	v1 =	vmax.f32 v1, v11;
	v11 =	vmax.f32 v27, v14  }
0x5c: {  	v18 =	vmin.f32 v21, v10;
	v8 =	vmax.f32 v21, v10;
	v10 =	vmax.f32 v22, v12  }
0x5d: {  	v9 =	vmax.f32 v23, v9;
	v7 =	vmax.f32 v17, v16;
	v3 =	vmax.f32 v13, v3  }
0x5e: {  	v4 =	vmax.f32 v15, v4;
	v6 =	vmax.f32 v6, v18;
	v2 =	vmax.f32 v8, v2  }
0x5f: {  	s16 =	simm.s32 $0x0;
	v1 =	vmin.f32 v1, v10;
	v8 =	vmin.f32 v11, v9;
	v5 =	vmin.f32 v5, v7  }
0x60: {  	v7 =	vmov s16;
	v3 =	vmin.f32 v3, v4;
	v6 =	vmax.f32 v6, v20  }
0x61: {  	v4 =	vadd.s32 $0x64, v7;
	v1 =	vmin.f32 v1, v8;
	v3 =	vmin.f32 v5, v3  }
0x62: {  	v2 =	vmin.f32 v2, v6;
	v5 =	vshll.u32 v4, $0x3;
	v1 =	vmin.f32 v1, v3  }
0x63: {  	s17 =	sshrl.u32 s15, $0x2;
	p0 =	seq.s32 s13, $0x7;
	v3 =	vand.u32 $0x7E, v4;
	v4 =	vand.u32 $0x400, v5;
	v1 =	vmin.f32 v1, v2  }
0x64: {  	s18 =	simm.s32 $0x1;
	s15 =	sadd.s32 @!p0 s15, s4;
	v2 =	vor.u32 v4, v3;
	[tilespmem:s17+$0x2000] =	vst v1;
	s17 =	simm.s32 @!p0 $0x0;
	v3 =	vor.u32 s16, v0  }
0x65: {  	v1 =	vmov s18;
	v2 =	vor.u32 v0, v2;
	[tilespmem:s17], [sflag:$0x1] =	stream.linear.gather @!p0 [hbm4b:s15+s17], $0x1000, $0x38;
	[tilespmem:$0x2800] =	vst v63  }
0x66: {  	v5 =	vor.u32 s18, v0;
	v1 =	vadd.s32 $0x64, v1;
	_ =	swait.ge [sflag:s9], $0x1000  }
0x67: {  	v4 =	vshll.u32 v1, $0x3;
	[sflag:s9] =	ssyncset.done $0x0  }
0x68: {  	v1 =	vand.u32 $0x7F, v1;
	v4 =	vand.u32 $0x400, v4;
	[sflag:s9] =	ssyncadd.s32 $0xFFFFF000  }
0x69: {  	v1 =	vor.u32 v4, v1;
	v3 =	vld.idx.msk [tilespmem:v3+s7+$0x0], $0xffff  }
0x6a: {  	v1 =	vor.u32 v0, v1;
	v2 =	vld.idx.msk [tilespmem:v2+s7+$0x0], $0xffff  }
0x6b: {  	v7 =	vld.idx.msk [tilespmem:v5+s7+$0x0], $0xffff;
	_ =	sdelay $0x1  }
0x6c: {  	v19 =	vimm.f32 $-Inf;
	v6 =	vimm.f32 $-Inf  }
0x6d: {  	v21 =	vimm.f32 $-Inf;
	v15 =	vimm.f32 $-Inf;
	v8 =	vmax.f32 v6, v3  }
0x6e: {  	v20 =	vld.idx.msk [tilespmem:v1+s7+$0x0], $0xffff;
	v11 =	vmin.f32 v6, v3;
	v1 =	vmin.f32 v6, v2;
	v22 =	vmax.f32 v6, v2  }
0x6f: {  	v23 =	vmin.f32 v6, v11;
	v25 =	vmin.f32 v8, v7;
	v26 =	vmax.f32 v6, v11  }
0x70: {  	v11 =	vimm.f32 $-Inf;
	v2 =	vmin.f32 v6, v1;
	v9 =	vmax.f32 v6, v1  }
0x71: {  	v1 =	vmax.f32 v8, v7;
	v4 =	vmax.f32 v6, v2;
	v2 =	vmin.f32 v6, v2  }
0x72: {  	v24 =	vmax.f32 v6, v23;
	v7 =	vimm.f32 $-Inf;
	v13 =	vmin.f32 v6, v2  }
0x73: {  	v3 =	vmax.f32 v6, v2;
	v2 =	vmin.f32 v6, v13;
	v10 =	vmin.f32 v22, v20  }
0x74: {  	v16 =	vmax.f32 v6, v13;
	v13 =	vimm.f32 $-Inf;
	v5 =	vmax.f32 v6, v2  }
0x75: {  	v14 =	vmin.f32 v6, v2;
	v2 =	vmax.f32 v9, v10;
	v10 =	vmin.f32 v9, v10  }
0x76: {  	v12 =	vmax.f32 v6, v14;
	v14 =	vmin.f32 v6, v14;
	v8 =	vmin.f32 v4, v10  }
0x77: {  	v18 =	vmax.f32 v6, v14;
	v9 =	vmin.f32 v6, v14;
	v14 =	vimm.f32 $-Inf  }
0x78: {  	s15 =	simm.s32 $0x2;
	v17 =	vmax.f32 v6, v9;
	v27 =	vmin.f32 v6, v9;
	v9 =	vimm.f32 $-Inf  }
.LBB2_5:
0x79: {  	s16 =	sadd.s32 $0x1, s15  }
0x7a: {  	p0 =	slt.u32 s15, $0x62;
	v23 =	vmin.f32 v6, v23;
	v21 =	vmax.f32 v21, v27;
	v27 =	vmax.f32 v22, v20;
	v28 =	vmovc v1;
	s17 =	smov.u32 s15;
	s15 =	sadd.s32 $0x2, s15  }
0x7b: {  	v29 =	vmax.f32 v26, v25;
	v6 =	vmov s16;
	v20 =	vor.u32 s16, v0  }
0x7c: {  	v25 =	vmin.f32 v26, v25;
	v30 =	vmax.f32 v13, v23;
	v22 =	vadd.s32 $0x64, v6  }
0x7d: {  	v31 =	vmin.f32 v3, v8;
	v6 =	vmax.f32 v24, v25;
	v26 =	vshll.u32 v22, $0x3  }
0x7e: {  	v32 =	vmin.f32 v16, v31;
	v22 =	vand.u32 $0x7F, v22;
	v26 =	vand.u32 $0x400, v26  }
0x7f: {  	v33 =	vmov s17;
	v24 =	vmin.f32 v24, v25;
	v22 =	vor.u32 v26, v22  }
0x80: {  	v25 =	vadd.s32 $0x64, v33;
	v26 =	vmin.f32 v30, v24;
	v22 =	vor.u32 v0, v22  }
0x81: {  	v23 =	vmin.f32 v13, v23;
	v34 =	vmin.f32 v5, v32;
	v33 =	vshll.u32 v25, $0x3  }
0x82: {  	v13 =	vand.u32 $0x7E, v25;
	v25 =	vand.u32 $0x400, v33;
	v33 =	vmin.f32 v12, v34  }
0x83: {  	v35 =	vmax.f32 v7, v23;
	v25 =	vor.u32 v25, v13;
	v13 =	vmax.f32 v30, v24  }
0x84: {  	v24 =	vor.u32 s17, v0;
	v30 =	vmin.f32 v18, v33;
	v25 =	vor.u32 v0, v25  }
0x85: {  	v23 =	vmin.f32 v7, v23;
	v7 =	vmax.f32 v35, v26;
	v36 =	vmin.f32 v17, v30  }
0x86: {  	v37 =	vmax.f32 v19, v23;
	v19 =	vmin.f32 v19, v23;
	v23 =	vmin.f32 v35, v26  }
0x87: {  	v26 =	vmax.f32 v15, v19;
	v15 =	vmin.f32 v15, v19;
	v19 =	vmin.f32 v37, v23  }
0x88: {  	v35 =	vmax.f32 v11, v15;
	v11 =	vmin.f32 v11, v15;
	v21 =	vmax.f32 v21, v36  }
0x89: {  	v33 =	vmax.f32 v18, v33;
	v36 =	vmax.f32 v14, v11;
	v11 =	vmin.f32 v14, v11;
	v25 =	vld.idx.msk [tilespmem:v25+s7+$0x0], $0xffff  }
0x8a: {  	v30 =	vmax.f32 v17, v30;
	v9 =	vmax.f32 v9, v11;
	v18 =	vld.idx.msk [tilespmem:v24+s7+$0x0], $0xffff;
	v24 =	vmax.f32 v12, v34  }
0x8b: {  	v10 =	vmax.f32 v4, v10;
	v4 =	vmin.f32 v26, v19;
	v12 =	vmax.f32 v5, v32;
	v17 =	vld.idx.msk [tilespmem:v20+s7+$0x0], $0xffff  }
0x8c: {  	v15 =	vmax.f32 v26, v19;
	v11 =	vmax.f32 v35, v4;
	v4 =	vmin.f32 v35, v4  }
0x8d: {  	v16 =	vmax.f32 v16, v31;
	v19 =	vmax.f32 v37, v23;
	v5 =	vmin.f32 v36, v4;
	v20 =	vld.idx.msk [tilespmem:v22+s7+$0x0], $0xffff  }
0x8e: {  	v8 =	vmax.f32 v3, v8;
	v14 =	vmax.f32 v36, v4;
	v9 =	vmax.f32 v9, v5  }
0x8f: {  	v22 =	vmax.f32 v27, v25;
	v3 =	vmin.f32 v27, v25  }
0x90: {  	v25 =	vmax.f32 v1, v18;
	v26 =	vmax.f32 v2, v3;
	v1 =	vmin.f32 v2, v3  }
0x91: {  	v4 =	vmax.f32 v10, v1;
	v2 =	vmin.f32 v10, v1;
	v1 =	vmax.f32 v25, v17  }
0x92: {  	v28 =	vmin.f32 v28, v18;
	v3 =	vmax.f32 v8, v2;
	v31 =	vmin.f32 v8, v2  }
0x93: {  	v23 =	vmin.f32 v29, v28;
	v2 =	vmin.f32 v16, v31;
	v8 =	vmin.f32 v22, v20  }
.Ltmp1:
0x94: {  	v5 =	vmax.f32 v12, v2;
	v10 =	vmin.f32 v12, v2;
	v2 =	vmax.f32 v26, v8;
	(pc) =	sbr.rel @p0 .LBB2_5-.Ltmp1, $4  }
0x95: {  	v12 =	vmax.f32 v24, v10;
	v24 =	vmin.f32 v24, v10;
	v10 =	vmin.f32 v26, v8  }
0x96: {  	v25 =	vmin.f32 v25, v17;
	v18 =	vmax.f32 v33, v24;
	v8 =	vmin.f32 v33, v24  }
0x97: {  	v17 =	vmax.f32 v30, v8;
	v27 =	vmin.f32 v30, v8;
	v8 =	vmin.f32 v4, v10  }
0x98: {  	v16 =	vmax.f32 v16, v31;
	v26 =	vmax.f32 v29, v28;
	v24 =	vmax.f32 v6, v23  }
0x99: {  	v6 =	vmin.f32 v6, v23;
	v21 =	vmax.f32 v21, v27;
	v20 =	vmax.f32 v22, v20  }
0x9a: {  	v36 =	vmax.f32 v26, v25;
	v37 =	vmin.f32 v26, v25;
	v38 =	vmin.f32 v3, v8  }
0x9b: {  	v4 =	vmax.f32 v4, v10;
	v3 =	vmax.f32 v3, v8;
	v39 =	vmax.f32 v13, v6  }
0x9c: {  	v40 =	vmax.f32 v24, v37;
	v28 =	vmin.f32 v16, v38;
	v23 =	vmin.f32 v24, v37  }
0x9d: {  	v6 =	vmin.f32 v13, v6;
	v57 =	vmax.f32 v16, v38;
	v41 =	vmin.f32 v5, v28  }
0x9e: {  	v24 =	vmin.f32 v39, v23;
	v30 =	vmax.f32 v7, v6;
	v23 =	vmax.f32 v39, v23  }
0x9f: {  	v6 =	vmin.f32 v7, v6;
	v54 =	vmax.f32 v5, v28;
	v29 =	vmin.f32 v12, v41  }
0xa0: {  	v43 =	vmax.f32 v30, v24;
	v32 =	vmin.f32 v19, v6;
	v6 =	vmax.f32 v19, v6  }
0xa1: {  	v44 =	vmin.f32 v30, v24;
	v52 =	vmax.f32 v12, v41;
	v42 =	vmin.f32 v18, v29  }
0xa2: {  	v45 =	vmin.f32 v15, v32;
	v46 =	vmax.f32 v15, v32;
	v30 =	vmin.f32 v6, v44  }
0xa3: {  	v51 =	vmax.f32 v18, v29;
	v6 =	vmax.f32 v6, v44;
	v12 =	vmax.f32 v23, v52  }
0xa4: {  	v5 =	vmax.f32 v43, v54;
	v31 =	vmin.f32 v17, v42;
	v47 =	vmin.f32 v11, v45  }
0xa5: {  	v48 =	vmax.f32 v11, v45;
	v53 =	vmax.f32 v17, v42;
	v55 =	vmin.f32 v46, v30  }
0xa6: {  	v15 =	vmax.f32 v46, v30;
	v61 =	vmax.f32 v40, v51;
	v6 =	vmax.f32 v6, v57  }
0xa7: {  	v21 =	vmax.f32 v21, v31;
	v49 =	vmin.f32 v14, v47;
	v50 =	vmax.f32 v14, v47  }
0xa8: {  	v56 =	vmax.f32 v48, v55;
	v10 =	vmin.f32 v48, v55;
	v60 =	vmax.f32 v36, v53  }
0xa9: {  	v3 =	vmax.f32 v15, v3;
	v62 =	vmin.f32 v61, v12;
	v5 =	vmin.f32 v5, v6  }
0xaa: {  	s13 =	sadd.s32 $0x1, s13;
	v9 =	vmax.f32 v9, v49;
	v58 =	vmin.f32 v50, v10;
	v59 =	vmax.f32 v50, v10  }
0xab: {  	p0 =	sne.s32 s13, $0x8;
	v1 =	vmax.f32 v1, v21;
	v4 =	vmax.f32 v56, v4;
	v9 =	vmax.f32 v9, v58  }
.Ltmp2:
0xac: {  	v2 =	vmax.f32 v59, v2;
	v1 =	vmin.f32 v1, v60;
	v3 =	vmin.f32 v3, v4;
	(pc) =	sbr.rel @p0 .LBB2_2-.Ltmp2, $4  }
0xad: {  	v63 =	vmax.f32 v9, v20;
	v1 =	vmin.f32 v1, v62;
	v3 =	vmin.f32 v5, v3  }
0xae: {  	v2 =	vmin.f32 v2, v63;
	v1 =	vmin.f32 v1, v3  }
0xaf: {  	s14 =	sshrl.u32 s14, $0x2;
	v1 =	vmin.f32 v1, v2  }
0xb0: {  	[tilespmem:s14+$0x2000] =	vst v1  }
0xb1: {  	s12 =	sadd.s32 $0x1, s12  }
0xb2: {  	p0 =	sne.s32 s12, s6  }
.Ltmp3:
0xb3: {  	_ = 	snop;
	(pc) =	sbr.rel @p0 .LBB2_1-.Ltmp3, $4  }
0xb4: {  	[hbm4b:s5+s2] =	stream.linear.scatter [tilespmem:s10], [sflag:$0x3], $0x800, $0x38;
	[tilespmem:$0x2800] =	vst v63  }
0xb5: {  	_ =	swait.ge [sflag:s11], $0x800  }
0xb6: {  	[sflag:s11] =	ssyncset.done $0x0  }
0xb7: {  	[sflag:s11] =	ssyncadd.s32 $0xFFFFF800  }
0xb8: {  	_ =	sfence.sel $0x180000  }
0xb9: {  	[bflag:$0x0] =	sbarrier.arrive $0xFFFF  }
0xba: {  	p0 =	sne.s32 s1, $0x0;
	_ =	strace $0x90000047  }
0xbb: {  	s0 =	sadd.s32 @!p0 $0x100000, s0;
	[bflag:$0x2] =	sbarrier.arrive $0xFFFF  }
0xbc: {  	[sflag:s0] =	ssyncadd.tile.s32 @!p0 $0x1;
	_ =	shalt  }
.Lfunc_end2:
_tile_overlayer_lowered:
.L_overlay_start_2:
0xbd: {  	(tag) =	ssettag $0x2  }
0xbe: {  	s0 =	rddreg [dreg:$0x0];
	s2 =	stileid.u32  }
0xbf: {  	s1 =	rddreg [dreg:$0x1];
	p0 =	sne.s32 s2, $0x0  }
0xc0: {  	s3 =	rddreg [dreg:$0x2];
	[bflag:$0x3] =	sbarrier.arrive $0xFFFF;
	s2 =	simm.s32 @!p0 $0x1C03  }
0xc1: {  	[timem:s3], [sflag:s2] =	dma.local @!p0 [hbm:s0], s1  }
0xc2: {  	s0 =	simm.s32 @!p0 $0x3  }
0xc3: {  	_ =	swait.ge @!p0 [sflag:s0], s1  }
0xc4: {  	s1 =	ssub.s32 @!p0 $0x0, s1;
	[sflag:s0] =	ssyncset.done @!p0 $0x0  }
0xc5: {  	[sflag:s0] =	ssyncadd.s32 @!p0 s1  }
0xc6: {  	[bflag:$0x3] =	sbarrier.arrive $0xFFFF  }
0xc7: {  	_ =	shalt  }

</sc_bundles>
